<compile_context>
chip_gen: v7x
topology: tpu7x:2x2x1
jax: 0.10.2.dev20260603
libtpu: 0.0.44.dev20260713+nightly
codegen_flags: <defaults>
</compile_context>

<pallas_src>
import functools

import jax
import jax.numpy as jnp
import numpy as np
from jax import lax
from jax.experimental import pallas as pl
from jax.experimental.pallas import tpu as pltpu
from jax.experimental.pallas import tpu_sc as plsc

NUM_NEG = 5
LANES = 16
NUM_CORES = 2
NUM_SUBCORES = 16
NUM_WORKERS = NUM_CORES * NUM_SUBCORES
CHUNK = 128
HEAD_N = 16


@functools.lru_cache(maxsize=None)
def _zipf_constants(V: int):
    j = np.arange(1, V + 1, dtype=np.float64)
    w = j ** -0.75
    S = float(np.sum(w))
    zeta = float(S - 4.0 * V ** 0.25 - 0.5 * V ** -0.75)
    head = [float(x) for x in np.cumsum(w[:HEAD_N])]
    return S, zeta, head


def _sample_zipf(sample_id, V, S, zeta, head):
    h = sample_id.astype(jnp.uint32) * jnp.uint32(0x9E3779B9)
    h = h ^ (h >> jnp.uint32(16))
    h = h * jnp.uint32(0x85EBCA6B)
    h = h ^ (h >> jnp.uint32(13))
    h = h * jnp.uint32(0xC2B2AE35)
    h = h ^ (h >> jnp.uint32(16))
    u = (h & jnp.uint32(0xFFFFFF)).astype(jnp.float32) * jnp.float32(
        1.0 / 16777216.0
    )
    v = u * jnp.float32(S)
    t0 = (v - jnp.float32(zeta)) * jnp.float32(0.25)
    t1 = (v - jnp.float32(zeta) - jnp.float32(0.5) / (t0 * t0 * t0)) * jnp.float32(
        0.25
    )
    x1 = (t1 * t1) * (t1 * t1)
    idx_tail = x1.astype(jnp.int32)
    cnt = jnp.zeros(sample_id.shape, jnp.int32)
    for c in head:
        cnt = cnt + jnp.where(v >= jnp.float32(c), 1, 0).astype(jnp.int32)
    idx = jnp.where(v < jnp.float32(head[-1]), cnt, idx_tail)
    idx = jnp.minimum(jnp.maximum(idx, 0), V - 1)
    return idx


def _sc_sample_gather(output_weights, target_index):
    V, D = output_weights.shape
    (B,) = target_index.shape
    rows_per_worker = B // NUM_WORKERS
    nchunks = rows_per_worker // CHUNK
    S, zeta, head = _zipf_constants(V)

    def body(table, tgt, pos_out, neg_out, tgt_v, idx_v, pos_v, neg_v, sem):
        wid = lax.axis_index("s") * NUM_CORES + lax.axis_index("c")
        base = wid * rows_per_worker

        def chunk_body(c, _):
            cbase = base + c * CHUNK
            pltpu.sync_copy(tgt.at[pl.ds(cbase, CHUNK)], tgt_v)
            pltpu.async_copy(table.at[tgt_v], pos_v, sem).wait()
            pltpu.sync_copy(pos_v, pos_out.at[pl.ds(cbase, CHUNK)])
            for k in range(NUM_NEG):

                def gen(j, _):
                    lane = lax.iota(jnp.int32, LANES)
                    b_ids = cbase + j * LANES + lane
                    sid = b_ids * NUM_NEG + k
                    idx = _sample_zipf(sid, V, S, zeta, head)
                    t = tgt_v[pl.ds(j * LANES, LANES)]
                    wrapped = jnp.where(idx + 1 >= V, 0, idx + 1)
                    idx = jnp.where(idx == t, wrapped, idx)
                    idx_v[pl.ds(j * LANES, LANES)] = idx
                    return 0

                lax.fori_loop(0, CHUNK // LANES, gen, 0)
                pltpu.async_copy(table.at[idx_v], neg_v, sem).wait()
                pltpu.sync_copy(
                    neg_v, neg_out.at[pl.ds(k * B + cbase, CHUNK)]
                )
            return 0

        lax.fori_loop(0, nchunks, chunk_body, 0)

    mesh = plsc.VectorSubcoreMesh(core_axis_name="c", subcore_axis_name="s")
    sc = pl.kernel(
        body,
        out_type=[
            jax.ShapeDtypeStruct((B, D), jnp.float32),
            jax.ShapeDtypeStruct((NUM_NEG * B, D), jnp.float32),
        ],
        mesh=mesh,
        scratch_types=[
            pltpu.VMEM((CHUNK,), jnp.int32),
            pltpu.VMEM((CHUNK,), jnp.int32),
            pltpu.VMEM((CHUNK, D), jnp.float32),
            pltpu.VMEM((CHUNK, D), jnp.float32),
            pltpu.SemaphoreType.DMA,
        ],
    )
    return sc(output_weights, target_index)


def _softplus(x):
    return jnp.maximum(x, 0.0) + jnp.log(1.0 + jnp.exp(-jnp.abs(x)))


def _tc_loss(input_embedding, pos_rows, neg_rows, block_b=2048):
    B, D = input_embedding.shape

    def body(emb_ref, pos_ref, neg_ref, out_ref):
        pi = pl.program_id(0)
        e = emb_ref[...]
        p = pos_ref[...]
        pos_l = jnp.sum(e * p, axis=1, keepdims=True)
        total = jnp.sum(_softplus(-pos_l)) / B
        for k in range(NUM_NEG):
            nl = jnp.sum(e * neg_ref[k], axis=1, keepdims=True)
            total = total + jnp.sum(_softplus(nl)) / (B * NUM_NEG)
        total = jnp.reshape(total, (1, 1))

        @pl.when(pi == 0)
        def _():
            out_ref[...] = total

        @pl.when(pi != 0)
        def _():
            out_ref[...] += total

    grid = (B // block_b,)
    return pl.pallas_call(
        body,
        grid=grid,
        in_specs=[
            pl.BlockSpec((block_b, D), lambda i: (i, 0)),
            pl.BlockSpec((block_b, D), lambda i: (i, 0)),
            pl.BlockSpec((NUM_NEG, block_b, D), lambda i: (0, i, 0)),
        ],
        out_specs=pl.BlockSpec((1, 1), lambda i: (0, 0)),
        out_shape=jax.ShapeDtypeStruct((1, 1), jnp.float32),
    )(input_embedding, pos_rows, neg_rows)


def kernel(input_embedding, output_weights, target_index):
    B, D = input_embedding.shape
    tgt = target_index.astype(jnp.int32)
    pos_rows, neg_flat = _sc_sample_gather(output_weights, tgt)
    neg_rows = neg_flat.reshape(NUM_NEG, B, D)
    loss = _tc_loss(input_embedding, pos_rows, neg_rows)
    return loss[0, 0]

# --- scband reference (transcript-rebuilt; emitter-appended) ---
"""Pipeline reference for scband-sigmoid-bceloss-74500502716952 (READ-ONLY COPY).

The authoritative reference and input builder live on the scoring server;
editing this copy changes nothing except your own understanding.
"""

import jax, jax.numpy as jnp
import numpy as np

NUM_NEG = 5

def _distribution(vocab):
    # Zipf-like synthetic word frequencies, smoothed with 0.75 power (word2vec style)
    freqs = 1.0 / (jnp.arange(vocab, dtype=jnp.float32) + 1.0)
    d = freqs ** 0.75
    return d / d.sum()

def setup_inputs(seed: int = 0) -> dict:
    key = jax.random.key(seed)
    k1, k2, k3 = jax.random.split(key, 3)
    B, D, V = 16384, 128, 100000
    return {
        "input_embedding": jax.random.normal(k1, (B, D), dtype=jnp.float32),
        "output_weights": jax.random.normal(k2, (V, D), dtype=jnp.float32) * 0.02,
        "target_index": jax.random.randint(k3, (B,), 0, V, dtype=jnp.int64) if jax.config.jax_enable_x64 else jax.random.randint(k3, (B,), 0, V, dtype=jnp.int32),
    }

def reference(input_embedding, output_weights, target_index):
    B = input_embedding.shape[0]
    V = output_weights.shape[0]
    # negative sampling from unigram^0.75 distribution (multinomial analog)
    dist = _distribution(V)
    logp = jnp.log(dist)
    nkey = jax.random.key(42)
    neg_indices = jax.random.categorical(nkey, logp, shape=(B, NUM_NEG))
    # reject samples that collide with the positive target (deterministic fixup)
    collide = neg_indices == target_index[:, None]
    neg_indices = jnp.where(collide, (neg_indices + 1) % V, neg_indices)
    # positive logits: gather target rows, rowwise dot
    pos_embed = jnp.take(output_weights, target_index, axis=0)          # [B, D]
    pos_logits = jnp.sum(input_embedding * pos_embed, axis=1)           # [B]
    # negative logits: gather neg rows, batched matvec (bmm)
    neg_embed = jnp.take(output_weights, neg_indices, axis=0)           # [B, K, D]
    neg_logits = jnp.einsum('bkd,bd->bk', neg_embed, input_embedding)   # [B, K]
    # BCEWithLogitsLoss (mean reduction): label 1 -> softplus(-x), label 0 -> softplus(x)
    pos_loss = jnp.mean(jax.nn.softplus(-pos_logits))
    neg_loss = jnp.mean(jax.nn.softplus(neg_logits))
    return pos_loss + neg_loss

if __name__ == "__main__":
    import jax
    _d = setup_inputs()
    print(jax.jit(kernel)(*tuple(_d.values())))

</pallas_src>

<mosaic_0001>
#map = affine_map<(d0, d1) -> (0, 0)>
#map1 = affine_map<(d0, d1) -> (0)>
module attributes {stable_mosaic.version = 14 : i64} {
  func.func @body(%arg0: i32, %arg1: i32, %arg2: memref<100000x128xf32, #tpu.memory_space<hbm>>, %arg3: memref<16384xi32, #tpu.memory_space<hbm>>, %arg4: memref<16384x128xf32, #tpu.memory_space<hbm>>, %arg5: memref<81920x128xf32, #tpu.memory_space<hbm>>, %arg6: memref<128xi32, #tpu.memory_space<vmem>>, %arg7: memref<128xi32, #tpu.memory_space<vmem>>, %arg8: memref<128x128xf32, #tpu.memory_space<vmem>>, %arg9: memref<128x128xf32, #tpu.memory_space<vmem>>, %arg10: memref<!tpu.dma_semaphore, #tpu.memory_space<semaphore_mem>>) attributes {dimension_semantics = [#tpu.dimension_semantics<core_parallel>, #tpu.dimension_semantics<subcore_parallel>], iteration_bounds = array<i64: 2, 16>, scalar_prefetch = 0 : i64, scratch_operands = 5 : i64, tpu.core_type = #tpu.core_type<sc_vector_subcore>, window_params = [{transform_indices = #map}, {transform_indices = #map1}, {transform_indices = #map}, {transform_indices = #map}]} {
    %mul3A = arith.constant 2 : i32
    %mul3A_0 = arith.muli %arg1, %mul3A : i32
    %add3A = arith.addi %mul3A_0, %arg0 : i32
    %mul3A_1 = arith.constant 512 : i32
    %mul3A_2 = arith.muli %add3A, %mul3A_1 : i32
    %scan3A = arith.constant 0 : i32
    %scan3A_3 = arith.constant 0 : i32
    %scan3A_4 = arith.constant 4 : i32
    %scan3A_5 = arith.addi %scan3A_3, %scan3A_4 : i32
    %scan3A_6 = arith.constant 1 : i32
    %scan3A_7 = scf.for %scan3A_9 = %scan3A_3 to %scan3A_5 step %scan3A_6 iter_args(%scan3A_10 = %scan3A) -> (i32)  : i32 {
      %mul3A_11 = arith.constant 128 : i32
      %mul3A_12 = arith.muli %scan3A_9, %mul3A_11 : i32
      %add3A_13 = arith.addi %mul3A_2, %mul3A_12 : i32
      "tpu.region"() ({
        %run_scoped3A = tpu.sem_alloc : memref<!tpu.dma_semaphore, #tpu.memory_space<semaphore_mem>>
        %dma_start3A_94 = tpu.memref_slice %arg3[%add3A_13] : memref<16384xi32, #tpu.memory_space<hbm>> -> memref<128xi32, #tpu.memory_space<hbm>>
        %dma_start3A_95 = tpu.memref_slice %arg3[%add3A_13] : memref<16384xi32, #tpu.memory_space<hbm>> -> memref<128xi32, #tpu.memory_space<hbm>>
        tpu.enqueue_dma source(%dma_start3A_95 : memref<128xi32, #tpu.memory_space<hbm>>) target(%arg6 : memref<128xi32, #tpu.memory_space<vmem>>) target_semaphore(%run_scoped3A : memref<!tpu.dma_semaphore, #tpu.memory_space<semaphore_mem>>)
        %dma_wait3A_96 = tpu.memref_slice %arg3[%add3A_13] : memref<16384xi32, #tpu.memory_space<hbm>> -> memref<128xi32, #tpu.memory_space<hbm>>
        %dma_wait3A_97 = tpu.memref_slice %arg3[%add3A_13] : memref<16384xi32, #tpu.memory_space<hbm>> -> memref<128xi32, #tpu.memory_space<hbm>>
        tpu.wait_dma2 semaphore(%run_scoped3A : memref<!tpu.dma_semaphore, #tpu.memory_space<semaphore_mem>>) src(%dma_wait3A_97 : memref<128xi32, #tpu.memory_space<hbm>>) dst(%arg6 : memref<128xi32, #tpu.memory_space<vmem>>)
        tpu.yield
      }) : () -> ()
      %dma_start3A = arith.constant 0 : i32
      %dma_start3A_14 = arith.constant 0 : i32
      %dma_start3A_15 = tpu.memref_slice %arg2[%dma_start3A, %dma_start3A_14] : memref<100000x128xf32, #tpu.memory_space<hbm>> -> memref<100000x128xf32, #tpu.memory_space<hbm>>
      tpu.enqueue_indirect_dma source(%dma_start3A_15 : memref<100000x128xf32, #tpu.memory_space<hbm>>) target(%arg8 : memref<128x128xf32, #tpu.memory_space<vmem>>) offsets(%arg6 : memref<128xi32, #tpu.memory_space<vmem>>) semaphore(%arg10 : memref<!tpu.dma_semaphore, #tpu.memory_space<semaphore_mem>>)
      %dma_wait3A = arith.constant 0 : i32
      %dma_wait3A_16 = arith.constant 0 : i32
      %dma_wait3A_17 = tpu.memref_slice %arg2[%dma_wait3A, %dma_wait3A_16] : memref<100000x128xf32, #tpu.memory_space<hbm>> -> memref<100000x128xf32, #tpu.memory_space<hbm>>
      tpu.wait_indirect_dma semaphore(%arg10 : memref<!tpu.dma_semaphore, #tpu.memory_space<semaphore_mem>>) src(%dma_wait3A_17 : memref<100000x128xf32, #tpu.memory_space<hbm>>) dst(%arg8 : memref<128x128xf32, #tpu.memory_space<vmem>>)
      "tpu.region"() ({
        %run_scoped3A = tpu.sem_alloc : memref<!tpu.dma_semaphore, #tpu.memory_space<semaphore_mem>>
        %dma_start3A_94 = arith.constant 0 : i32
        %dma_start3A_95 = tpu.memref_slice %arg4[%add3A_13, %dma_start3A_94] : memref<16384x128xf32, #tpu.memory_space<hbm>> -> memref<128x128xf32, #tpu.memory_space<hbm>>
        %dma_start3A_96 = arith.constant 0 : i32
        %dma_start3A_97 = tpu.memref_slice %arg4[%add3A_13, %dma_start3A_96] : memref<16384x128xf32, #tpu.memory_space<hbm>> -> memref<128x128xf32, #tpu.memory_space<hbm>>
        tpu.enqueue_dma source(%arg8 : memref<128x128xf32, #tpu.memory_space<vmem>>) target(%dma_start3A_97 : memref<128x128xf32, #tpu.memory_space<hbm>>) target_semaphore(%run_scoped3A : memref<!tpu.dma_semaphore, #tpu.memory_space<semaphore_mem>>)
        %dma_wait3A_98 = arith.constant 0 : i32
        %dma_wait3A_99 = tpu.memref_slice %arg4[%add3A_13, %dma_wait3A_98] : memref<16384x128xf32, #tpu.memory_space<hbm>> -> memref<128x128xf32, #tpu.memory_space<hbm>>
        %dma_wait3A_100 = arith.constant 0 : i32
        %dma_wait3A_101 = tpu.memref_slice %arg4[%add3A_13, %dma_wait3A_100] : memref<16384x128xf32, #tpu.memory_space<hbm>> -> memref<128x128xf32, #tpu.memory_space<hbm>>
        tpu.wait_dma2 semaphore(%run_scoped3A : memref<!tpu.dma_semaphore, #tpu.memory_space<semaphore_mem>>) src(%arg8 : memref<128x128xf32, #tpu.memory_space<vmem>>) dst(%dma_wait3A_101 : memref<128x128xf32, #tpu.memory_space<hbm>>)
        tpu.yield
      }) : () -> ()
      %scan3A_18 = arith.constant 0 : i32
      %scan3A_19 = arith.constant 0 : i32
      %scan3A_20 = arith.constant 8 : i32
      %scan3A_21 = arith.addi %scan3A_19, %scan3A_20 : i32
      %scan3A_22 = arith.constant 1 : i32
      %scan3A_23 = scf.for %scan3A_94 = %scan3A_19 to %scan3A_21 step %scan3A_22 iter_args(%scan3A_95 = %scan3A_18) -> (i32)  : i32 {
        %iota3A = tpu.iota {dimensions = array<i32: 0>} : vector<16xi32>
        %mul3A_96 = arith.constant 16 : i32
        %mul3A_97 = arith.muli %scan3A_94, %mul3A_96 : i32
        %add3A_98 = arith.addi %add3A_13, %mul3A_97 : i32
        %add3A_99 = vector.broadcast %add3A_98 : i32 to vector<16xi32>
        %add3A_100 = arith.addi %add3A_99, %iota3A : vector<16xi32>
        %mul3A_101 = arith.constant 5 : i32
        %mul3A_102 = vector.broadcast %mul3A_101 : i32 to vector<16xi32>
        %mul3A_103 = arith.muli %add3A_100, %mul3A_102 : vector<16xi32>
        %add3A_104 = arith.constant 0 : i32
        %add3A_105 = vector.broadcast %add3A_104 : i32 to vector<16xi32>
        %add3A_106 = arith.addi %mul3A_103, %add3A_105 : vector<16xi32>
        %mul3A_107 = arith.constant -1640531527 : i32
        %mul3A_108 = vector.broadcast %mul3A_107 : i32 to vector<16xi32>
        %mul3A_109 = arith.muli %add3A_106, %mul3A_108 : vector<16xi32>
        %shift_right_logical3A = arith.constant 16 : i32
        %shift_right_logical3A_110 = vector.broadcast %shift_right_logical3A : i32 to vector<16xi32>
        %shift_right_logical3A_111 = arith.shrui %mul3A_109, %shift_right_logical3A_110 : vector<16xi32>
        %xor3A = arith.xori %mul3A_109, %shift_right_logical3A_111 : vector<16xi32>
        %mul3A_112 = arith.constant -2048144789 : i32
        %mul3A_113 = vector.broadcast %mul3A_112 : i32 to vector<16xi32>
        %mul3A_114 = arith.muli %xor3A, %mul3A_113 : vector<16xi32>
        %shift_right_logical3A_115 = arith.constant 13 : i32
        %shift_right_logical3A_116 = vector.broadcast %shift_right_logical3A_115 : i32 to vector<16xi32>
        %shift_right_logical3A_117 = arith.shrui %mul3A_114, %shift_right_logical3A_116 : vector<16xi32>
        %xor3A_118 = arith.xori %mul3A_114, %shift_right_logical3A_117 : vector<16xi32>
        %mul3A_119 = arith.constant -1028477387 : i32
        %mul3A_120 = vector.broadcast %mul3A_119 : i32 to vector<16xi32>
        %mul3A_121 = arith.muli %xor3A_118, %mul3A_120 : vector<16xi32>
        %shift_right_logical3A_122 = arith.constant 16 : i32
        %shift_right_logical3A_123 = vector.broadcast %shift_right_logical3A_122 : i32 to vector<16xi32>
        %shift_right_logical3A_124 = arith.shrui %mul3A_121, %shift_right_logical3A_123 : vector<16xi32>
        %xor3A_125 = arith.xori %mul3A_121, %shift_right_logical3A_124 : vector<16xi32>
        %and3A = arith.constant 16777215 : i32
        %and3A_126 = vector.broadcast %and3A : i32 to vector<16xi32>
        %and3A_127 = arith.andi %xor3A_125, %and3A_126 : vector<16xi32>
        %convert_element_type3A = arith.uitofp %and3A_127 : vector<16xi32> to vector<16xf32>
        %mul3A_128 = arith.constant 5.96046448E-8 : f32
        %mul3A_129 = vector.broadcast %mul3A_128 : f32 to vector<16xf32>
        %mul3A_130 = arith.mulf %convert_element_type3A, %mul3A_129 : vector<16xf32>
        %mul3A_131 = arith.constant 67.6899796 : f32
        %mul3A_132 = vector.broadcast %mul3A_131 : f32 to vector<16xf32>
        %mul3A_133 = arith.mulf %mul3A_130, %mul3A_132 : vector<16xf32>
        %sub3A = arith.constant -3.44128537 : f32
        %sub3A_134 = vector.broadcast %sub3A : f32 to vector<16xf32>
        %sub3A_135 = arith.subf %mul3A_133, %sub3A_134 : vector<16xf32>
        %mul3A_136 = arith.constant 2.500000e-01 : f32
        %mul3A_137 = vector.broadcast %mul3A_136 : f32 to vector<16xf32>
        %mul3A_138 = arith.mulf %sub3A_135, %mul3A_137 : vector<16xf32>
        %sub3A_139 = arith.constant -3.44128537 : f32
        %sub3A_140 = vector.broadcast %sub3A_139 : f32 to vector<16xf32>
        %sub3A_141 = arith.subf %mul3A_133, %sub3A_140 : vector<16xf32>
        %mul3A_142 = arith.mulf %mul3A_138, %mul3A_138 : vector<16xf32>
        %mul3A_143 = arith.mulf %mul3A_142, %mul3A_138 : vector<16xf32>
        %div3A = arith.constant 5.000000e-01 : f32
        %div3A_144 = vector.broadcast %div3A : f32 to vector<16xf32>
        %div3A_145 = arith.divf %div3A_144, %mul3A_143 : vector<16xf32>
        %sub3A_146 = arith.subf %sub3A_141, %div3A_145 : vector<16xf32>
        %mul3A_147 = arith.constant 2.500000e-01 : f32
        %mul3A_148 = vector.broadcast %mul3A_147 : f32 to vector<16xf32>
        %mul3A_149 = arith.mulf %sub3A_146, %mul3A_148 : vector<16xf32>
        %mul3A_150 = arith.mulf %mul3A_149, %mul3A_149 : vector<16xf32>
        %mul3A_151 = arith.mulf %mul3A_149, %mul3A_149 : vector<16xf32>
        %mul3A_152 = arith.mulf %mul3A_150, %mul3A_151 : vector<16xf32>
        %convert_element_type3A_153 = arith.fptosi %mul3A_152 : vector<16xf32> to vector<16xi32>
        %broadcast_in_dim3A = arith.constant 0 : i32
        %broadcast_in_dim3A_154 = vector.broadcast %broadcast_in_dim3A : i32 to vector<16xi32>
        %ge3A = arith.constant 1.000000e+00 : f32
        %ge3A_155 = vector.broadcast %ge3A : f32 to vector<16xf32>
        %ge3A_156 = arith.cmpf oge, %mul3A_133, %ge3A_155 : vector<16xf32>
        %jit3A = arith.constant 1 : i32
        %jit3A_157 = arith.constant 0 : i32
        %broadcast_in_dim3A_158 = vector.broadcast %jit3A : i32 to vector<16xi32>
        %broadcast_in_dim3A_159 = vector.broadcast %jit3A_157 : i32 to vector<16xi32>
        %select_n3A = arith.select %ge3A_156, %broadcast_in_dim3A_158, %broadcast_in_dim3A_159 : vector<16xi1>, vector<16xi32>
        %add3A_160 = arith.addi %broadcast_in_dim3A_154, %select_n3A : vector<16xi32>
        %ge3A_161 = arith.constant 1.59460354 : f32
        %ge3A_162 = vector.broadcast %ge3A_161 : f32 to vector<16xf32>
        %ge3A_163 = arith.cmpf oge, %mul3A_133, %ge3A_162 : vector<16xf32>
        %jit3A_164 = arith.constant 1 : i32
        %jit3A_165 = arith.constant 0 : i32
        %broadcast_in_dim3A_166 = vector.broadcast %jit3A_164 : i32 to vector<16xi32>
        %broadcast_in_dim3A_167 = vector.broadcast %jit3A_165 : i32 to vector<16xi32>
        %select_n3A_168 = arith.select %ge3A_163, %broadcast_in_dim3A_166, %broadcast_in_dim3A_167 : vector<16xi1>, vector<16xi32>
        %add3A_169 = arith.addi %add3A_160, %select_n3A_168 : vector<16xi32>
        %ge3A_170 = arith.constant 2.03329492 : f32
        %ge3A_171 = vector.broadcast %ge3A_170 : f32 to vector<16xf32>
        %ge3A_172 = arith.cmpf oge, %mul3A_133, %ge3A_171 : vector<16xf32>
        %jit3A_173 = arith.constant 1 : i32
        %jit3A_174 = arith.constant 0 : i32
        %broadcast_in_dim3A_175 = vector.broadcast %jit3A_173 : i32 to vector<16xi32>
        %broadcast_in_dim3A_176 = vector.broadcast %jit3A_174 : i32 to vector<16xi32>
        %select_n3A_177 = arith.select %ge3A_172, %broadcast_in_dim3A_175, %broadcast_in_dim3A_176 : vector<16xi1>, vector<16xi32>
        %add3A_178 = arith.addi %add3A_169, %select_n3A_177 : vector<16xi32>
        %ge3A_179 = arith.constant 2.38684821 : f32
        %ge3A_180 = vector.broadcast %ge3A_179 : f32 to vector<16xf32>
        %ge3A_181 = arith.cmpf oge, %mul3A_133, %ge3A_180 : vector<16xf32>
        %jit3A_182 = arith.constant 1 : i32
        %jit3A_183 = arith.constant 0 : i32
        %broadcast_in_dim3A_184 = vector.broadcast %jit3A_182 : i32 to vector<16xi32>
        %broadcast_in_dim3A_185 = vector.broadcast %jit3A_183 : i32 to vector<16xi32>
        %select_n3A_186 = arith.select %ge3A_181, %broadcast_in_dim3A_184, %broadcast_in_dim3A_185 : vector<16xi1>, vector<16xi32>
        %add3A_187 = arith.addi %add3A_178, %select_n3A_186 : vector<16xi32>
        %ge3A_188 = arith.constant 2.68591809 : f32
        %ge3A_189 = vector.broadcast %ge3A_188 : f32 to vector<16xf32>
        %ge3A_190 = arith.cmpf oge, %mul3A_133, %ge3A_189 : vector<16xf32>
        %jit3A_191 = arith.constant 1 : i32
        %jit3A_192 = arith.constant 0 : i32
        %broadcast_in_dim3A_193 = vector.broadcast %jit3A_191 : i32 to vector<16xi32>
        %broadcast_in_dim3A_194 = vector.broadcast %jit3A_192 : i32 to vector<16xi32>
        %select_n3A_195 = arith.select %ge3A_190, %broadcast_in_dim3A_193, %broadcast_in_dim3A_194 : vector<16xi1>, vector<16xi32>
        %add3A_196 = arith.addi %add3A_187, %select_n3A_195 : vector<16xi32>
        %ge3A_197 = arith.constant 2.94676542 : f32
        %ge3A_198 = vector.broadcast %ge3A_197 : f32 to vector<16xf32>
        %ge3A_199 = arith.cmpf oge, %mul3A_133, %ge3A_198 : vector<16xf32>
        %jit3A_200 = arith.constant 1 : i32
        %jit3A_201 = arith.constant 0 : i32
        %broadcast_in_dim3A_202 = vector.broadcast %jit3A_200 : i32 to vector<16xi32>
        %broadcast_in_dim3A_203 = vector.broadcast %jit3A_201 : i32 to vector<16xi32>
        %select_n3A_204 = arith.select %ge3A_199, %broadcast_in_dim3A_202, %broadcast_in_dim3A_203 : vector<16xi1>, vector<16xi32>
        %add3A_205 = arith.addi %add3A_196, %select_n3A_204 : vector<16xi32>
        %ge3A_206 = arith.constant 3.17913365 : f32
        %ge3A_207 = vector.broadcast %ge3A_206 : f32 to vector<16xf32>
        %ge3A_208 = arith.cmpf oge, %mul3A_133, %ge3A_207 : vector<16xf32>
        %jit3A_209 = arith.constant 1 : i32
        %jit3A_210 = arith.constant 0 : i32
        %broadcast_in_dim3A_211 = vector.broadcast %jit3A_209 : i32 to vector<16xi32>
        %broadcast_in_dim3A_212 = vector.broadcast %jit3A_210 : i32 to vector<16xi32>
        %select_n3A_213 = arith.select %ge3A_208, %broadcast_in_dim3A_211, %broadcast_in_dim3A_212 : vector<16xi1>, vector<16xi32>
        %add3A_214 = arith.addi %add3A_205, %select_n3A_213 : vector<16xi32>
        %ge3A_215 = arith.constant 3.38935757 : f32
        %ge3A_216 = vector.broadcast %ge3A_215 : f32 to vector<16xf32>
        %ge3A_217 = arith.cmpf oge, %mul3A_133, %ge3A_216 : vector<16xf32>
        %jit3A_218 = arith.constant 1 : i32
        %jit3A_219 = arith.constant 0 : i32
        %broadcast_in_dim3A_220 = vector.broadcast %jit3A_218 : i32 to vector<16xi32>
        %broadcast_in_dim3A_221 = vector.broadcast %jit3A_219 : i32 to vector<16xi32>
        %select_n3A_222 = arith.select %ge3A_217, %broadcast_in_dim3A_220, %broadcast_in_dim3A_221 : vector<16xi1>, vector<16xi32>
        %add3A_223 = arith.addi %add3A_214, %select_n3A_222 : vector<16xi32>
        %ge3A_224 = arith.constant 3.58180785 : f32
        %ge3A_225 = vector.broadcast %ge3A_224 : f32 to vector<16xf32>
        %ge3A_226 = arith.cmpf oge, %mul3A_133, %ge3A_225 : vector<16xf32>
        %jit3A_227 = arith.constant 1 : i32
        %jit3A_228 = arith.constant 0 : i32
        %broadcast_in_dim3A_229 = vector.broadcast %jit3A_227 : i32 to vector<16xi32>
        %broadcast_in_dim3A_230 = vector.broadcast %jit3A_228 : i32 to vector<16xi32>
        %select_n3A_231 = arith.select %ge3A_226, %broadcast_in_dim3A_229, %broadcast_in_dim3A_230 : vector<16xi1>, vector<16xi32>
        %add3A_232 = arith.addi %add3A_223, %select_n3A_231 : vector<16xi32>
        %ge3A_233 = arith.constant 3.75963569 : f32
        %ge3A_234 = vector.broadcast %ge3A_233 : f32 to vector<16xf32>
        %ge3A_235 = arith.cmpf oge, %mul3A_133, %ge3A_234 : vector<16xf32>
        %jit3A_236 = arith.constant 1 : i32
        %jit3A_237 = arith.constant 0 : i32
        %broadcast_in_dim3A_238 = vector.broadcast %jit3A_236 : i32 to vector<16xi32>
        %broadcast_in_dim3A_239 = vector.broadcast %jit3A_237 : i32 to vector<16xi32>
        %select_n3A_240 = arith.select %ge3A_235, %broadcast_in_dim3A_238, %broadcast_in_dim3A_239 : vector<16xi1>, vector<16xi32>
        %add3A_241 = arith.addi %add3A_232, %select_n3A_240 : vector<16xi32>
        %ge3A_242 = arith.constant 3.92519569 : f32
        %ge3A_243 = vector.broadcast %ge3A_242 : f32 to vector<16xf32>
        %ge3A_244 = arith.cmpf oge, %mul3A_133, %ge3A_243 : vector<16xf32>
        %jit3A_245 = arith.constant 1 : i32
        %jit3A_246 = arith.constant 0 : i32
        %broadcast_in_dim3A_247 = vector.broadcast %jit3A_245 : i32 to vector<16xi32>
        %broadcast_in_dim3A_248 = vector.broadcast %jit3A_246 : i32 to vector<16xi32>
        %select_n3A_249 = arith.select %ge3A_244, %broadcast_in_dim3A_247, %broadcast_in_dim3A_248 : vector<16xi1>, vector<16xi32>
        %add3A_250 = arith.addi %add3A_241, %select_n3A_249 : vector<16xi32>
        %ge3A_251 = arith.constant 4.08029652 : f32
        %ge3A_252 = vector.broadcast %ge3A_251 : f32 to vector<16xf32>
        %ge3A_253 = arith.cmpf oge, %mul3A_133, %ge3A_252 : vector<16xf32>
        %jit3A_254 = arith.constant 1 : i32
        %jit3A_255 = arith.constant 0 : i32
        %broadcast_in_dim3A_256 = vector.broadcast %jit3A_254 : i32 to vector<16xi32>
        %broadcast_in_dim3A_257 = vector.broadcast %jit3A_255 : i32 to vector<16xi32>
        %select_n3A_258 = arith.select %ge3A_253, %broadcast_in_dim3A_256, %broadcast_in_dim3A_257 : vector<16xi1>, vector<16xi32>
        %add3A_259 = arith.addi %add3A_250, %select_n3A_258 : vector<16xi32>
        %ge3A_260 = arith.constant 4.22636032 : f32
        %ge3A_261 = vector.broadcast %ge3A_260 : f32 to vector<16xf32>
        %ge3A_262 = arith.cmpf oge, %mul3A_133, %ge3A_261 : vector<16xf32>
        %jit3A_263 = arith.constant 1 : i32
        %jit3A_264 = arith.constant 0 : i32
        %broadcast_in_dim3A_265 = vector.broadcast %jit3A_263 : i32 to vector<16xi32>
        %broadcast_in_dim3A_266 = vector.broadcast %jit3A_264 : i32 to vector<16xi32>
        %select_n3A_267 = arith.select %ge3A_262, %broadcast_in_dim3A_265, %broadcast_in_dim3A_266 : vector<16xi1>, vector<16xi32>
        %add3A_268 = arith.addi %add3A_259, %select_n3A_267 : vector<16xi32>
        %ge3A_269 = arith.constant 4.36452723 : f32
        %ge3A_270 = vector.broadcast %ge3A_269 : f32 to vector<16xf32>
        %ge3A_271 = arith.cmpf oge, %mul3A_133, %ge3A_270 : vector<16xf32>
        %jit3A_272 = arith.constant 1 : i32
        %jit3A_273 = arith.constant 0 : i32
        %broadcast_in_dim3A_274 = vector.broadcast %jit3A_272 : i32 to vector<16xi32>
        %broadcast_in_dim3A_275 = vector.broadcast %jit3A_273 : i32 to vector<16xi32>
        %select_n3A_276 = arith.select %ge3A_271, %broadcast_in_dim3A_274, %broadcast_in_dim3A_275 : vector<16xi1>, vector<16xi32>
        %add3A_277 = arith.addi %add3A_268, %select_n3A_276 : vector<16xi32>
        %ge3A_278 = arith.constant 4.49572659 : f32
        %ge3A_279 = vector.broadcast %ge3A_278 : f32 to vector<16xf32>
        %ge3A_280 = arith.cmpf oge, %mul3A_133, %ge3A_279 : vector<16xf32>
        %jit3A_281 = arith.constant 1 : i32
        %jit3A_282 = arith.constant 0 : i32
        %broadcast_in_dim3A_283 = vector.broadcast %jit3A_281 : i32 to vector<16xi32>
        %broadcast_in_dim3A_284 = vector.broadcast %jit3A_282 : i32 to vector<16xi32>
        %select_n3A_285 = arith.select %ge3A_280, %broadcast_in_dim3A_283, %broadcast_in_dim3A_284 : vector<16xi1>, vector<16xi32>
        %add3A_286 = arith.addi %add3A_277, %select_n3A_285 : vector<16xi32>
        %ge3A_287 = arith.constant 4.62072659 : f32
        %ge3A_288 = vector.broadcast %ge3A_287 : f32 to vector<16xf32>
        %ge3A_289 = arith.cmpf oge, %mul3A_133, %ge3A_288 : vector<16xf32>
        %jit3A_290 = arith.constant 1 : i32
        %jit3A_291 = arith.constant 0 : i32
        %broadcast_in_dim3A_292 = vector.broadcast %jit3A_290 : i32 to vector<16xi32>
        %broadcast_in_dim3A_293 = vector.broadcast %jit3A_291 : i32 to vector<16xi32>
        %select_n3A_294 = arith.select %ge3A_289, %broadcast_in_dim3A_292, %broadcast_in_dim3A_293 : vector<16xi1>, vector<16xi32>
        %add3A_295 = arith.addi %add3A_286, %select_n3A_294 : vector<16xi32>
        %lt3A = arith.constant 4.62072659 : f32
        %lt3A_296 = vector.broadcast %lt3A : f32 to vector<16xf32>
        %lt3A_297 = arith.cmpf olt, %mul3A_133, %lt3A_296 : vector<16xf32>
        %select_n3A_298 = arith.select %lt3A_297, %add3A_295, %convert_element_type3A_153 : vector<16xi1>, vector<16xi32>
        %max3A = arith.constant 0 : i32
        %max3A_299 = vector.broadcast %max3A : i32 to vector<16xi32>
        %max3A_300 = arith.maxsi %select_n3A_298, %max3A_299 : vector<16xi32>
        %min3A = arith.constant 99999 : i32
        %min3A_301 = vector.broadcast %min3A : i32 to vector<16xi32>
        %min3A_302 = arith.minsi %max3A_300, %min3A_301 : vector<16xi32>
        %mul3A_303 = arith.constant 16 : i32
        %mul3A_304 = arith.muli %scan3A_94, %mul3A_303 : i32
        %get3A = arith.index_cast %mul3A_304 : i32 to index
        %get3A_305 = tpu.vector_load %arg6[%get3A] {strides = array<i32>} : memref<128xi32, #tpu.memory_space<vmem>>, vector<16xi32>,
        %get3A_306 = vector.shape_cast %get3A_305 : vector<16xi32> to vector<16xi32>
        %add3A_307 = arith.constant 1 : i32
        %add3A_308 = vector.broadcast %add3A_307 : i32 to vector<16xi32>
        %add3A_309 = arith.addi %min3A_302, %add3A_308 : vector<16xi32>
        %ge3A_310 = arith.constant 100000 : i32
        %ge3A_311 = vector.broadcast %ge3A_310 : i32 to vector<16xi32>
        %ge3A_312 = arith.cmpi sge, %add3A_309, %ge3A_311 : vector<16xi32>
        %add3A_313 = arith.constant 1 : i32
        %add3A_314 = vector.broadcast %add3A_313 : i32 to vector<16xi32>
        %add3A_315 = arith.addi %min3A_302, %add3A_314 : vector<16xi32>
        %jit3A_316 = arith.constant 0 : i32
        %broadcast_in_dim3A_317 = vector.broadcast %jit3A_316 : i32 to vector<16xi32>
        %select_n3A_318 = arith.select %ge3A_312, %broadcast_in_dim3A_317, %add3A_315 : vector<16xi1>, vector<16xi32>
        %eq3A = arith.cmpi eq, %min3A_302, %get3A_306 : vector<16xi32>
        %select_n3A_319 = arith.select %eq3A, %select_n3A_318, %min3A_302 : vector<16xi1>, vector<16xi32>
        %mul3A_320 = arith.constant 16 : i32
        %mul3A_321 = arith.muli %scan3A_94, %mul3A_320 : i32
        %swap3A = arith.index_cast %mul3A_321 : i32 to index
        %swap3A_322 = tpu.vector_load %arg7[%swap3A] {strides = array<i32>} : memref<128xi32, #tpu.memory_space<vmem>>, vector<16xi32>,
        %swap3A_323 = vector.shape_cast %swap3A_322 : vector<16xi32> to vector<16xi32>
        %swap3A_324 = vector.shape_cast %select_n3A_319 : vector<16xi32> to vector<16xi32>
        tpu.vector_store %arg7[%swap3A], %swap3A_324 {strides = array<i32>} : memref<128xi32, #tpu.memory_space<vmem>>, vector<16xi32>,
        %scan3A_325 = arith.constant 0 : i32
        scf.yield %scan3A_325 : i32
      }
      %scan3A_24 = arith.constant 8 : i32
      %dma_start3A_25 = arith.constant 0 : i32
      %dma_start3A_26 = arith.constant 0 : i32
      %dma_start3A_27 = tpu.memref_slice %arg2[%dma_start3A_25, %dma_start3A_26] : memref<100000x128xf32, #tpu.memory_space<hbm>> -> memref<100000x128xf32, #tpu.memory_space<hbm>>
      tpu.enqueue_indirect_dma source(%dma_start3A_27 : memref<100000x128xf32, #tpu.memory_space<hbm>>) target(%arg9 : memref<128x128xf32, #tpu.memory_space<vmem>>) offsets(%arg7 : memref<128xi32, #tpu.memory_space<vmem>>) semaphore(%arg10 : memref<!tpu.dma_semaphore, #tpu.memory_space<semaphore_mem>>)
      %dma_wait3A_28 = arith.constant 0 : i32
      %dma_wait3A_29 = arith.constant 0 : i32
      %dma_wait3A_30 = tpu.memref_slice %arg2[%dma_wait3A_28, %dma_wait3A_29] : memref<100000x128xf32, #tpu.memory_space<hbm>> -> memref<100000x128xf32, #tpu.memory_space<hbm>>
      tpu.wait_indirect_dma semaphore(%arg10 : memref<!tpu.dma_semaphore, #tpu.memory_space<semaphore_mem>>) src(%dma_wait3A_30 : memref<100000x128xf32, #tpu.memory_space<hbm>>) dst(%arg9 : memref<128x128xf32, #tpu.memory_space<vmem>>)
      %add3A_31 = arith.constant 0 : i32
      %add3A_32 = arith.addi %add3A_31, %add3A_13 : i32
      "tpu.region"() ({
        %run_scoped3A = tpu.sem_alloc : memref<!tpu.dma_semaphore, #tpu.memory_space<semaphore_mem>>
        %dma_start3A_94 = arith.constant 0 : i32
        %dma_start3A_95 = tpu.memref_slice %arg5[%add3A_32, %dma_start3A_94] : memref<81920x128xf32, #tpu.memory_space<hbm>> -> memref<128x128xf32, #tpu.memory_space<hbm>>
        %dma_start3A_96 = arith.constant 0 : i32
        %dma_start3A_97 = tpu.memref_slice %arg5[%add3A_32, %dma_start3A_96] : memref<81920x128xf32, #tpu.memory_space<hbm>> -> memref<128x128xf32, #tpu.memory_space<hbm>>
        tpu.enqueue_dma source(%arg9 : memref<128x128xf32, #tpu.memory_space<vmem>>) target(%dma_start3A_97 : memref<128x128xf32, #tpu.memory_space<hbm>>) target_semaphore(%run_scoped3A : memref<!tpu.dma_semaphore, #tpu.memory_space<semaphore_mem>>)
        %dma_wait3A_98 = arith.constant 0 : i32
        %dma_wait3A_99 = tpu.memref_slice %arg5[%add3A_32, %dma_wait3A_98] : memref<81920x128xf32, #tpu.memory_space<hbm>> -> memref<128x128xf32, #tpu.memory_space<hbm>>
        %dma_wait3A_100 = arith.constant 0 : i32
        %dma_wait3A_101 = tpu.memref_slice %arg5[%add3A_32, %dma_wait3A_100] : memref<81920x128xf32, #tpu.memory_space<hbm>> -> memref<128x128xf32, #tpu.memory_space<hbm>>
        tpu.wait_dma2 semaphore(%run_scoped3A : memref<!tpu.dma_semaphore, #tpu.memory_space<semaphore_mem>>) src(%arg9 : memref<128x128xf32, #tpu.memory_space<vmem>>) dst(%dma_wait3A_101 : memref<128x128xf32, #tpu.memory_space<hbm>>)
        tpu.yield
      }) : () -> ()
      %scan3A_33 = arith.constant 0 : i32
      %scan3A_34 = arith.constant 0 : i32
      %scan3A_35 = arith.constant 8 : i32
      %scan3A_36 = arith.addi %scan3A_34, %scan3A_35 : i32
      %scan3A_37 = arith.constant 1 : i32
      %scan3A_38 = scf.for %scan3A_94 = %scan3A_34 to %scan3A_36 step %scan3A_37 iter_args(%scan3A_95 = %scan3A_33) -> (i32)  : i32 {
        %iota3A = tpu.iota {dimensions = array<i32: 0>} : vector<16xi32>
        %mul3A_96 = arith.constant 16 : i32
        %mul3A_97 = arith.muli %scan3A_94, %mul3A_96 : i32
        %add3A_98 = arith.addi %add3A_13, %mul3A_97 : i32
        %add3A_99 = vector.broadcast %add3A_98 : i32 to vector<16xi32>
        %add3A_100 = arith.addi %add3A_99, %iota3A : vector<16xi32>
        %mul3A_101 = arith.constant 5 : i32
        %mul3A_102 = vector.broadcast %mul3A_101 : i32 to vector<16xi32>
        %mul3A_103 = arith.muli %add3A_100, %mul3A_102 : vector<16xi32>
        %add3A_104 = arith.constant 1 : i32
        %add3A_105 = vector.broadcast %add3A_104 : i32 to vector<16xi32>
        %add3A_106 = arith.addi %mul3A_103, %add3A_105 : vector<16xi32>
        %mul3A_107 = arith.constant -1640531527 : i32
        %mul3A_108 = vector.broadcast %mul3A_107 : i32 to vector<16xi32>
        %mul3A_109 = arith.muli %add3A_106, %mul3A_108 : vector<16xi32>
        %shift_right_logical3A = arith.constant 16 : i32
        %shift_right_logical3A_110 = vector.broadcast %shift_right_logical3A : i32 to vector<16xi32>
        %shift_right_logical3A_111 = arith.shrui %mul3A_109, %shift_right_logical3A_110 : vector<16xi32>
        %xor3A = arith.xori %mul3A_109, %shift_right_logical3A_111 : vector<16xi32>
        %mul3A_112 = arith.constant -2048144789 : i32
        %mul3A_113 = vector.broadcast %mul3A_112 : i32 to vector<16xi32>
        %mul3A_114 = arith.muli %xor3A, %mul3A_113 : vector<16xi32>
        %shift_right_logical3A_115 = arith.constant 13 : i32
        %shift_right_logical3A_116 = vector.broadcast %shift_right_logical3A_115 : i32 to vector<16xi32>
        %shift_right_logical3A_117 = arith.shrui %mul3A_114, %shift_right_logical3A_116 : vector<16xi32>
        %xor3A_118 = arith.xori %mul3A_114, %shift_right_logical3A_117 : vector<16xi32>
        %mul3A_119 = arith.constant -1028477387 : i32
        %mul3A_120 = vector.broadcast %mul3A_119 : i32 to vector<16xi32>
        %mul3A_121 = arith.muli %xor3A_118, %mul3A_120 : vector<16xi32>
        %shift_right_logical3A_122 = arith.constant 16 : i32
        %shift_right_logical3A_123 = vector.broadcast %shift_right_logical3A_122 : i32 to vector<16xi32>
        %shift_right_logical3A_124 = arith.shrui %mul3A_121, %shift_right_logical3A_123 : vector<16xi32>
        %xor3A_125 = arith.xori %mul3A_121, %shift_right_logical3A_124 : vector<16xi32>
        %and3A = arith.constant 16777215 : i32
        %and3A_126 = vector.broadcast %and3A : i32 to vector<16xi32>
        %and3A_127 = arith.andi %xor3A_125, %and3A_126 : vector<16xi32>
        %convert_element_type3A = arith.uitofp %and3A_127 : vector<16xi32> to vector<16xf32>
        %mul3A_128 = arith.constant 5.96046448E-8 : f32
        %mul3A_129 = vector.broadcast %mul3A_128 : f32 to vector<16xf32>
        %mul3A_130 = arith.mulf %convert_element_type3A, %mul3A_129 : vector<16xf32>
        %mul3A_131 = arith.constant 67.6899796 : f32
        %mul3A_132 = vector.broadcast %mul3A_131 : f32 to vector<16xf32>
        %mul3A_133 = arith.mulf %mul3A_130, %mul3A_132 : vector<16xf32>
        %sub3A = arith.constant -3.44128537 : f32
        %sub3A_134 = vector.broadcast %sub3A : f32 to vector<16xf32>
        %sub3A_135 = arith.subf %mul3A_133, %sub3A_134 : vector<16xf32>
        %mul3A_136 = arith.constant 2.500000e-01 : f32
        %mul3A_137 = vector.broadcast %mul3A_136 : f32 to vector<16xf32>
        %mul3A_138 = arith.mulf %sub3A_135, %mul3A_137 : vector<16xf32>
        %sub3A_139 = arith.constant -3.44128537 : f32
        %sub3A_140 = vector.broadcast %sub3A_139 : f32 to vector<16xf32>
        %sub3A_141 = arith.subf %mul3A_133, %sub3A_140 : vector<16xf32>
        %mul3A_142 = arith.mulf %mul3A_138, %mul3A_138 : vector<16xf32>
        %mul3A_143 = arith.mulf %mul3A_142, %mul3A_138 : vector<16xf32>
        %div3A = arith.constant 5.000000e-01 : f32
        %div3A_144 = vector.broadcast %div3A : f32 to vector<16xf32>
        %div3A_145 = arith.divf %div3A_144, %mul3A_143 : vector<16xf32>
        %sub3A_146 = arith.subf %sub3A_141, %div3A_145 : vector<16xf32>
        %mul3A_147 = arith.constant 2.500000e-01 : f32
        %mul3A_148 = vector.broadcast %mul3A_147 : f32 to vector<16xf32>
        %mul3A_149 = arith.mulf %sub3A_146, %mul3A_148 : vector<16xf32>
        %mul3A_150 = arith.mulf %mul3A_149, %mul3A_149 : vector<16xf32>
        %mul3A_151 = arith.mulf %mul3A_149, %mul3A_149 : vector<16xf32>
        %mul3A_152 = arith.mulf %mul3A_150, %mul3A_151 : vector<16xf32>
        %convert_element_type3A_153 = arith.fptosi %mul3A_152 : vector<16xf32> to vector<16xi32>
        %broadcast_in_dim3A = arith.constant 0 : i32
        %broadcast_in_dim3A_154 = vector.broadcast %broadcast_in_dim3A : i32 to vector<16xi32>
        %ge3A = arith.constant 1.000000e+00 : f32
        %ge3A_155 = vector.broadcast %ge3A : f32 to vector<16xf32>
        %ge3A_156 = arith.cmpf oge, %mul3A_133, %ge3A_155 : vector<16xf32>
        %jit3A = arith.constant 1 : i32
        %jit3A_157 = arith.constant 0 : i32
        %broadcast_in_dim3A_158 = vector.broadcast %jit3A : i32 to vector<16xi32>
        %broadcast_in_dim3A_159 = vector.broadcast %jit3A_157 : i32 to vector<16xi32>
        %select_n3A = arith.select %ge3A_156, %broadcast_in_dim3A_158, %broadcast_in_dim3A_159 : vector<16xi1>, vector<16xi32>
        %add3A_160 = arith.addi %broadcast_in_dim3A_154, %select_n3A : vector<16xi32>
        %ge3A_161 = arith.constant 1.59460354 : f32
        %ge3A_162 = vector.broadcast %ge3A_161 : f32 to vector<16xf32>
        %ge3A_163 = arith.cmpf oge, %mul3A_133, %ge3A_162 : vector<16xf32>
        %jit3A_164 = arith.constant 1 : i32
        %jit3A_165 = arith.constant 0 : i32
        %broadcast_in_dim3A_166 = vector.broadcast %jit3A_164 : i32 to vector<16xi32>
        %broadcast_in_dim3A_167 = vector.broadcast %jit3A_165 : i32 to vector<16xi32>
        %select_n3A_168 = arith.select %ge3A_163, %broadcast_in_dim3A_166, %broadcast_in_dim3A_167 : vector<16xi1>, vector<16xi32>
        %add3A_169 = arith.addi %add3A_160, %select_n3A_168 : vector<16xi32>
        %ge3A_170 = arith.constant 2.03329492 : f32
        %ge3A_171 = vector.broadcast %ge3A_170 : f32 to vector<16xf32>
        %ge3A_172 = arith.cmpf oge, %mul3A_133, %ge3A_171 : vector<16xf32>
        %jit3A_173 = arith.constant 1 : i32
        %jit3A_174 = arith.constant 0 : i32
        %broadcast_in_dim3A_175 = vector.broadcast %jit3A_173 : i32 to vector<16xi32>
        %broadcast_in_dim3A_176 = vector.broadcast %jit3A_174 : i32 to vector<16xi32>
        %select_n3A_177 = arith.select %ge3A_172, %broadcast_in_dim3A_175, %broadcast_in_dim3A_176 : vector<16xi1>, vector<16xi32>
        %add3A_178 = arith.addi %add3A_169, %select_n3A_177 : vector<16xi32>
        %ge3A_179 = arith.constant 2.38684821 : f32
        %ge3A_180 = vector.broadcast %ge3A_179 : f32 to vector<16xf32>
        %ge3A_181 = arith.cmpf oge, %mul3A_133, %ge3A_180 : vector<16xf32>
        %jit3A_182 = arith.constant 1 : i32
        %jit3A_183 = arith.constant 0 : i32
        %broadcast_in_dim3A_184 = vector.broadcast %jit3A_182 : i32 to vector<16xi32>
        %broadcast_in_dim3A_185 = vector.broadcast %jit3A_183 : i32 to vector<16xi32>
        %select_n3A_186 = arith.select %ge3A_181, %broadcast_in_dim3A_184, %broadcast_in_dim3A_185 : vector<16xi1>, vector<16xi32>
        %add3A_187 = arith.addi %add3A_178, %select_n3A_186 : vector<16xi32>
        %ge3A_188 = arith.constant 2.68591809 : f32
        %ge3A_189 = vector.broadcast %ge3A_188 : f32 to vector<16xf32>
        %ge3A_190 = arith.cmpf oge, %mul3A_133, %ge3A_189 : vector<16xf32>
        %jit3A_191 = arith.constant 1 : i32
        %jit3A_192 = arith.constant 0 : i32
        %broadcast_in_dim3A_193 = vector.broadcast %jit3A_191 : i32 to vector<16xi32>
        %broadcast_in_dim3A_194 = vector.broadcast %jit3A_192 : i32 to vector<16xi32>
        %select_n3A_195 = arith.select %ge3A_190, %broadcast_in_dim3A_193, %broadcast_in_dim3A_194 : vector<16xi1>, vector<16xi32>
        %add3A_196 = arith.addi %add3A_187, %select_n3A_195 : vector<16xi32>
        %ge3A_197 = arith.constant 2.94676542 : f32
        %ge3A_198 = vector.broadcast %ge3A_197 : f32 to vector<16xf32>
        %ge3A_199 = arith.cmpf oge, %mul3A_133, %ge3A_198 : vector<16xf32>
        %jit3A_200 = arith.constant 1 : i32
        %jit3A_201 = arith.constant 0 : i32
        %broadcast_in_dim3A_202 = vector.broadcast %jit3A_200 : i32 to vector<16xi32>
        %broadcast_in_dim3A_203 = vector.broadcast %jit3A_201 : i32 to vector<16xi32>
        %select_n3A_204 = arith.select %ge3A_199, %broadcast_in_dim3A_202, %broadcast_in_dim3A_203 : vector<16xi1>, vector<16xi32>
        %add3A_205 = arith.addi %add3A_196, %select_n3A_204 : vector<16xi32>
        %ge3A_206 = arith.constant 3.17913365 : f32
        %ge3A_207 = vector.broadcast %ge3A_206 : f32 to vector<16xf32>
        %ge3A_208 = arith.cmpf oge, %mul3A_133, %ge3A_207 : vector<16xf32>
        %jit3A_209 = arith.constant 1 : i32
        %jit3A_210 = arith.constant 0 : i32
        %broadcast_in_dim3A_211 = vector.broadcast %jit3A_209 : i32 to vector<16xi32>
        %broadcast_in_dim3A_212 = vector.broadcast %jit3A_210 : i32 to vector<16xi32>
        %select_n3A_213 = arith.select %ge3A_208, %broadcast_in_dim3A_211, %broadcast_in_dim3A_212 : vector<16xi1>, vector<16xi32>
        %add3A_214 = arith.addi %add3A_205, %select_n3A_213 : vector<16xi32>
        %ge3A_215 = arith.constant 3.38935757 : f32
        %ge3A_216 = vector.broadcast %ge3A_215 : f32 to vector<16xf32>
        %ge3A_217 = arith.cmpf oge, %mul3A_133, %ge3A_216 : vector<16xf32>
        %jit3A_218 = arith.constant 1 : i32
        %jit3A_219 = arith.constant 0 : i32
        %broadcast_in_dim3A_220 = vector.broadcast %jit3A_218 : i32 to vector<16xi32>
        %broadcast_in_dim3A_221 = vector.broadcast %jit3A_219 : i32 to vector<16xi32>
        %select_n3A_222 = arith.select %ge3A_217, %broadcast_in_dim3A_220, %broadcast_in_dim3A_221 : vector<16xi1>, vector<16xi32>
        %add3A_223 = arith.addi %add3A_214, %select_n3A_222 : vector<16xi32>
        %ge3A_224 = arith.constant 3.58180785 : f32
        %ge3A_225 = vector.broadcast %ge3A_224 : f32 to vector<16xf32>
        %ge3A_226 = arith.cmpf oge, %mul3A_133, %ge3A_225 : vector<16xf32>
        %jit3A_227 = arith.constant 1 : i32
        %jit3A_228 = arith.constant 0 : i32
        %broadcast_in_dim3A_229 = vector.broadcast %jit3A_227 : i32 to vector<16xi32>
        %broadcast_in_dim3A_230 = vector.broadcast %jit3A_228 : i32 to vector<16xi32>
        %select_n3A_231 = arith.select %ge3A_226, %broadcast_in_dim3A_229, %broadcast_in_dim3A_230 : vector<16xi1>, vector<16xi32>
        %add3A_232 = arith.addi %add3A_223, %select_n3A_231 : vector<16xi32>
        %ge3A_233 = arith.constant 3.75963569 : f32
        %ge3A_234 = vector.broadcast %ge3A_233 : f32 to vector<16xf32>
        %ge3A_235 = arith.cmpf oge, %mul3A_133, %ge3A_234 : vector<16xf32>
        %jit3A_236 = arith.constant 1 : i32
        %jit3A_237 = arith.constant 0 : i32
        %broadcast_in_dim3A_238 = vector.broadcast %jit3A_236 : i32 to vector<16xi32>
        %broadcast_in_dim3A_239 = vector.broadcast %jit3A_237 : i32 to vector<16xi32>
        %select_n3A_240 = arith.select %ge3A_235, %broadcast_in_dim3A_238, %broadcast_in_dim3A_239 : vector<16xi1>, vector<16xi32>
        %add3A_241 = arith.addi %add3A_232, %select_n3A_240 : vector<16xi32>
        %ge3A_242 = arith.constant 3.92519569 : f32
        %ge3A_243 = vector.broadcast %ge3A_242 : f32 to vector<16xf32>
        %ge3A_244 = arith.cmpf oge, %mul3A_133, %ge3A_243 : vector<16xf32>
        %jit3A_245 = arith.constant 1 : i32
        %jit3A_246 = arith.constant 0 : i32
        %broadcast_in_dim3A_247 = vector.broadcast %jit3A_245 : i32 to vector<16xi32>
        %broadcast_in_dim3A_248 = vector.broadcast %jit3A_246 : i32 to vector<16xi32>
        %select_n3A_249 = arith.select %ge3A_244, %broadcast_in_dim3A_247, %broadcast_in_dim3A_248 : vector<16xi1>, vector<16xi32>
        %add3A_250 = arith.addi %add3A_241, %select_n3A_249 : vector<16xi32>
        %ge3A_251 = arith.constant 4.08029652 : f32
        %ge3A_252 = vector.broadcast %ge3A_251 : f32 to vector<16xf32>
        %ge3A_253 = arith.cmpf oge, %mul3A_133, %ge3A_252 : vector<16xf32>
        %jit3A_254 = arith.constant 1 : i32
        %jit3A_255 = arith.constant 0 : i32
        %broadcast_in_dim3A_256 = vector.broadcast %jit3A_254 : i32 to vector<16xi32>
        %broadcast_in_dim3A_257 = vector.broadcast %jit3A_255 : i32 to vector<16xi32>
        %select_n3A_258 = arith.select %ge3A_253, %broadcast_in_dim3A_256, %broadcast_in_dim3A_257 : vector<16xi1>, vector<16xi32>
        %add3A_259 = arith.addi %add3A_250, %select_n3A_258 : vector<16xi32>
        %ge3A_260 = arith.constant 4.22636032 : f32
        %ge3A_261 = vector.broadcast %ge3A_260 : f32 to vector<16xf32>
        %ge3A_262 = arith.cmpf oge, %mul3A_133, %ge3A_261 : vector<16xf32>
        %jit3A_263 = arith.constant 1 : i32
        %jit3A_264 = arith.constant 0 : i32
        %broadcast_in_dim3A_265 = vector.broadcast %jit3A_263 : i32 to vector<16xi32>
        %broadcast_in_dim3A_266 = vector.broadcast %jit3A_264 : i32 to vector<16xi32>
        %select_n3A_267 = arith.select %ge3A_262, %broadcast_in_dim3A_265, %broadcast_in_dim3A_266 : vector<16xi1>, vector<16xi32>
        %add3A_268 = arith.addi %add3A_259, %select_n3A_267 : vector<16xi32>
        %ge3A_269 = arith.constant 4.36452723 : f32
        %ge3A_270 = vector.broadcast %ge3A_269 : f32 to vector<16xf32>
        %ge3A_271 = arith.cmpf oge, %mul3A_133, %ge3A_270 : vector<16xf32>
        %jit3A_272 = arith.constant 1 : i32
        %jit3A_273 = arith.constant 0 : i32
        %broadcast_in_dim3A_274 = vector.broadcast %jit3A_272 : i32 to vector<16xi32>
        %broadcast_in_dim3A_275 = vector.broadcast %jit3A_273 : i32 to vector<16xi32>
        %select_n3A_276 = arith.select %ge3A_271, %broadcast_in_dim3A_274, %broadcast_in_dim3A_275 : vector<16xi1>, vector<16xi32>
        %add3A_277 = arith.addi %add3A_268, %select_n3A_276 : vector<16xi32>
        %ge3A_278 = arith.constant 4.49572659 : f32
        %ge3A_279 = vector.broadcast %ge3A_278 : f32 to vector<16xf32>
        %ge3A_280 = arith.cmpf oge, %mul3A_133, %ge3A_279 : vector<16xf32>
        %jit3A_281 = arith.constant 1 : i32
        %jit3A_282 = arith.constant 0 : i32
        %broadcast_in_dim3A_283 = vector.broadcast %jit3A_281 : i32 to vector<16xi32>
        %broadcast_in_dim3A_284 = vector.broadcast %jit3A_282 : i32 to vector<16xi32>
        %select_n3A_285 = arith.select %ge3A_280, %broadcast_in_dim3A_283, %broadcast_in_dim3A_284 : vector<16xi1>, vector<16xi32>
        %add3A_286 = arith.addi %add3A_277, %select_n3A_285 : vector<16xi32>
        %ge3A_287 = arith.constant 4.62072659 : f32
        %ge3A_288 = vector.broadcast %ge3A_287 : f32 to vector<16xf32>
        %ge3A_289 = arith.cmpf oge, %mul3A_133, %ge3A_288 : vector<16xf32>
        %jit3A_290 = arith.constant 1 : i32
        %jit3A_291 = arith.constant 0 : i32
        %broadcast_in_dim3A_292 = vector.broadcast %jit3A_290 : i32 to vector<16xi32>
        %broadcast_in_dim3A_293 = vector.broadcast %jit3A_291 : i32 to vector<16xi32>
        %select_n3A_294 = arith.select %ge3A_289, %broadcast_in_dim3A_292, %broadcast_in_dim3A_293 : vector<16xi1>, vector<16xi32>
        %add3A_295 = arith.addi %add3A_286, %select_n3A_294 : vector<16xi32>
        %lt3A = arith.constant 4.62072659 : f32
        %lt3A_296 = vector.broadcast %lt3A : f32 to vector<16xf32>
        %lt3A_297 = arith.cmpf olt, %mul3A_133, %lt3A_296 : vector<16xf32>
        %select_n3A_298 = arith.select %lt3A_297, %add3A_295, %convert_element_type3A_153 : vector<16xi1>, vector<16xi32>
        %max3A = arith.constant 0 : i32
        %max3A_299 = vector.broadcast %max3A : i32 to vector<16xi32>
        %max3A_300 = arith.maxsi %select_n3A_298, %max3A_299 : vector<16xi32>
        %min3A = arith.constant 99999 : i32
        %min3A_301 = vector.broadcast %min3A : i32 to vector<16xi32>
        %min3A_302 = arith.minsi %max3A_300, %min3A_301 : vector<16xi32>
        %mul3A_303 = arith.constant 16 : i32
        %mul3A_304 = arith.muli %scan3A_94, %mul3A_303 : i32
        %get3A = arith.index_cast %mul3A_304 : i32 to index
        %get3A_305 = tpu.vector_load %arg6[%get3A] {strides = array<i32>} : memref<128xi32, #tpu.memory_space<vmem>>, vector<16xi32>,
        %get3A_306 = vector.shape_cast %get3A_305 : vector<16xi32> to vector<16xi32>
        %add3A_307 = arith.constant 1 : i32
        %add3A_308 = vector.broadcast %add3A_307 : i32 to vector<16xi32>
        %add3A_309 = arith.addi %min3A_302, %add3A_308 : vector<16xi32>
        %ge3A_310 = arith.constant 100000 : i32
        %ge3A_311 = vector.broadcast %ge3A_310 : i32 to vector<16xi32>
        %ge3A_312 = arith.cmpi sge, %add3A_309, %ge3A_311 : vector<16xi32>
        %add3A_313 = arith.constant 1 : i32
        %add3A_314 = vector.broadcast %add3A_313 : i32 to vector<16xi32>
        %add3A_315 = arith.addi %min3A_302, %add3A_314 : vector<16xi32>
        %jit3A_316 = arith.constant 0 : i32
        %broadcast_in_dim3A_317 = vector.broadcast %jit3A_316 : i32 to vector<16xi32>
        %select_n3A_318 = arith.select %ge3A_312, %broadcast_in_dim3A_317, %add3A_315 : vector<16xi1>, vector<16xi32>
        %eq3A = arith.cmpi eq, %min3A_302, %get3A_306 : vector<16xi32>
        %select_n3A_319 = arith.select %eq3A, %select_n3A_318, %min3A_302 : vector<16xi1>, vector<16xi32>
        %mul3A_320 = arith.constant 16 : i32
        %mul3A_321 = arith.muli %scan3A_94, %mul3A_320 : i32
        %swap3A = arith.index_cast %mul3A_321 : i32 to index
        %swap3A_322 = tpu.vector_load %arg7[%swap3A] {strides = array<i32>} : memref<128xi32, #tpu.memory_space<vmem>>, vector<16xi32>,
        %swap3A_323 = vector.shape_cast %swap3A_322 : vector<16xi32> to vector<16xi32>
        %swap3A_324 = vector.shape_cast %select_n3A_319 : vector<16xi32> to vector<16xi32>
        tpu.vector_store %arg7[%swap3A], %swap3A_324 {strides = array<i32>} : memref<128xi32, #tpu.memory_space<vmem>>, vector<16xi32>,
        %scan3A_325 = arith.constant 0 : i32
        scf.yield %scan3A_325 : i32
      }
      %scan3A_39 = arith.constant 8 : i32
      %dma_start3A_40 = arith.constant 0 : i32
      %dma_start3A_41 = arith.constant 0 : i32
      %dma_start3A_42 = tpu.memref_slice %arg2[%dma_start3A_40, %dma_start3A_41] : memref<100000x128xf32, #tpu.memory_space<hbm>> -> memref<100000x128xf32, #tpu.memory_space<hbm>>
      tpu.enqueue_indirect_dma source(%dma_start3A_42 : memref<100000x128xf32, #tpu.memory_space<hbm>>) target(%arg9 : memref<128x128xf32, #tpu.memory_space<vmem>>) offsets(%arg7 : memref<128xi32, #tpu.memory_space<vmem>>) semaphore(%arg10 : memref<!tpu.dma_semaphore, #tpu.memory_space<semaphore_mem>>)
      %dma_wait3A_43 = arith.constant 0 : i32
      %dma_wait3A_44 = arith.constant 0 : i32
      %dma_wait3A_45 = tpu.memref_slice %arg2[%dma_wait3A_43, %dma_wait3A_44] : memref<100000x128xf32, #tpu.memory_space<hbm>> -> memref<100000x128xf32, #tpu.memory_space<hbm>>
      tpu.wait_indirect_dma semaphore(%arg10 : memref<!tpu.dma_semaphore, #tpu.memory_space<semaphore_mem>>) src(%dma_wait3A_45 : memref<100000x128xf32, #tpu.memory_space<hbm>>) dst(%arg9 : memref<128x128xf32, #tpu.memory_space<vmem>>)
      %add3A_46 = arith.constant 16384 : i32
      %add3A_47 = arith.addi %add3A_46, %add3A_13 : i32
      "tpu.region"() ({
        %run_scoped3A = tpu.sem_alloc : memref<!tpu.dma_semaphore, #tpu.memory_space<semaphore_mem>>
        %dma_start3A_94 = arith.constant 0 : i32
        %dma_start3A_95 = tpu.memref_slice %arg5[%add3A_47, %dma_start3A_94] : memref<81920x128xf32, #tpu.memory_space<hbm>> -> memref<128x128xf32, #tpu.memory_space<hbm>>
        %dma_start3A_96 = arith.constant 0 : i32
        %dma_start3A_97 = tpu.memref_slice %arg5[%add3A_47, %dma_start3A_96] : memref<81920x128xf32, #tpu.memory_space<hbm>> -> memref<128x128xf32, #tpu.memory_space<hbm>>
        tpu.enqueue_dma source(%arg9 : memref<128x128xf32, #tpu.memory_space<vmem>>) target(%dma_start3A_97 : memref<128x128xf32, #tpu.memory_space<hbm>>) target_semaphore(%run_scoped3A : memref<!tpu.dma_semaphore, #tpu.memory_space<semaphore_mem>>)
        %dma_wait3A_98 = arith.constant 0 : i32
        %dma_wait3A_99 = tpu.memref_slice %arg5[%add3A_47, %dma_wait3A_98] : memref<81920x128xf32, #tpu.memory_space<hbm>> -> memref<128x128xf32, #tpu.memory_space<hbm>>
        %dma_wait3A_100 = arith.constant 0 : i32
        %dma_wait3A_101 = tpu.memref_slice %arg5[%add3A_47, %dma_wait3A_100] : memref<81920x128xf32, #tpu.memory_space<hbm>> -> memref<128x128xf32, #tpu.memory_space<hbm>>
        tpu.wait_dma2 semaphore(%run_scoped3A : memref<!tpu.dma_semaphore, #tpu.memory_space<semaphore_mem>>) src(%arg9 : memref<128x128xf32, #tpu.memory_space<vmem>>) dst(%dma_wait3A_101 : memref<128x128xf32, #tpu.memory_space<hbm>>)
        tpu.yield
      }) : () -> ()
      %scan3A_48 = arith.constant 0 : i32
      %scan3A_49 = arith.constant 0 : i32
      %scan3A_50 = arith.constant 8 : i32
      %scan3A_51 = arith.addi %scan3A_49, %scan3A_50 : i32
      %scan3A_52 = arith.constant 1 : i32
      %scan3A_53 = scf.for %scan3A_94 = %scan3A_49 to %scan3A_51 step %scan3A_52 iter_args(%scan3A_95 = %scan3A_48) -> (i32)  : i32 {
        %iota3A = tpu.iota {dimensions = array<i32: 0>} : vector<16xi32>
        %mul3A_96 = arith.constant 16 : i32
        %mul3A_97 = arith.muli %scan3A_94, %mul3A_96 : i32
        %add3A_98 = arith.addi %add3A_13, %mul3A_97 : i32
        %add3A_99 = vector.broadcast %add3A_98 : i32 to vector<16xi32>
        %add3A_100 = arith.addi %add3A_99, %iota3A : vector<16xi32>
        %mul3A_101 = arith.constant 5 : i32
        %mul3A_102 = vector.broadcast %mul3A_101 : i32 to vector<16xi32>
        %mul3A_103 = arith.muli %add3A_100, %mul3A_102 : vector<16xi32>
        %add3A_104 = arith.constant 2 : i32
        %add3A_105 = vector.broadcast %add3A_104 : i32 to vector<16xi32>
        %add3A_106 = arith.addi %mul3A_103, %add3A_105 : vector<16xi32>
        %mul3A_107 = arith.constant -1640531527 : i32
        %mul3A_108 = vector.broadcast %mul3A_107 : i32 to vector<16xi32>
        %mul3A_109 = arith.muli %add3A_106, %mul3A_108 : vector<16xi32>
        %shift_right_logical3A = arith.constant 16 : i32
        %shift_right_logical3A_110 = vector.broadcast %shift_right_logical3A : i32 to vector<16xi32>
        %shift_right_logical3A_111 = arith.shrui %mul3A_109, %shift_right_logical3A_110 : vector<16xi32>
        %xor3A = arith.xori %mul3A_109, %shift_right_logical3A_111 : vector<16xi32>
        %mul3A_112 = arith.constant -2048144789 : i32
        %mul3A_113 = vector.broadcast %mul3A_112 : i32 to vector<16xi32>
        %mul3A_114 = arith.muli %xor3A, %mul3A_113 : vector<16xi32>
        %shift_right_logical3A_115 = arith.constant 13 : i32
        %shift_right_logical3A_116 = vector.broadcast %shift_right_logical3A_115 : i32 to vector<16xi32>
        %shift_right_logical3A_117 = arith.shrui %mul3A_114, %shift_right_logical3A_116 : vector<16xi32>
        %xor3A_118 = arith.xori %mul3A_114, %shift_right_logical3A_117 : vector<16xi32>
        %mul3A_119 = arith.constant -1028477387 : i32
        %mul3A_120 = vector.broadcast %mul3A_119 : i32 to vector<16xi32>
        %mul3A_121 = arith.muli %xor3A_118, %mul3A_120 : vector<16xi32>
        %shift_right_logical3A_122 = arith.constant 16 : i32
        %shift_right_logical3A_123 = vector.broadcast %shift_right_logical3A_122 : i32 to vector<16xi32>
        %shift_right_logical3A_124 = arith.shrui %mul3A_121, %shift_right_logical3A_123 : vector<16xi32>
        %xor3A_125 = arith.xori %mul3A_121, %shift_right_logical3A_124 : vector<16xi32>
        %and3A = arith.constant 16777215 : i32
        %and3A_126 = vector.broadcast %and3A : i32 to vector<16xi32>
        %and3A_127 = arith.andi %xor3A_125, %and3A_126 : vector<16xi32>
        %convert_element_type3A = arith.uitofp %and3A_127 : vector<16xi32> to vector<16xf32>
        %mul3A_128 = arith.constant 5.96046448E-8 : f32
        %mul3A_129 = vector.broadcast %mul3A_128 : f32 to vector<16xf32>
        %mul3A_130 = arith.mulf %convert_element_type3A, %mul3A_129 : vector<16xf32>
        %mul3A_131 = arith.constant 67.6899796 : f32
        %mul3A_132 = vector.broadcast %mul3A_131 : f32 to vector<16xf32>
        %mul3A_133 = arith.mulf %mul3A_130, %mul3A_132 : vector<16xf32>
        %sub3A = arith.constant -3.44128537 : f32
        %sub3A_134 = vector.broadcast %sub3A : f32 to vector<16xf32>
        %sub3A_135 = arith.subf %mul3A_133, %sub3A_134 : vector<16xf32>
        %mul3A_136 = arith.constant 2.500000e-01 : f32
        %mul3A_137 = vector.broadcast %mul3A_136 : f32 to vector<16xf32>
        %mul3A_138 = arith.mulf %sub3A_135, %mul3A_137 : vector<16xf32>
        %sub3A_139 = arith.constant -3.44128537 : f32
        %sub3A_140 = vector.broadcast %sub3A_139 : f32 to vector<16xf32>
        %sub3A_141 = arith.subf %mul3A_133, %sub3A_140 : vector<16xf32>
        %mul3A_142 = arith.mulf %mul3A_138, %mul3A_138 : vector<16xf32>
        %mul3A_143 = arith.mulf %mul3A_142, %mul3A_138 : vector<16xf32>
        %div3A = arith.constant 5.000000e-01 : f32
        %div3A_144 = vector.broadcast %div3A : f32 to vector<16xf32>
        %div3A_145 = arith.divf %div3A_144, %mul3A_143 : vector<16xf32>
        %sub3A_146 = arith.subf %sub3A_141, %div3A_145 : vector<16xf32>
        %mul3A_147 = arith.constant 2.500000e-01 : f32
        %mul3A_148 = vector.broadcast %mul3A_147 : f32 to vector<16xf32>
        %mul3A_149 = arith.mulf %sub3A_146, %mul3A_148 : vector<16xf32>
        %mul3A_150 = arith.mulf %mul3A_149, %mul3A_149 : vector<16xf32>
        %mul3A_151 = arith.mulf %mul3A_149, %mul3A_149 : vector<16xf32>
        %mul3A_152 = arith.mulf %mul3A_150, %mul3A_151 : vector<16xf32>
        %convert_element_type3A_153 = arith.fptosi %mul3A_152 : vector<16xf32> to vector<16xi32>
        %broadcast_in_dim3A = arith.constant 0 : i32
        %broadcast_in_dim3A_154 = vector.broadcast %broadcast_in_dim3A : i32 to vector<16xi32>
        %ge3A = arith.constant 1.000000e+00 : f32
        %ge3A_155 = vector.broadcast %ge3A : f32 to vector<16xf32>
        %ge3A_156 = arith.cmpf oge, %mul3A_133, %ge3A_155 : vector<16xf32>
        %jit3A = arith.constant 1 : i32
        %jit3A_157 = arith.constant 0 : i32
        %broadcast_in_dim3A_158 = vector.broadcast %jit3A : i32 to vector<16xi32>
        %broadcast_in_dim3A_159 = vector.broadcast %jit3A_157 : i32 to vector<16xi32>
        %select_n3A = arith.select %ge3A_156, %broadcast_in_dim3A_158, %broadcast_in_dim3A_159 : vector<16xi1>, vector<16xi32>
        %add3A_160 = arith.addi %broadcast_in_dim3A_154, %select_n3A : vector<16xi32>
        %ge3A_161 = arith.constant 1.59460354 : f32
        %ge3A_162 = vector.broadcast %ge3A_161 : f32 to vector<16xf32>
        %ge3A_163 = arith.cmpf oge, %mul3A_133, %ge3A_162 : vector<16xf32>
        %jit3A_164 = arith.constant 1 : i32
        %jit3A_165 = arith.constant 0 : i32
        %broadcast_in_dim3A_166 = vector.broadcast %jit3A_164 : i32 to vector<16xi32>
        %broadcast_in_dim3A_167 = vector.broadcast %jit3A_165 : i32 to vector<16xi32>
        %select_n3A_168 = arith.select %ge3A_163, %broadcast_in_dim3A_166, %broadcast_in_dim3A_167 : vector<16xi1>, vector<16xi32>
        %add3A_169 = arith.addi %add3A_160, %select_n3A_168 : vector<16xi32>
        %ge3A_170 = arith.constant 2.03329492 : f32
        %ge3A_171 = vector.broadcast %ge3A_170 : f32 to vector<16xf32>
        %ge3A_172 = arith.cmpf oge, %mul3A_133, %ge3A_171 : vector<16xf32>
        %jit3A_173 = arith.constant 1 : i32
        %jit3A_174 = arith.constant 0 : i32
        %broadcast_in_dim3A_175 = vector.broadcast %jit3A_173 : i32 to vector<16xi32>
        %broadcast_in_dim3A_176 = vector.broadcast %jit3A_174 : i32 to vector<16xi32>
        %select_n3A_177 = arith.select %ge3A_172, %broadcast_in_dim3A_175, %broadcast_in_dim3A_176 : vector<16xi1>, vector<16xi32>
        %add3A_178 = arith.addi %add3A_169, %select_n3A_177 : vector<16xi32>
        %ge3A_179 = arith.constant 2.38684821 : f32
        %ge3A_180 = vector.broadcast %ge3A_179 : f32 to vector<16xf32>
        %ge3A_181 = arith.cmpf oge, %mul3A_133, %ge3A_180 : vector<16xf32>
        %jit3A_182 = arith.constant 1 : i32
        %jit3A_183 = arith.constant 0 : i32
        %broadcast_in_dim3A_184 = vector.broadcast %jit3A_182 : i32 to vector<16xi32>
        %broadcast_in_dim3A_185 = vector.broadcast %jit3A_183 : i32 to vector<16xi32>
        %select_n3A_186 = arith.select %ge3A_181, %broadcast_in_dim3A_184, %broadcast_in_dim3A_185 : vector<16xi1>, vector<16xi32>
        %add3A_187 = arith.addi %add3A_178, %select_n3A_186 : vector<16xi32>
        %ge3A_188 = arith.constant 2.68591809 : f32
        %ge3A_189 = vector.broadcast %ge3A_188 : f32 to vector<16xf32>
        %ge3A_190 = arith.cmpf oge, %mul3A_133, %ge3A_189 : vector<16xf32>
        %jit3A_191 = arith.constant 1 : i32
        %jit3A_192 = arith.constant 0 : i32
        %broadcast_in_dim3A_193 = vector.broadcast %jit3A_191 : i32 to vector<16xi32>
        %broadcast_in_dim3A_194 = vector.broadcast %jit3A_192 : i32 to vector<16xi32>
        %select_n3A_195 = arith.select %ge3A_190, %broadcast_in_dim3A_193, %broadcast_in_dim3A_194 : vector<16xi1>, vector<16xi32>
        %add3A_196 = arith.addi %add3A_187, %select_n3A_195 : vector<16xi32>
        %ge3A_197 = arith.constant 2.94676542 : f32
        %ge3A_198 = vector.broadcast %ge3A_197 : f32 to vector<16xf32>
        %ge3A_199 = arith.cmpf oge, %mul3A_133, %ge3A_198 : vector<16xf32>
        %jit3A_200 = arith.constant 1 : i32
        %jit3A_201 = arith.constant 0 : i32
        %broadcast_in_dim3A_202 = vector.broadcast %jit3A_200 : i32 to vector<16xi32>
        %broadcast_in_dim3A_203 = vector.broadcast %jit3A_201 : i32 to vector<16xi32>
        %select_n3A_204 = arith.select %ge3A_199, %broadcast_in_dim3A_202, %broadcast_in_dim3A_203 : vector<16xi1>, vector<16xi32>
        %add3A_205 = arith.addi %add3A_196, %select_n3A_204 : vector<16xi32>
        %ge3A_206 = arith.constant 3.17913365 : f32
        %ge3A_207 = vector.broadcast %ge3A_206 : f32 to vector<16xf32>
        %ge3A_208 = arith.cmpf oge, %mul3A_133, %ge3A_207 : vector<16xf32>
        %jit3A_209 = arith.constant 1 : i32
        %jit3A_210 = arith.constant 0 : i32
        %broadcast_in_dim3A_211 = vector.broadcast %jit3A_209 : i32 to vector<16xi32>
        %broadcast_in_dim3A_212 = vector.broadcast %jit3A_210 : i32 to vector<16xi32>
        %select_n3A_213 = arith.select %ge3A_208, %broadcast_in_dim3A_211, %broadcast_in_dim3A_212 : vector<16xi1>, vector<16xi32>
        %add3A_214 = arith.addi %add3A_205, %select_n3A_213 : vector<16xi32>
        %ge3A_215 = arith.constant 3.38935757 : f32
        %ge3A_216 = vector.broadcast %ge3A_215 : f32 to vector<16xf32>
        %ge3A_217 = arith.cmpf oge, %mul3A_133, %ge3A_216 : vector<16xf32>
        %jit3A_218 = arith.constant 1 : i32
        %jit3A_219 = arith.constant 0 : i32
        %broadcast_in_dim3A_220 = vector.broadcast %jit3A_218 : i32 to vector<16xi32>
        %broadcast_in_dim3A_221 = vector.broadcast %jit3A_219 : i32 to vector<16xi32>
        %select_n3A_222 = arith.select %ge3A_217, %broadcast_in_dim3A_220, %broadcast_in_dim3A_221 : vector<16xi1>, vector<16xi32>
        %add3A_223 = arith.addi %add3A_214, %select_n3A_222 : vector<16xi32>
        %ge3A_224 = arith.constant 3.58180785 : f32
        %ge3A_225 = vector.broadcast %ge3A_224 : f32 to vector<16xf32>
        %ge3A_226 = arith.cmpf oge, %mul3A_133, %ge3A_225 : vector<16xf32>
        %jit3A_227 = arith.constant 1 : i32
        %jit3A_228 = arith.constant 0 : i32
        %broadcast_in_dim3A_229 = vector.broadcast %jit3A_227 : i32 to vector<16xi32>
        %broadcast_in_dim3A_230 = vector.broadcast %jit3A_228 : i32 to vector<16xi32>
        %select_n3A_231 = arith.select %ge3A_226, %broadcast_in_dim3A_229, %broadcast_in_dim3A_230 : vector<16xi1>, vector<16xi32>
        %add3A_232 = arith.addi %add3A_223, %select_n3A_231 : vector<16xi32>
        %ge3A_233 = arith.constant 3.75963569 : f32
        %ge3A_234 = vector.broadcast %ge3A_233 : f32 to vector<16xf32>
        %ge3A_235 = arith.cmpf oge, %mul3A_133, %ge3A_234 : vector<16xf32>
        %jit3A_236 = arith.constant 1 : i32
        %jit3A_237 = arith.constant 0 : i32
        %broadcast_in_dim3A_238 = vector.broadcast %jit3A_236 : i32 to vector<16xi32>
        %broadcast_in_dim3A_239 = vector.broadcast %jit3A_237 : i32 to vector<16xi32>
        %select_n3A_240 = arith.select %ge3A_235, %broadcast_in_dim3A_238, %broadcast_in_dim3A_239 : vector<16xi1>, vector<16xi32>
        %add3A_241 = arith.addi %add3A_232, %select_n3A_240 : vector<16xi32>
        %ge3A_242 = arith.constant 3.92519569 : f32
        %ge3A_243 = vector.broadcast %ge3A_242 : f32 to vector<16xf32>
        %ge3A_244 = arith.cmpf oge, %mul3A_133, %ge3A_243 : vector<16xf32>
        %jit3A_245 = arith.constant 1 : i32
        %jit3A_246 = arith.constant 0 : i32
        %broadcast_in_dim3A_247 = vector.broadcast %jit3A_245 : i32 to vector<16xi32>
        %broadcast_in_dim3A_248 = vector.broadcast %jit3A_246 : i32 to vector<16xi32>
        %select_n3A_249 = arith.select %ge3A_244, %broadcast_in_dim3A_247, %broadcast_in_dim3A_248 : vector<16xi1>, vector<16xi32>
        %add3A_250 = arith.addi %add3A_241, %select_n3A_249 : vector<16xi32>
        %ge3A_251 = arith.constant 4.08029652 : f32
        %ge3A_252 = vector.broadcast %ge3A_251 : f32 to vector<16xf32>
        %ge3A_253 = arith.cmpf oge, %mul3A_133, %ge3A_252 : vector<16xf32>
        %jit3A_254 = arith.constant 1 : i32
        %jit3A_255 = arith.constant 0 : i32
        %broadcast_in_dim3A_256 = vector.broadcast %jit3A_254 : i32 to vector<16xi32>
        %broadcast_in_dim3A_257 = vector.broadcast %jit3A_255 : i32 to vector<16xi32>
        %select_n3A_258 = arith.select %ge3A_253, %broadcast_in_dim3A_256, %broadcast_in_dim3A_257 : vector<16xi1>, vector<16xi32>
        %add3A_259 = arith.addi %add3A_250, %select_n3A_258 : vector<16xi32>
        %ge3A_260 = arith.constant 4.22636032 : f32
        %ge3A_261 = vector.broadcast %ge3A_260 : f32 to vector<16xf32>
        %ge3A_262 = arith.cmpf oge, %mul3A_133, %ge3A_261 : vector<16xf32>
        %jit3A_263 = arith.constant 1 : i32
        %jit3A_264 = arith.constant 0 : i32
        %broadcast_in_dim3A_265 = vector.broadcast %jit3A_263 : i32 to vector<16xi32>
        %broadcast_in_dim3A_266 = vector.broadcast %jit3A_264 : i32 to vector<16xi32>
        %select_n3A_267 = arith.select %ge3A_262, %broadcast_in_dim3A_265, %broadcast_in_dim3A_266 : vector<16xi1>, vector<16xi32>
        %add3A_268 = arith.addi %add3A_259, %select_n3A_267 : vector<16xi32>
        %ge3A_269 = arith.constant 4.36452723 : f32
        %ge3A_270 = vector.broadcast %ge3A_269 : f32 to vector<16xf32>
        %ge3A_271 = arith.cmpf oge, %mul3A_133, %ge3A_270 : vector<16xf32>
        %jit3A_272 = arith.constant 1 : i32
        %jit3A_273 = arith.constant 0 : i32
        %broadcast_in_dim3A_274 = vector.broadcast %jit3A_272 : i32 to vector<16xi32>
        %broadcast_in_dim3A_275 = vector.broadcast %jit3A_273 : i32 to vector<16xi32>
        %select_n3A_276 = arith.select %ge3A_271, %broadcast_in_dim3A_274, %broadcast_in_dim3A_275 : vector<16xi1>, vector<16xi32>
        %add3A_277 = arith.addi %add3A_268, %select_n3A_276 : vector<16xi32>
        %ge3A_278 = arith.constant 4.49572659 : f32
        %ge3A_279 = vector.broadcast %ge3A_278 : f32 to vector<16xf32>
        %ge3A_280 = arith.cmpf oge, %mul3A_133, %ge3A_279 : vector<16xf32>
        %jit3A_281 = arith.constant 1 : i32
        %jit3A_282 = arith.constant 0 : i32
        %broadcast_in_dim3A_283 = vector.broadcast %jit3A_281 : i32 to vector<16xi32>
        %broadcast_in_dim3A_284 = vector.broadcast %jit3A_282 : i32 to vector<16xi32>
        %select_n3A_285 = arith.select %ge3A_280, %broadcast_in_dim3A_283, %broadcast_in_dim3A_284 : vector<16xi1>, vector<16xi32>
        %add3A_286 = arith.addi %add3A_277, %select_n3A_285 : vector<16xi32>
        %ge3A_287 = arith.constant 4.62072659 : f32
        %ge3A_288 = vector.broadcast %ge3A_287 : f32 to vector<16xf32>
        %ge3A_289 = arith.cmpf oge, %mul3A_133, %ge3A_288 : vector<16xf32>
        %jit3A_290 = arith.constant 1 : i32
        %jit3A_291 = arith.constant 0 : i32
        %broadcast_in_dim3A_292 = vector.broadcast %jit3A_290 : i32 to vector<16xi32>
        %broadcast_in_dim3A_293 = vector.broadcast %jit3A_291 : i32 to vector<16xi32>
        %select_n3A_294 = arith.select %ge3A_289, %broadcast_in_dim3A_292, %broadcast_in_dim3A_293 : vector<16xi1>, vector<16xi32>
        %add3A_295 = arith.addi %add3A_286, %select_n3A_294 : vector<16xi32>
        %lt3A = arith.constant 4.62072659 : f32
        %lt3A_296 = vector.broadcast %lt3A : f32 to vector<16xf32>
        %lt3A_297 = arith.cmpf olt, %mul3A_133, %lt3A_296 : vector<16xf32>
        %select_n3A_298 = arith.select %lt3A_297, %add3A_295, %convert_element_type3A_153 : vector<16xi1>, vector<16xi32>
        %max3A = arith.constant 0 : i32
        %max3A_299 = vector.broadcast %max3A : i32 to vector<16xi32>
        %max3A_300 = arith.maxsi %select_n3A_298, %max3A_299 : vector<16xi32>
        %min3A = arith.constant 99999 : i32
        %min3A_301 = vector.broadcast %min3A : i32 to vector<16xi32>
        %min3A_302 = arith.minsi %max3A_300, %min3A_301 : vector<16xi32>
        %mul3A_303 = arith.constant 16 : i32
        %mul3A_304 = arith.muli %scan3A_94, %mul3A_303 : i32
        %get3A = arith.index_cast %mul3A_304 : i32 to index
        %get3A_305 = tpu.vector_load %arg6[%get3A] {strides = array<i32>} : memref<128xi32, #tpu.memory_space<vmem>>, vector<16xi32>,
        %get3A_306 = vector.shape_cast %get3A_305 : vector<16xi32> to vector<16xi32>
        %add3A_307 = arith.constant 1 : i32
        %add3A_308 = vector.broadcast %add3A_307 : i32 to vector<16xi32>
        %add3A_309 = arith.addi %min3A_302, %add3A_308 : vector<16xi32>
        %ge3A_310 = arith.constant 100000 : i32
        %ge3A_311 = vector.broadcast %ge3A_310 : i32 to vector<16xi32>
        %ge3A_312 = arith.cmpi sge, %add3A_309, %ge3A_311 : vector<16xi32>
        %add3A_313 = arith.constant 1 : i32
        %add3A_314 = vector.broadcast %add3A_313 : i32 to vector<16xi32>
        %add3A_315 = arith.addi %min3A_302, %add3A_314 : vector<16xi32>
        %jit3A_316 = arith.constant 0 : i32
        %broadcast_in_dim3A_317 = vector.broadcast %jit3A_316 : i32 to vector<16xi32>
        %select_n3A_318 = arith.select %ge3A_312, %broadcast_in_dim3A_317, %add3A_315 : vector<16xi1>, vector<16xi32>
        %eq3A = arith.cmpi eq, %min3A_302, %get3A_306 : vector<16xi32>
        %select_n3A_319 = arith.select %eq3A, %select_n3A_318, %min3A_302 : vector<16xi1>, vector<16xi32>
        %mul3A_320 = arith.constant 16 : i32
        %mul3A_321 = arith.muli %scan3A_94, %mul3A_320 : i32
        %swap3A = arith.index_cast %mul3A_321 : i32 to index
        %swap3A_322 = tpu.vector_load %arg7[%swap3A] {strides = array<i32>} : memref<128xi32, #tpu.memory_space<vmem>>, vector<16xi32>,
        %swap3A_323 = vector.shape_cast %swap3A_322 : vector<16xi32> to vector<16xi32>
        %swap3A_324 = vector.shape_cast %select_n3A_319 : vector<16xi32> to vector<16xi32>
        tpu.vector_store %arg7[%swap3A], %swap3A_324 {strides = array<i32>} : memref<128xi32, #tpu.memory_space<vmem>>, vector<16xi32>,
        %scan3A_325 = arith.constant 0 : i32
        scf.yield %scan3A_325 : i32
      }
      %scan3A_54 = arith.constant 8 : i32
      %dma_start3A_55 = arith.constant 0 : i32
      %dma_start3A_56 = arith.constant 0 : i32
      %dma_start3A_57 = tpu.memref_slice %arg2[%dma_start3A_55, %dma_start3A_56] : memref<100000x128xf32, #tpu.memory_space<hbm>> -> memref<100000x128xf32, #tpu.memory_space<hbm>>
      tpu.enqueue_indirect_dma source(%dma_start3A_57 : memref<100000x128xf32, #tpu.memory_space<hbm>>) target(%arg9 : memref<128x128xf32, #tpu.memory_space<vmem>>) offsets(%arg7 : memref<128xi32, #tpu.memory_space<vmem>>) semaphore(%arg10 : memref<!tpu.dma_semaphore, #tpu.memory_space<semaphore_mem>>)
      %dma_wait3A_58 = arith.constant 0 : i32
      %dma_wait3A_59 = arith.constant 0 : i32
      %dma_wait3A_60 = tpu.memref_slice %arg2[%dma_wait3A_58, %dma_wait3A_59] : memref<100000x128xf32, #tpu.memory_space<hbm>> -> memref<100000x128xf32, #tpu.memory_space<hbm>>
      tpu.wait_indirect_dma semaphore(%arg10 : memref<!tpu.dma_semaphore, #tpu.memory_space<semaphore_mem>>) src(%dma_wait3A_60 : memref<100000x128xf32, #tpu.memory_space<hbm>>) dst(%arg9 : memref<128x128xf32, #tpu.memory_space<vmem>>)
      %add3A_61 = arith.constant 32768 : i32
      %add3A_62 = arith.addi %add3A_61, %add3A_13 : i32
      "tpu.region"() ({
        %run_scoped3A = tpu.sem_alloc : memref<!tpu.dma_semaphore, #tpu.memory_space<semaphore_mem>>
        %dma_start3A_94 = arith.constant 0 : i32
        %dma_start3A_95 = tpu.memref_slice %arg5[%add3A_62, %dma_start3A_94] : memref<81920x128xf32, #tpu.memory_space<hbm>> -> memref<128x128xf32, #tpu.memory_space<hbm>>
        %dma_start3A_96 = arith.constant 0 : i32
        %dma_start3A_97 = tpu.memref_slice %arg5[%add3A_62, %dma_start3A_96] : memref<81920x128xf32, #tpu.memory_space<hbm>> -> memref<128x128xf32, #tpu.memory_space<hbm>>
        tpu.enqueue_dma source(%arg9 : memref<128x128xf32, #tpu.memory_space<vmem>>) target(%dma_start3A_97 : memref<128x128xf32, #tpu.memory_space<hbm>>) target_semaphore(%run_scoped3A : memref<!tpu.dma_semaphore, #tpu.memory_space<semaphore_mem>>)
        %dma_wait3A_98 = arith.constant 0 : i32
        %dma_wait3A_99 = tpu.memref_slice %arg5[%add3A_62, %dma_wait3A_98] : memref<81920x128xf32, #tpu.memory_space<hbm>> -> memref<128x128xf32, #tpu.memory_space<hbm>>
        %dma_wait3A_100 = arith.constant 0 : i32
        %dma_wait3A_101 = tpu.memref_slice %arg5[%add3A_62, %dma_wait3A_100] : memref<81920x128xf32, #tpu.memory_space<hbm>> -> memref<128x128xf32, #tpu.memory_space<hbm>>
        tpu.wait_dma2 semaphore(%run_scoped3A : memref<!tpu.dma_semaphore, #tpu.memory_space<semaphore_mem>>) src(%arg9 : memref<128x128xf32, #tpu.memory_space<vmem>>) dst(%dma_wait3A_101 : memref<128x128xf32, #tpu.memory_space<hbm>>)
        tpu.yield
      }) : () -> ()
      %scan3A_63 = arith.constant 0 : i32
      %scan3A_64 = arith.constant 0 : i32
      %scan3A_65 = arith.constant 8 : i32
      %scan3A_66 = arith.addi %scan3A_64, %scan3A_65 : i32
      %scan3A_67 = arith.constant 1 : i32
      %scan3A_68 = scf.for %scan3A_94 = %scan3A_64 to %scan3A_66 step %scan3A_67 iter_args(%scan3A_95 = %scan3A_63) -> (i32)  : i32 {
        %iota3A = tpu.iota {dimensions = array<i32: 0>} : vector<16xi32>
        %mul3A_96 = arith.constant 16 : i32
        %mul3A_97 = arith.muli %scan3A_94, %mul3A_96 : i32
        %add3A_98 = arith.addi %add3A_13, %mul3A_97 : i32
        %add3A_99 = vector.broadcast %add3A_98 : i32 to vector<16xi32>
        %add3A_100 = arith.addi %add3A_99, %iota3A : vector<16xi32>
        %mul3A_101 = arith.constant 5 : i32
        %mul3A_102 = vector.broadcast %mul3A_101 : i32 to vector<16xi32>
        %mul3A_103 = arith.muli %add3A_100, %mul3A_102 : vector<16xi32>
        %add3A_104 = arith.constant 3 : i32
        %add3A_105 = vector.broadcast %add3A_104 : i32 to vector<16xi32>
        %add3A_106 = arith.addi %mul3A_103, %add3A_105 : vector<16xi32>
        %mul3A_107 = arith.constant -1640531527 : i32
        %mul3A_108 = vector.broadcast %mul3A_107 : i32 to vector<16xi32>
        %mul3A_109 = arith.muli %add3A_106, %mul3A_108 : vector<16xi32>
        %shift_right_logical3A = arith.constant 16 : i32
        %shift_right_logical3A_110 = vector.broadcast %shift_right_logical3A : i32 to vector<16xi32>
        %shift_right_logical3A_111 = arith.shrui %mul3A_109, %shift_right_logical3A_110 : vector<16xi32>
        %xor3A = arith.xori %mul3A_109, %shift_right_logical3A_111 : vector<16xi32>
        %mul3A_112 = arith.constant -2048144789 : i32
        %mul3A_113 = vector.broadcast %mul3A_112 : i32 to vector<16xi32>
        %mul3A_114 = arith.muli %xor3A, %mul3A_113 : vector<16xi32>
        %shift_right_logical3A_115 = arith.constant 13 : i32
        %shift_right_logical3A_116 = vector.broadcast %shift_right_logical3A_115 : i32 to vector<16xi32>
        %shift_right_logical3A_117 = arith.shrui %mul3A_114, %shift_right_logical3A_116 : vector<16xi32>
        %xor3A_118 = arith.xori %mul3A_114, %shift_right_logical3A_117 : vector<16xi32>
        %mul3A_119 = arith.constant -1028477387 : i32
        %mul3A_120 = vector.broadcast %mul3A_119 : i32 to vector<16xi32>
        %mul3A_121 = arith.muli %xor3A_118, %mul3A_120 : vector<16xi32>
        %shift_right_logical3A_122 = arith.constant 16 : i32
        %shift_right_logical3A_123 = vector.broadcast %shift_right_logical3A_122 : i32 to vector<16xi32>
        %shift_right_logical3A_124 = arith.shrui %mul3A_121, %shift_right_logical3A_123 : vector<16xi32>
        %xor3A_125 = arith.xori %mul3A_121, %shift_right_logical3A_124 : vector<16xi32>
        %and3A = arith.constant 16777215 : i32
        %and3A_126 = vector.broadcast %and3A : i32 to vector<16xi32>
        %and3A_127 = arith.andi %xor3A_125, %and3A_126 : vector<16xi32>
        %convert_element_type3A = arith.uitofp %and3A_127 : vector<16xi32> to vector<16xf32>
        %mul3A_128 = arith.constant 5.96046448E-8 : f32
        %mul3A_129 = vector.broadcast %mul3A_128 : f32 to vector<16xf32>
        %mul3A_130 = arith.mulf %convert_element_type3A, %mul3A_129 : vector<16xf32>
        %mul3A_131 = arith.constant 67.6899796 : f32
        %mul3A_132 = vector.broadcast %mul3A_131 : f32 to vector<16xf32>
        %mul3A_133 = arith.mulf %mul3A_130, %mul3A_132 : vector<16xf32>
        %sub3A = arith.constant -3.44128537 : f32
        %sub3A_134 = vector.broadcast %sub3A : f32 to vector<16xf32>
        %sub3A_135 = arith.subf %mul3A_133, %sub3A_134 : vector<16xf32>
        %mul3A_136 = arith.constant 2.500000e-01 : f32
        %mul3A_137 = vector.broadcast %mul3A_136 : f32 to vector<16xf32>
        %mul3A_138 = arith.mulf %sub3A_135, %mul3A_137 : vector<16xf32>
        %sub3A_139 = arith.constant -3.44128537 : f32
        %sub3A_140 = vector.broadcast %sub3A_139 : f32 to vector<16xf32>
        %sub3A_141 = arith.subf %mul3A_133, %sub3A_140 : vector<16xf32>
        %mul3A_142 = arith.mulf %mul3A_138, %mul3A_138 : vector<16xf32>
        %mul3A_143 = arith.mulf %mul3A_142, %mul3A_138 : vector<16xf32>
        %div3A = arith.constant 5.000000e-01 : f32
        %div3A_144 = vector.broadcast %div3A : f32 to vector<16xf32>
        %div3A_145 = arith.divf %div3A_144, %mul3A_143 : vector<16xf32>
        %sub3A_146 = arith.subf %sub3A_141, %div3A_145 : vector<16xf32>
        %mul3A_147 = arith.constant 2.500000e-01 : f32
        %mul3A_148 = vector.broadcast %mul3A_147 : f32 to vector<16xf32>
        %mul3A_149 = arith.mulf %sub3A_146, %mul3A_148 : vector<16xf32>
        %mul3A_150 = arith.mulf %mul3A_149, %mul3A_149 : vector<16xf32>
        %mul3A_151 = arith.mulf %mul3A_149, %mul3A_149 : vector<16xf32>
        %mul3A_152 = arith.mulf %mul3A_150, %mul3A_151 : vector<16xf32>
        %convert_element_type3A_153 = arith.fptosi %mul3A_152 : vector<16xf32> to vector<16xi32>
        %broadcast_in_dim3A = arith.constant 0 : i32
        %broadcast_in_dim3A_154 = vector.broadcast %broadcast_in_dim3A : i32 to vector<16xi32>
        %ge3A = arith.constant 1.000000e+00 : f32
        %ge3A_155 = vector.broadcast %ge3A : f32 to vector<16xf32>
        %ge3A_156 = arith.cmpf oge, %mul3A_133, %ge3A_155 : vector<16xf32>
        %jit3A = arith.constant 1 : i32
        %jit3A_157 = arith.constant 0 : i32
        %broadcast_in_dim3A_158 = vector.broadcast %jit3A : i32 to vector<16xi32>
        %broadcast_in_dim3A_159 = vector.broadcast %jit3A_157 : i32 to vector<16xi32>
        %select_n3A = arith.select %ge3A_156, %broadcast_in_dim3A_158, %broadcast_in_dim3A_159 : vector<16xi1>, vector<16xi32>
        %add3A_160 = arith.addi %broadcast_in_dim3A_154, %select_n3A : vector<16xi32>
        %ge3A_161 = arith.constant 1.59460354 : f32
        %ge3A_162 = vector.broadcast %ge3A_161 : f32 to vector<16xf32>
        %ge3A_163 = arith.cmpf oge, %mul3A_133, %ge3A_162 : vector<16xf32>
        %jit3A_164 = arith.constant 1 : i32
        %jit3A_165 = arith.constant 0 : i32
        %broadcast_in_dim3A_166 = vector.broadcast %jit3A_164 : i32 to vector<16xi32>
        %broadcast_in_dim3A_167 = vector.broadcast %jit3A_165 : i32 to vector<16xi32>
        %select_n3A_168 = arith.select %ge3A_163, %broadcast_in_dim3A_166, %broadcast_in_dim3A_167 : vector<16xi1>, vector<16xi32>
        %add3A_169 = arith.addi %add3A_160, %select_n3A_168 : vector<16xi32>
        %ge3A_170 = arith.constant 2.03329492 : f32
        %ge3A_171 = vector.broadcast %ge3A_170 : f32 to vector<16xf32>
        %ge3A_172 = arith.cmpf oge, %mul3A_133, %ge3A_171 : vector<16xf32>
        %jit3A_173 = arith.constant 1 : i32
        %jit3A_174 = arith.constant 0 : i32
        %broadcast_in_dim3A_175 = vector.broadcast %jit3A_173 : i32 to vector<16xi32>
        %broadcast_in_dim3A_176 = vector.broadcast %jit3A_174 : i32 to vector<16xi32>
        %select_n3A_177 = arith.select %ge3A_172, %broadcast_in_dim3A_175, %broadcast_in_dim3A_176 : vector<16xi1>, vector<16xi32>
        %add3A_178 = arith.addi %add3A_169, %select_n3A_177 : vector<16xi32>
        %ge3A_179 = arith.constant 2.38684821 : f32
        %ge3A_180 = vector.broadcast %ge3A_179 : f32 to vector<16xf32>
        %ge3A_181 = arith.cmpf oge, %mul3A_133, %ge3A_180 : vector<16xf32>
        %jit3A_182 = arith.constant 1 : i32
        %jit3A_183 = arith.constant 0 : i32
        %broadcast_in_dim3A_184 = vector.broadcast %jit3A_182 : i32 to vector<16xi32>
        %broadcast_in_dim3A_185 = vector.broadcast %jit3A_183 : i32 to vector<16xi32>
        %select_n3A_186 = arith.select %ge3A_181, %broadcast_in_dim3A_184, %broadcast_in_dim3A_185 : vector<16xi1>, vector<16xi32>
        %add3A_187 = arith.addi %add3A_178, %select_n3A_186 : vector<16xi32>
        %ge3A_188 = arith.constant 2.68591809 : f32
        %ge3A_189 = vector.broadcast %ge3A_188 : f32 to vector<16xf32>
        %ge3A_190 = arith.cmpf oge, %mul3A_133, %ge3A_189 : vector<16xf32>
        %jit3A_191 = arith.constant 1 : i32
        %jit3A_192 = arith.constant 0 : i32
        %broadcast_in_dim3A_193 = vector.broadcast %jit3A_191 : i32 to vector<16xi32>
        %broadcast_in_dim3A_194 = vector.broadcast %jit3A_192 : i32 to vector<16xi32>
        %select_n3A_195 = arith.select %ge3A_190, %broadcast_in_dim3A_193, %broadcast_in_dim3A_194 : vector<16xi1>, vector<16xi32>
        %add3A_196 = arith.addi %add3A_187, %select_n3A_195 : vector<16xi32>
        %ge3A_197 = arith.constant 2.94676542 : f32
        %ge3A_198 = vector.broadcast %ge3A_197 : f32 to vector<16xf32>
        %ge3A_199 = arith.cmpf oge, %mul3A_133, %ge3A_198 : vector<16xf32>
        %jit3A_200 = arith.constant 1 : i32
        %jit3A_201 = arith.constant 0 : i32
        %broadcast_in_dim3A_202 = vector.broadcast %jit3A_200 : i32 to vector<16xi32>
        %broadcast_in_dim3A_203 = vector.broadcast %jit3A_201 : i32 to vector<16xi32>
        %select_n3A_204 = arith.select %ge3A_199, %broadcast_in_dim3A_202, %broadcast_in_dim3A_203 : vector<16xi1>, vector<16xi32>
        %add3A_205 = arith.addi %add3A_196, %select_n3A_204 : vector<16xi32>
        %ge3A_206 = arith.constant 3.17913365 : f32
        %ge3A_207 = vector.broadcast %ge3A_206 : f32 to vector<16xf32>
        %ge3A_208 = arith.cmpf oge, %mul3A_133, %ge3A_207 : vector<16xf32>
        %jit3A_209 = arith.constant 1 : i32
        %jit3A_210 = arith.constant 0 : i32
        %broadcast_in_dim3A_211 = vector.broadcast %jit3A_209 : i32 to vector<16xi32>
        %broadcast_in_dim3A_212 = vector.broadcast %jit3A_210 : i32 to vector<16xi32>
        %select_n3A_213 = arith.select %ge3A_208, %broadcast_in_dim3A_211, %broadcast_in_dim3A_212 : vector<16xi1>, vector<16xi32>
        %add3A_214 = arith.addi %add3A_205, %select_n3A_213 : vector<16xi32>
        %ge3A_215 = arith.constant 3.38935757 : f32
        %ge3A_216 = vector.broadcast %ge3A_215 : f32 to vector<16xf32>
        %ge3A_217 = arith.cmpf oge, %mul3A_133, %ge3A_216 : vector<16xf32>
        %jit3A_218 = arith.constant 1 : i32
        %jit3A_219 = arith.constant 0 : i32
        %broadcast_in_dim3A_220 = vector.broadcast %jit3A_218 : i32 to vector<16xi32>
        %broadcast_in_dim3A_221 = vector.broadcast %jit3A_219 : i32 to vector<16xi32>
        %select_n3A_222 = arith.select %ge3A_217, %broadcast_in_dim3A_220, %broadcast_in_dim3A_221 : vector<16xi1>, vector<16xi32>
        %add3A_223 = arith.addi %add3A_214, %select_n3A_222 : vector<16xi32>
        %ge3A_224 = arith.constant 3.58180785 : f32
        %ge3A_225 = vector.broadcast %ge3A_224 : f32 to vector<16xf32>
        %ge3A_226 = arith.cmpf oge, %mul3A_133, %ge3A_225 : vector<16xf32>
        %jit3A_227 = arith.constant 1 : i32
        %jit3A_228 = arith.constant 0 : i32
        %broadcast_in_dim3A_229 = vector.broadcast %jit3A_227 : i32 to vector<16xi32>
        %broadcast_in_dim3A_230 = vector.broadcast %jit3A_228 : i32 to vector<16xi32>
        %select_n3A_231 = arith.select %ge3A_226, %broadcast_in_dim3A_229, %broadcast_in_dim3A_230 : vector<16xi1>, vector<16xi32>
        %add3A_232 = arith.addi %add3A_223, %select_n3A_231 : vector<16xi32>
        %ge3A_233 = arith.constant 3.75963569 : f32
        %ge3A_234 = vector.broadcast %ge3A_233 : f32 to vector<16xf32>
        %ge3A_235 = arith.cmpf oge, %mul3A_133, %ge3A_234 : vector<16xf32>
        %jit3A_236 = arith.constant 1 : i32
        %jit3A_237 = arith.constant 0 : i32
        %broadcast_in_dim3A_238 = vector.broadcast %jit3A_236 : i32 to vector<16xi32>
        %broadcast_in_dim3A_239 = vector.broadcast %jit3A_237 : i32 to vector<16xi32>
        %select_n3A_240 = arith.select %ge3A_235, %broadcast_in_dim3A_238, %broadcast_in_dim3A_239 : vector<16xi1>, vector<16xi32>
        %add3A_241 = arith.addi %add3A_232, %select_n3A_240 : vector<16xi32>
        %ge3A_242 = arith.constant 3.92519569 : f32
        %ge3A_243 = vector.broadcast %ge3A_242 : f32 to vector<16xf32>
        %ge3A_244 = arith.cmpf oge, %mul3A_133, %ge3A_243 : vector<16xf32>
        %jit3A_245 = arith.constant 1 : i32
        %jit3A_246 = arith.constant 0 : i32
        %broadcast_in_dim3A_247 = vector.broadcast %jit3A_245 : i32 to vector<16xi32>
        %broadcast_in_dim3A_248 = vector.broadcast %jit3A_246 : i32 to vector<16xi32>
        %select_n3A_249 = arith.select %ge3A_244, %broadcast_in_dim3A_247, %broadcast_in_dim3A_248 : vector<16xi1>, vector<16xi32>
        %add3A_250 = arith.addi %add3A_241, %select_n3A_249 : vector<16xi32>
        %ge3A_251 = arith.constant 4.08029652 : f32
        %ge3A_252 = vector.broadcast %ge3A_251 : f32 to vector<16xf32>
        %ge3A_253 = arith.cmpf oge, %mul3A_133, %ge3A_252 : vector<16xf32>
        %jit3A_254 = arith.constant 1 : i32
        %jit3A_255 = arith.constant 0 : i32
        %broadcast_in_dim3A_256 = vector.broadcast %jit3A_254 : i32 to vector<16xi32>
        %broadcast_in_dim3A_257 = vector.broadcast %jit3A_255 : i32 to vector<16xi32>
        %select_n3A_258 = arith.select %ge3A_253, %broadcast_in_dim3A_256, %broadcast_in_dim3A_257 : vector<16xi1>, vector<16xi32>
        %add3A_259 = arith.addi %add3A_250, %select_n3A_258 : vector<16xi32>
        %ge3A_260 = arith.constant 4.22636032 : f32
        %ge3A_261 = vector.broadcast %ge3A_260 : f32 to vector<16xf32>
        %ge3A_262 = arith.cmpf oge, %mul3A_133, %ge3A_261 : vector<16xf32>
        %jit3A_263 = arith.constant 1 : i32
        %jit3A_264 = arith.constant 0 : i32
        %broadcast_in_dim3A_265 = vector.broadcast %jit3A_263 : i32 to vector<16xi32>
        %broadcast_in_dim3A_266 = vector.broadcast %jit3A_264 : i32 to vector<16xi32>
        %select_n3A_267 = arith.select %ge3A_262, %broadcast_in_dim3A_265, %broadcast_in_dim3A_266 : vector<16xi1>, vector<16xi32>
        %add3A_268 = arith.addi %add3A_259, %select_n3A_267 : vector<16xi32>
        %ge3A_269 = arith.constant 4.36452723 : f32
        %ge3A_270 = vector.broadcast %ge3A_269 : f32 to vector<16xf32>
        %ge3A_271 = arith.cmpf oge, %mul3A_133, %ge3A_270 : vector<16xf32>
        %jit3A_272 = arith.constant 1 : i32
        %jit3A_273 = arith.constant 0 : i32
        %broadcast_in_dim3A_274 = vector.broadcast %jit3A_272 : i32 to vector<16xi32>
        %broadcast_in_dim3A_275 = vector.broadcast %jit3A_273 : i32 to vector<16xi32>
        %select_n3A_276 = arith.select %ge3A_271, %broadcast_in_dim3A_274, %broadcast_in_dim3A_275 : vector<16xi1>, vector<16xi32>
        %add3A_277 = arith.addi %add3A_268, %select_n3A_276 : vector<16xi32>
        %ge3A_278 = arith.constant 4.49572659 : f32
        %ge3A_279 = vector.broadcast %ge3A_278 : f32 to vector<16xf32>
        %ge3A_280 = arith.cmpf oge, %mul3A_133, %ge3A_279 : vector<16xf32>
        %jit3A_281 = arith.constant 1 : i32
        %jit3A_282 = arith.constant 0 : i32
        %broadcast_in_dim3A_283 = vector.broadcast %jit3A_281 : i32 to vector<16xi32>
        %broadcast_in_dim3A_284 = vector.broadcast %jit3A_282 : i32 to vector<16xi32>
        %select_n3A_285 = arith.select %ge3A_280, %broadcast_in_dim3A_283, %broadcast_in_dim3A_284 : vector<16xi1>, vector<16xi32>
        %add3A_286 = arith.addi %add3A_277, %select_n3A_285 : vector<16xi32>
        %ge3A_287 = arith.constant 4.62072659 : f32
        %ge3A_288 = vector.broadcast %ge3A_287 : f32 to vector<16xf32>
        %ge3A_289 = arith.cmpf oge, %mul3A_133, %ge3A_288 : vector<16xf32>
        %jit3A_290 = arith.constant 1 : i32
        %jit3A_291 = arith.constant 0 : i32
        %broadcast_in_dim3A_292 = vector.broadcast %jit3A_290 : i32 to vector<16xi32>
        %broadcast_in_dim3A_293 = vector.broadcast %jit3A_291 : i32 to vector<16xi32>
        %select_n3A_294 = arith.select %ge3A_289, %broadcast_in_dim3A_292, %broadcast_in_dim3A_293 : vector<16xi1>, vector<16xi32>
        %add3A_295 = arith.addi %add3A_286, %select_n3A_294 : vector<16xi32>
        %lt3A = arith.constant 4.62072659 : f32
        %lt3A_296 = vector.broadcast %lt3A : f32 to vector<16xf32>
        %lt3A_297 = arith.cmpf olt, %mul3A_133, %lt3A_296 : vector<16xf32>
        %select_n3A_298 = arith.select %lt3A_297, %add3A_295, %convert_element_type3A_153 : vector<16xi1>, vector<16xi32>
        %max3A = arith.constant 0 : i32
        %max3A_299 = vector.broadcast %max3A : i32 to vector<16xi32>
        %max3A_300 = arith.maxsi %select_n3A_298, %max3A_299 : vector<16xi32>
        %min3A = arith.constant 99999 : i32
        %min3A_301 = vector.broadcast %min3A : i32 to vector<16xi32>
        %min3A_302 = arith.minsi %max3A_300, %min3A_301 : vector<16xi32>
        %mul3A_303 = arith.constant 16 : i32
        %mul3A_304 = arith.muli %scan3A_94, %mul3A_303 : i32
        %get3A = arith.index_cast %mul3A_304 : i32 to index
        %get3A_305 = tpu.vector_load %arg6[%get3A] {strides = array<i32>} : memref<128xi32, #tpu.memory_space<vmem>>, vector<16xi32>,
        %get3A_306 = vector.shape_cast %get3A_305 : vector<16xi32> to vector<16xi32>
        %add3A_307 = arith.constant 1 : i32
        %add3A_308 = vector.broadcast %add3A_307 : i32 to vector<16xi32>
        %add3A_309 = arith.addi %min3A_302, %add3A_308 : vector<16xi32>
        %ge3A_310 = arith.constant 100000 : i32
        %ge3A_311 = vector.broadcast %ge3A_310 : i32 to vector<16xi32>
        %ge3A_312 = arith.cmpi sge, %add3A_309, %ge3A_311 : vector<16xi32>
        %add3A_313 = arith.constant 1 : i32
        %add3A_314 = vector.broadcast %add3A_313 : i32 to vector<16xi32>
        %add3A_315 = arith.addi %min3A_302, %add3A_314 : vector<16xi32>
        %jit3A_316 = arith.constant 0 : i32
        %broadcast_in_dim3A_317 = vector.broadcast %jit3A_316 : i32 to vector<16xi32>
        %select_n3A_318 = arith.select %ge3A_312, %broadcast_in_dim3A_317, %add3A_315 : vector<16xi1>, vector<16xi32>
        %eq3A = arith.cmpi eq, %min3A_302, %get3A_306 : vector<16xi32>
        %select_n3A_319 = arith.select %eq3A, %select_n3A_318, %min3A_302 : vector<16xi1>, vector<16xi32>
        %mul3A_320 = arith.constant 16 : i32
        %mul3A_321 = arith.muli %scan3A_94, %mul3A_320 : i32
        %swap3A = arith.index_cast %mul3A_321 : i32 to index
        %swap3A_322 = tpu.vector_load %arg7[%swap3A] {strides = array<i32>} : memref<128xi32, #tpu.memory_space<vmem>>, vector<16xi32>,
        %swap3A_323 = vector.shape_cast %swap3A_322 : vector<16xi32> to vector<16xi32>
        %swap3A_324 = vector.shape_cast %select_n3A_319 : vector<16xi32> to vector<16xi32>
        tpu.vector_store %arg7[%swap3A], %swap3A_324 {strides = array<i32>} : memref<128xi32, #tpu.memory_space<vmem>>, vector<16xi32>,
        %scan3A_325 = arith.constant 0 : i32
        scf.yield %scan3A_325 : i32
      }
      %scan3A_69 = arith.constant 8 : i32
      %dma_start3A_70 = arith.constant 0 : i32
      %dma_start3A_71 = arith.constant 0 : i32
      %dma_start3A_72 = tpu.memref_slice %arg2[%dma_start3A_70, %dma_start3A_71] : memref<100000x128xf32, #tpu.memory_space<hbm>> -> memref<100000x128xf32, #tpu.memory_space<hbm>>
      tpu.enqueue_indirect_dma source(%dma_start3A_72 : memref<100000x128xf32, #tpu.memory_space<hbm>>) target(%arg9 : memref<128x128xf32, #tpu.memory_space<vmem>>) offsets(%arg7 : memref<128xi32, #tpu.memory_space<vmem>>) semaphore(%arg10 : memref<!tpu.dma_semaphore, #tpu.memory_space<semaphore_mem>>)
      %dma_wait3A_73 = arith.constant 0 : i32
      %dma_wait3A_74 = arith.constant 0 : i32
      %dma_wait3A_75 = tpu.memref_slice %arg2[%dma_wait3A_73, %dma_wait3A_74] : memref<100000x128xf32, #tpu.memory_space<hbm>> -> memref<100000x128xf32, #tpu.memory_space<hbm>>
      tpu.wait_indirect_dma semaphore(%arg10 : memref<!tpu.dma_semaphore, #tpu.memory_space<semaphore_mem>>) src(%dma_wait3A_75 : memref<100000x128xf32, #tpu.memory_space<hbm>>) dst(%arg9 : memref<128x128xf32, #tpu.memory_space<vmem>>)
      %add3A_76 = arith.constant 49152 : i32
      %add3A_77 = arith.addi %add3A_76, %add3A_13 : i32
      "tpu.region"() ({
        %run_scoped3A = tpu.sem_alloc : memref<!tpu.dma_semaphore, #tpu.memory_space<semaphore_mem>>
        %dma_start3A_94 = arith.constant 0 : i32
        %dma_start3A_95 = tpu.memref_slice %arg5[%add3A_77, %dma_start3A_94] : memref<81920x128xf32, #tpu.memory_space<hbm>> -> memref<128x128xf32, #tpu.memory_space<hbm>>
        %dma_start3A_96 = arith.constant 0 : i32
        %dma_start3A_97 = tpu.memref_slice %arg5[%add3A_77, %dma_start3A_96] : memref<81920x128xf32, #tpu.memory_space<hbm>> -> memref<128x128xf32, #tpu.memory_space<hbm>>
        tpu.enqueue_dma source(%arg9 : memref<128x128xf32, #tpu.memory_space<vmem>>) target(%dma_start3A_97 : memref<128x128xf32, #tpu.memory_space<hbm>>) target_semaphore(%run_scoped3A : memref<!tpu.dma_semaphore, #tpu.memory_space<semaphore_mem>>)
        %dma_wait3A_98 = arith.constant 0 : i32
        %dma_wait3A_99 = tpu.memref_slice %arg5[%add3A_77, %dma_wait3A_98] : memref<81920x128xf32, #tpu.memory_space<hbm>> -> memref<128x128xf32, #tpu.memory_space<hbm>>
        %dma_wait3A_100 = arith.constant 0 : i32
        %dma_wait3A_101 = tpu.memref_slice %arg5[%add3A_77, %dma_wait3A_100] : memref<81920x128xf32, #tpu.memory_space<hbm>> -> memref<128x128xf32, #tpu.memory_space<hbm>>
        tpu.wait_dma2 semaphore(%run_scoped3A : memref<!tpu.dma_semaphore, #tpu.memory_space<semaphore_mem>>) src(%arg9 : memref<128x128xf32, #tpu.memory_space<vmem>>) dst(%dma_wait3A_101 : memref<128x128xf32, #tpu.memory_space<hbm>>)
        tpu.yield
      }) : () -> ()
      %scan3A_78 = arith.constant 0 : i32
      %scan3A_79 = arith.constant 0 : i32
      %scan3A_80 = arith.constant 8 : i32
      %scan3A_81 = arith.addi %scan3A_79, %scan3A_80 : i32
      %scan3A_82 = arith.constant 1 : i32
      %scan3A_83 = scf.for %scan3A_94 = %scan3A_79 to %scan3A_81 step %scan3A_82 iter_args(%scan3A_95 = %scan3A_78) -> (i32)  : i32 {
        %iota3A = tpu.iota {dimensions = array<i32: 0>} : vector<16xi32>
        %mul3A_96 = arith.constant 16 : i32
        %mul3A_97 = arith.muli %scan3A_94, %mul3A_96 : i32
        %add3A_98 = arith.addi %add3A_13, %mul3A_97 : i32
        %add3A_99 = vector.broadcast %add3A_98 : i32 to vector<16xi32>
        %add3A_100 = arith.addi %add3A_99, %iota3A : vector<16xi32>
        %mul3A_101 = arith.constant 5 : i32
        %mul3A_102 = vector.broadcast %mul3A_101 : i32 to vector<16xi32>
        %mul3A_103 = arith.muli %add3A_100, %mul3A_102 : vector<16xi32>
        %add3A_104 = arith.constant 4 : i32
        %add3A_105 = vector.broadcast %add3A_104 : i32 to vector<16xi32>
        %add3A_106 = arith.addi %mul3A_103, %add3A_105 : vector<16xi32>
        %mul3A_107 = arith.constant -1640531527 : i32
        %mul3A_108 = vector.broadcast %mul3A_107 : i32 to vector<16xi32>
        %mul3A_109 = arith.muli %add3A_106, %mul3A_108 : vector<16xi32>
        %shift_right_logical3A = arith.constant 16 : i32
        %shift_right_logical3A_110 = vector.broadcast %shift_right_logical3A : i32 to vector<16xi32>
        %shift_right_logical3A_111 = arith.shrui %mul3A_109, %shift_right_logical3A_110 : vector<16xi32>
        %xor3A = arith.xori %mul3A_109, %shift_right_logical3A_111 : vector<16xi32>
        %mul3A_112 = arith.constant -2048144789 : i32
        %mul3A_113 = vector.broadcast %mul3A_112 : i32 to vector<16xi32>
        %mul3A_114 = arith.muli %xor3A, %mul3A_113 : vector<16xi32>
        %shift_right_logical3A_115 = arith.constant 13 : i32
        %shift_right_logical3A_116 = vector.broadcast %shift_right_logical3A_115 : i32 to vector<16xi32>
        %shift_right_logical3A_117 = arith.shrui %mul3A_114, %shift_right_logical3A_116 : vector<16xi32>
        %xor3A_118 = arith.xori %mul3A_114, %shift_right_logical3A_117 : vector<16xi32>
        %mul3A_119 = arith.constant -1028477387 : i32
        %mul3A_120 = vector.broadcast %mul3A_119 : i32 to vector<16xi32>
        %mul3A_121 = arith.muli %xor3A_118, %mul3A_120 : vector<16xi32>
        %shift_right_logical3A_122 = arith.constant 16 : i32
        %shift_right_logical3A_123 = vector.broadcast %shift_right_logical3A_122 : i32 to vector<16xi32>
        %shift_right_logical3A_124 = arith.shrui %mul3A_121, %shift_right_logical3A_123 : vector<16xi32>
        %xor3A_125 = arith.xori %mul3A_121, %shift_right_logical3A_124 : vector<16xi32>
        %and3A = arith.constant 16777215 : i32
        %and3A_126 = vector.broadcast %and3A : i32 to vector<16xi32>
        %and3A_127 = arith.andi %xor3A_125, %and3A_126 : vector<16xi32>
        %convert_element_type3A = arith.uitofp %and3A_127 : vector<16xi32> to vector<16xf32>
        %mul3A_128 = arith.constant 5.96046448E-8 : f32
        %mul3A_129 = vector.broadcast %mul3A_128 : f32 to vector<16xf32>
        %mul3A_130 = arith.mulf %convert_element_type3A, %mul3A_129 : vector<16xf32>
        %mul3A_131 = arith.constant 67.6899796 : f32
        %mul3A_132 = vector.broadcast %mul3A_131 : f32 to vector<16xf32>
        %mul3A_133 = arith.mulf %mul3A_130, %mul3A_132 : vector<16xf32>
        %sub3A = arith.constant -3.44128537 : f32
        %sub3A_134 = vector.broadcast %sub3A : f32 to vector<16xf32>
        %sub3A_135 = arith.subf %mul3A_133, %sub3A_134 : vector<16xf32>
        %mul3A_136 = arith.constant 2.500000e-01 : f32
        %mul3A_137 = vector.broadcast %mul3A_136 : f32 to vector<16xf32>
        %mul3A_138 = arith.mulf %sub3A_135, %mul3A_137 : vector<16xf32>
        %sub3A_139 = arith.constant -3.44128537 : f32
        %sub3A_140 = vector.broadcast %sub3A_139 : f32 to vector<16xf32>
        %sub3A_141 = arith.subf %mul3A_133, %sub3A_140 : vector<16xf32>
        %mul3A_142 = arith.mulf %mul3A_138, %mul3A_138 : vector<16xf32>
        %mul3A_143 = arith.mulf %mul3A_142, %mul3A_138 : vector<16xf32>
        %div3A = arith.constant 5.000000e-01 : f32
        %div3A_144 = vector.broadcast %div3A : f32 to vector<16xf32>
        %div3A_145 = arith.divf %div3A_144, %mul3A_143 : vector<16xf32>
        %sub3A_146 = arith.subf %sub3A_141, %div3A_145 : vector<16xf32>
        %mul3A_147 = arith.constant 2.500000e-01 : f32
        %mul3A_148 = vector.broadcast %mul3A_147 : f32 to vector<16xf32>
        %mul3A_149 = arith.mulf %sub3A_146, %mul3A_148 : vector<16xf32>
        %mul3A_150 = arith.mulf %mul3A_149, %mul3A_149 : vector<16xf32>
        %mul3A_151 = arith.mulf %mul3A_149, %mul3A_149 : vector<16xf32>
        %mul3A_152 = arith.mulf %mul3A_150, %mul3A_151 : vector<16xf32>
        %convert_element_type3A_153 = arith.fptosi %mul3A_152 : vector<16xf32> to vector<16xi32>
        %broadcast_in_dim3A = arith.constant 0 : i32
        %broadcast_in_dim3A_154 = vector.broadcast %broadcast_in_dim3A : i32 to vector<16xi32>
        %ge3A = arith.constant 1.000000e+00 : f32
        %ge3A_155 = vector.broadcast %ge3A : f32 to vector<16xf32>
        %ge3A_156 = arith.cmpf oge, %mul3A_133, %ge3A_155 : vector<16xf32>
        %jit3A = arith.constant 1 : i32
        %jit3A_157 = arith.constant 0 : i32
        %broadcast_in_dim3A_158 = vector.broadcast %jit3A : i32 to vector<16xi32>
        %broadcast_in_dim3A_159 = vector.broadcast %jit3A_157 : i32 to vector<16xi32>
        %select_n3A = arith.select %ge3A_156, %broadcast_in_dim3A_158, %broadcast_in_dim3A_159 : vector<16xi1>, vector<16xi32>
        %add3A_160 = arith.addi %broadcast_in_dim3A_154, %select_n3A : vector<16xi32>
        %ge3A_161 = arith.constant 1.59460354 : f32
        %ge3A_162 = vector.broadcast %ge3A_161 : f32 to vector<16xf32>
        %ge3A_163 = arith.cmpf oge, %mul3A_133, %ge3A_162 : vector<16xf32>
        %jit3A_164 = arith.constant 1 : i32
        %jit3A_165 = arith.constant 0 : i32
        %broadcast_in_dim3A_166 = vector.broadcast %jit3A_164 : i32 to vector<16xi32>
        %broadcast_in_dim3A_167 = vector.broadcast %jit3A_165 : i32 to vector<16xi32>
        %select_n3A_168 = arith.select %ge3A_163, %broadcast_in_dim3A_166, %broadcast_in_dim3A_167 : vector<16xi1>, vector<16xi32>
        %add3A_169 = arith.addi %add3A_160, %select_n3A_168 : vector<16xi32>
        %ge3A_170 = arith.constant 2.03329492 : f32
        %ge3A_171 = vector.broadcast %ge3A_170 : f32 to vector<16xf32>
        %ge3A_172 = arith.cmpf oge, %mul3A_133, %ge3A_171 : vector<16xf32>
        %jit3A_173 = arith.constant 1 : i32
        %jit3A_174 = arith.constant 0 : i32
        %broadcast_in_dim3A_175 = vector.broadcast %jit3A_173 : i32 to vector<16xi32>
        %broadcast_in_dim3A_176 = vector.broadcast %jit3A_174 : i32 to vector<16xi32>
        %select_n3A_177 = arith.select %ge3A_172, %broadcast_in_dim3A_175, %broadcast_in_dim3A_176 : vector<16xi1>, vector<16xi32>
        %add3A_178 = arith.addi %add3A_169, %select_n3A_177 : vector<16xi32>
        %ge3A_179 = arith.constant 2.38684821 : f32
        %ge3A_180 = vector.broadcast %ge3A_179 : f32 to vector<16xf32>
        %ge3A_181 = arith.cmpf oge, %mul3A_133, %ge3A_180 : vector<16xf32>
        %jit3A_182 = arith.constant 1 : i32
        %jit3A_183 = arith.constant 0 : i32
        %broadcast_in_dim3A_184 = vector.broadcast %jit3A_182 : i32 to vector<16xi32>
        %broadcast_in_dim3A_185 = vector.broadcast %jit3A_183 : i32 to vector<16xi32>
        %select_n3A_186 = arith.select %ge3A_181, %broadcast_in_dim3A_184, %broadcast_in_dim3A_185 : vector<16xi1>, vector<16xi32>
        %add3A_187 = arith.addi %add3A_178, %select_n3A_186 : vector<16xi32>
        %ge3A_188 = arith.constant 2.68591809 : f32
        %ge3A_189 = vector.broadcast %ge3A_188 : f32 to vector<16xf32>
        %ge3A_190 = arith.cmpf oge, %mul3A_133, %ge3A_189 : vector<16xf32>
        %jit3A_191 = arith.constant 1 : i32
        %jit3A_192 = arith.constant 0 : i32
        %broadcast_in_dim3A_193 = vector.broadcast %jit3A_191 : i32 to vector<16xi32>
        %broadcast_in_dim3A_194 = vector.broadcast %jit3A_192 : i32 to vector<16xi32>
        %select_n3A_195 = arith.select %ge3A_190, %broadcast_in_dim3A_193, %broadcast_in_dim3A_194 : vector<16xi1>, vector<16xi32>
        %add3A_196 = arith.addi %add3A_187, %select_n3A_195 : vector<16xi32>
        %ge3A_197 = arith.constant 2.94676542 : f32
        %ge3A_198 = vector.broadcast %ge3A_197 : f32 to vector<16xf32>
        %ge3A_199 = arith.cmpf oge, %mul3A_133, %ge3A_198 : vector<16xf32>
        %jit3A_200 = arith.constant 1 : i32
        %jit3A_201 = arith.constant 0 : i32
        %broadcast_in_dim3A_202 = vector.broadcast %jit3A_200 : i32 to vector<16xi32>
        %broadcast_in_dim3A_203 = vector.broadcast %jit3A_201 : i32 to vector<16xi32>
        %select_n3A_204 = arith.select %ge3A_199, %broadcast_in_dim3A_202, %broadcast_in_dim3A_203 : vector<16xi1>, vector<16xi32>
        %add3A_205 = arith.addi %add3A_196, %select_n3A_204 : vector<16xi32>
        %ge3A_206 = arith.constant 3.17913365 : f32
        %ge3A_207 = vector.broadcast %ge3A_206 : f32 to vector<16xf32>
        %ge3A_208 = arith.cmpf oge, %mul3A_133, %ge3A_207 : vector<16xf32>
        %jit3A_209 = arith.constant 1 : i32
        %jit3A_210 = arith.constant 0 : i32
        %broadcast_in_dim3A_211 = vector.broadcast %jit3A_209 : i32 to vector<16xi32>
        %broadcast_in_dim3A_212 = vector.broadcast %jit3A_210 : i32 to vector<16xi32>
        %select_n3A_213 = arith.select %ge3A_208, %broadcast_in_dim3A_211, %broadcast_in_dim3A_212 : vector<16xi1>, vector<16xi32>
        %add3A_214 = arith.addi %add3A_205, %select_n3A_213 : vector<16xi32>
        %ge3A_215 = arith.constant 3.38935757 : f32
        %ge3A_216 = vector.broadcast %ge3A_215 : f32 to vector<16xf32>
        %ge3A_217 = arith.cmpf oge, %mul3A_133, %ge3A_216 : vector<16xf32>
        %jit3A_218 = arith.constant 1 : i32
        %jit3A_219 = arith.constant 0 : i32
        %broadcast_in_dim3A_220 = vector.broadcast %jit3A_218 : i32 to vector<16xi32>
        %broadcast_in_dim3A_221 = vector.broadcast %jit3A_219 : i32 to vector<16xi32>
        %select_n3A_222 = arith.select %ge3A_217, %broadcast_in_dim3A_220, %broadcast_in_dim3A_221 : vector<16xi1>, vector<16xi32>
        %add3A_223 = arith.addi %add3A_214, %select_n3A_222 : vector<16xi32>
        %ge3A_224 = arith.constant 3.58180785 : f32
        %ge3A_225 = vector.broadcast %ge3A_224 : f32 to vector<16xf32>
        %ge3A_226 = arith.cmpf oge, %mul3A_133, %ge3A_225 : vector<16xf32>
        %jit3A_227 = arith.constant 1 : i32
        %jit3A_228 = arith.constant 0 : i32
        %broadcast_in_dim3A_229 = vector.broadcast %jit3A_227 : i32 to vector<16xi32>
        %broadcast_in_dim3A_230 = vector.broadcast %jit3A_228 : i32 to vector<16xi32>
        %select_n3A_231 = arith.select %ge3A_226, %broadcast_in_dim3A_229, %broadcast_in_dim3A_230 : vector<16xi1>, vector<16xi32>
        %add3A_232 = arith.addi %add3A_223, %select_n3A_231 : vector<16xi32>
        %ge3A_233 = arith.constant 3.75963569 : f32
        %ge3A_234 = vector.broadcast %ge3A_233 : f32 to vector<16xf32>
        %ge3A_235 = arith.cmpf oge, %mul3A_133, %ge3A_234 : vector<16xf32>
        %jit3A_236 = arith.constant 1 : i32
        %jit3A_237 = arith.constant 0 : i32
        %broadcast_in_dim3A_238 = vector.broadcast %jit3A_236 : i32 to vector<16xi32>
        %broadcast_in_dim3A_239 = vector.broadcast %jit3A_237 : i32 to vector<16xi32>
        %select_n3A_240 = arith.select %ge3A_235, %broadcast_in_dim3A_238, %broadcast_in_dim3A_239 : vector<16xi1>, vector<16xi32>
        %add3A_241 = arith.addi %add3A_232, %select_n3A_240 : vector<16xi32>
        %ge3A_242 = arith.constant 3.92519569 : f32
        %ge3A_243 = vector.broadcast %ge3A_242 : f32 to vector<16xf32>
        %ge3A_244 = arith.cmpf oge, %mul3A_133, %ge3A_243 : vector<16xf32>
        %jit3A_245 = arith.constant 1 : i32
        %jit3A_246 = arith.constant 0 : i32
        %broadcast_in_dim3A_247 = vector.broadcast %jit3A_245 : i32 to vector<16xi32>
        %broadcast_in_dim3A_248 = vector.broadcast %jit3A_246 : i32 to vector<16xi32>
        %select_n3A_249 = arith.select %ge3A_244, %broadcast_in_dim3A_247, %broadcast_in_dim3A_248 : vector<16xi1>, vector<16xi32>
        %add3A_250 = arith.addi %add3A_241, %select_n3A_249 : vector<16xi32>
        %ge3A_251 = arith.constant 4.08029652 : f32
        %ge3A_252 = vector.broadcast %ge3A_251 : f32 to vector<16xf32>
        %ge3A_253 = arith.cmpf oge, %mul3A_133, %ge3A_252 : vector<16xf32>
        %jit3A_254 = arith.constant 1 : i32
        %jit3A_255 = arith.constant 0 : i32
        %broadcast_in_dim3A_256 = vector.broadcast %jit3A_254 : i32 to vector<16xi32>
        %broadcast_in_dim3A_257 = vector.broadcast %jit3A_255 : i32 to vector<16xi32>
        %select_n3A_258 = arith.select %ge3A_253, %broadcast_in_dim3A_256, %broadcast_in_dim3A_257 : vector<16xi1>, vector<16xi32>
        %add3A_259 = arith.addi %add3A_250, %select_n3A_258 : vector<16xi32>
        %ge3A_260 = arith.constant 4.22636032 : f32
        %ge3A_261 = vector.broadcast %ge3A_260 : f32 to vector<16xf32>
        %ge3A_262 = arith.cmpf oge, %mul3A_133, %ge3A_261 : vector<16xf32>
        %jit3A_263 = arith.constant 1 : i32
        %jit3A_264 = arith.constant 0 : i32
        %broadcast_in_dim3A_265 = vector.broadcast %jit3A_263 : i32 to vector<16xi32>
        %broadcast_in_dim3A_266 = vector.broadcast %jit3A_264 : i32 to vector<16xi32>
        %select_n3A_267 = arith.select %ge3A_262, %broadcast_in_dim3A_265, %broadcast_in_dim3A_266 : vector<16xi1>, vector<16xi32>
        %add3A_268 = arith.addi %add3A_259, %select_n3A_267 : vector<16xi32>
        %ge3A_269 = arith.constant 4.36452723 : f32
        %ge3A_270 = vector.broadcast %ge3A_269 : f32 to vector<16xf32>
        %ge3A_271 = arith.cmpf oge, %mul3A_133, %ge3A_270 : vector<16xf32>
        %jit3A_272 = arith.constant 1 : i32
        %jit3A_273 = arith.constant 0 : i32
        %broadcast_in_dim3A_274 = vector.broadcast %jit3A_272 : i32 to vector<16xi32>
        %broadcast_in_dim3A_275 = vector.broadcast %jit3A_273 : i32 to vector<16xi32>
        %select_n3A_276 = arith.select %ge3A_271, %broadcast_in_dim3A_274, %broadcast_in_dim3A_275 : vector<16xi1>, vector<16xi32>
        %add3A_277 = arith.addi %add3A_268, %select_n3A_276 : vector<16xi32>
        %ge3A_278 = arith.constant 4.49572659 : f32
        %ge3A_279 = vector.broadcast %ge3A_278 : f32 to vector<16xf32>
        %ge3A_280 = arith.cmpf oge, %mul3A_133, %ge3A_279 : vector<16xf32>
        %jit3A_281 = arith.constant 1 : i32
        %jit3A_282 = arith.constant 0 : i32
        %broadcast_in_dim3A_283 = vector.broadcast %jit3A_281 : i32 to vector<16xi32>
        %broadcast_in_dim3A_284 = vector.broadcast %jit3A_282 : i32 to vector<16xi32>
        %select_n3A_285 = arith.select %ge3A_280, %broadcast_in_dim3A_283, %broadcast_in_dim3A_284 : vector<16xi1>, vector<16xi32>
        %add3A_286 = arith.addi %add3A_277, %select_n3A_285 : vector<16xi32>
        %ge3A_287 = arith.constant 4.62072659 : f32
        %ge3A_288 = vector.broadcast %ge3A_287 : f32 to vector<16xf32>
        %ge3A_289 = arith.cmpf oge, %mul3A_133, %ge3A_288 : vector<16xf32>
        %jit3A_290 = arith.constant 1 : i32
        %jit3A_291 = arith.constant 0 : i32
        %broadcast_in_dim3A_292 = vector.broadcast %jit3A_290 : i32 to vector<16xi32>
        %broadcast_in_dim3A_293 = vector.broadcast %jit3A_291 : i32 to vector<16xi32>
        %select_n3A_294 = arith.select %ge3A_289, %broadcast_in_dim3A_292, %broadcast_in_dim3A_293 : vector<16xi1>, vector<16xi32>
        %add3A_295 = arith.addi %add3A_286, %select_n3A_294 : vector<16xi32>
        %lt3A = arith.constant 4.62072659 : f32
        %lt3A_296 = vector.broadcast %lt3A : f32 to vector<16xf32>
        %lt3A_297 = arith.cmpf olt, %mul3A_133, %lt3A_296 : vector<16xf32>
        %select_n3A_298 = arith.select %lt3A_297, %add3A_295, %convert_element_type3A_153 : vector<16xi1>, vector<16xi32>
        %max3A = arith.constant 0 : i32
        %max3A_299 = vector.broadcast %max3A : i32 to vector<16xi32>
        %max3A_300 = arith.maxsi %select_n3A_298, %max3A_299 : vector<16xi32>
        %min3A = arith.constant 99999 : i32
        %min3A_301 = vector.broadcast %min3A : i32 to vector<16xi32>
        %min3A_302 = arith.minsi %max3A_300, %min3A_301 : vector<16xi32>
        %mul3A_303 = arith.constant 16 : i32
        %mul3A_304 = arith.muli %scan3A_94, %mul3A_303 : i32
        %get3A = arith.index_cast %mul3A_304 : i32 to index
        %get3A_305 = tpu.vector_load %arg6[%get3A] {strides = array<i32>} : memref<128xi32, #tpu.memory_space<vmem>>, vector<16xi32>,
        %get3A_306 = vector.shape_cast %get3A_305 : vector<16xi32> to vector<16xi32>
        %add3A_307 = arith.constant 1 : i32
        %add3A_308 = vector.broadcast %add3A_307 : i32 to vector<16xi32>
        %add3A_309 = arith.addi %min3A_302, %add3A_308 : vector<16xi32>
        %ge3A_310 = arith.constant 100000 : i32
        %ge3A_311 = vector.broadcast %ge3A_310 : i32 to vector<16xi32>
        %ge3A_312 = arith.cmpi sge, %add3A_309, %ge3A_311 : vector<16xi32>
        %add3A_313 = arith.constant 1 : i32
        %add3A_314 = vector.broadcast %add3A_313 : i32 to vector<16xi32>
        %add3A_315 = arith.addi %min3A_302, %add3A_314 : vector<16xi32>
        %jit3A_316 = arith.constant 0 : i32
        %broadcast_in_dim3A_317 = vector.broadcast %jit3A_316 : i32 to vector<16xi32>
        %select_n3A_318 = arith.select %ge3A_312, %broadcast_in_dim3A_317, %add3A_315 : vector<16xi1>, vector<16xi32>
        %eq3A = arith.cmpi eq, %min3A_302, %get3A_306 : vector<16xi32>
        %select_n3A_319 = arith.select %eq3A, %select_n3A_318, %min3A_302 : vector<16xi1>, vector<16xi32>
        %mul3A_320 = arith.constant 16 : i32
        %mul3A_321 = arith.muli %scan3A_94, %mul3A_320 : i32
        %swap3A = arith.index_cast %mul3A_321 : i32 to index
        %swap3A_322 = tpu.vector_load %arg7[%swap3A] {strides = array<i32>} : memref<128xi32, #tpu.memory_space<vmem>>, vector<16xi32>,
        %swap3A_323 = vector.shape_cast %swap3A_322 : vector<16xi32> to vector<16xi32>
        %swap3A_324 = vector.shape_cast %select_n3A_319 : vector<16xi32> to vector<16xi32>
        tpu.vector_store %arg7[%swap3A], %swap3A_324 {strides = array<i32>} : memref<128xi32, #tpu.memory_space<vmem>>, vector<16xi32>,
        %scan3A_325 = arith.constant 0 : i32
        scf.yield %scan3A_325 : i32
      }
      %scan3A_84 = arith.constant 8 : i32
      %dma_start3A_85 = arith.constant 0 : i32
      %dma_start3A_86 = arith.constant 0 : i32
      %dma_start3A_87 = tpu.memref_slice %arg2[%dma_start3A_85, %dma_start3A_86] : memref<100000x128xf32, #tpu.memory_space<hbm>> -> memref<100000x128xf32, #tpu.memory_space<hbm>>
      tpu.enqueue_indirect_dma source(%dma_start3A_87 : memref<100000x128xf32, #tpu.memory_space<hbm>>) target(%arg9 : memref<128x128xf32, #tpu.memory_space<vmem>>) offsets(%arg7 : memref<128xi32, #tpu.memory_space<vmem>>) semaphore(%arg10 : memref<!tpu.dma_semaphore, #tpu.memory_space<semaphore_mem>>)
      %dma_wait3A_88 = arith.constant 0 : i32
      %dma_wait3A_89 = arith.constant 0 : i32
      %dma_wait3A_90 = tpu.memref_slice %arg2[%dma_wait3A_88, %dma_wait3A_89] : memref<100000x128xf32, #tpu.memory_space<hbm>> -> memref<100000x128xf32, #tpu.memory_space<hbm>>
      tpu.wait_indirect_dma semaphore(%arg10 : memref<!tpu.dma_semaphore, #tpu.memory_space<semaphore_mem>>) src(%dma_wait3A_90 : memref<100000x128xf32, #tpu.memory_space<hbm>>) dst(%arg9 : memref<128x128xf32, #tpu.memory_space<vmem>>)
      %add3A_91 = arith.constant 65536 : i32
      %add3A_92 = arith.addi %add3A_91, %add3A_13 : i32
      "tpu.region"() ({
        %run_scoped3A = tpu.sem_alloc : memref<!tpu.dma_semaphore, #tpu.memory_space<semaphore_mem>>
        %dma_start3A_94 = arith.constant 0 : i32
        %dma_start3A_95 = tpu.memref_slice %arg5[%add3A_92, %dma_start3A_94] : memref<81920x128xf32, #tpu.memory_space<hbm>> -> memref<128x128xf32, #tpu.memory_space<hbm>>
        %dma_start3A_96 = arith.constant 0 : i32
        %dma_start3A_97 = tpu.memref_slice %arg5[%add3A_92, %dma_start3A_96] : memref<81920x128xf32, #tpu.memory_space<hbm>> -> memref<128x128xf32, #tpu.memory_space<hbm>>
        tpu.enqueue_dma source(%arg9 : memref<128x128xf32, #tpu.memory_space<vmem>>) target(%dma_start3A_97 : memref<128x128xf32, #tpu.memory_space<hbm>>) target_semaphore(%run_scoped3A : memref<!tpu.dma_semaphore, #tpu.memory_space<semaphore_mem>>)
        %dma_wait3A_98 = arith.constant 0 : i32
        %dma_wait3A_99 = tpu.memref_slice %arg5[%add3A_92, %dma_wait3A_98] : memref<81920x128xf32, #tpu.memory_space<hbm>> -> memref<128x128xf32, #tpu.memory_space<hbm>>
        %dma_wait3A_100 = arith.constant 0 : i32
        %dma_wait3A_101 = tpu.memref_slice %arg5[%add3A_92, %dma_wait3A_100] : memref<81920x128xf32, #tpu.memory_space<hbm>> -> memref<128x128xf32, #tpu.memory_space<hbm>>
        tpu.wait_dma2 semaphore(%run_scoped3A : memref<!tpu.dma_semaphore, #tpu.memory_space<semaphore_mem>>) src(%arg9 : memref<128x128xf32, #tpu.memory_space<vmem>>) dst(%dma_wait3A_101 : memref<128x128xf32, #tpu.memory_space<hbm>>)
        tpu.yield
      }) : () -> ()
      %scan3A_93 = arith.constant 0 : i32
      scf.yield %scan3A_93 : i32
    }
    %scan3A_8 = arith.constant 4 : i32
    return
  }
}

module attributes {stable_mosaic.version = 14 : i64} {
  func.func @body(%arg0: i32, %arg1: memref<2048x128xf32, #tpu.memory_space<vmem>>, %arg2: memref<2048x128xf32, #tpu.memory_space<vmem>>, %arg3: memref<5x2048x128xf32, #tpu.memory_space<vmem>>, %arg4: memref<1x1xf32, #tpu.memory_space<vmem>>) attributes {dimension_semantics = [#tpu.dimension_semantics<arbitrary>], iteration_bounds = array<i64: 8>, scalar_prefetch = 0 : i64, scratch_operands = 0 : i64, tpu.core_type = #tpu.core_type<tc>, window_params = [{transform_indices = @transform_0, window_bounds = array<i64: 2048, 128>}, {transform_indices = @transform_1, window_bounds = array<i64: 2048, 128>}, {transform_indices = @transform_2, window_bounds = array<i64: 5, 2048, 128>}, {pipeline_mode = #tpu.pipeline_mode<synchronous>, transform_indices = @transform_3, window_bounds = array<i64: 1, 1>}]} {
    %get3A = arith.constant 0 : index
    %get3A_0 = arith.constant 0 : index
    %get3A_1 = vector.load %arg1[%get3A, %get3A_0] : memref<2048x128xf32, #tpu.memory_space<vmem>>, vector<2048x128xf32>
    %get3A_2 = arith.constant 0 : index
    %get3A_3 = arith.constant 0 : index
    %get3A_4 = vector.load %arg2[%get3A_2, %get3A_3] : memref<2048x128xf32, #tpu.memory_space<vmem>>, vector<2048x128xf32>
    %mul3A = arith.mulf %get3A_1, %get3A_4 : vector<2048x128xf32>
    %reduce_sum3A = arith.constant dense<0.000000e+00> : vector<2048xf32>
    %reduce_sum3A_5 = vector.multi_reduction <add>, %mul3A, %reduce_sum3A [1] : vector<2048x128xf32> to vector<2048xf32>
    %broadcast_in_dim3A = vector.shape_cast %reduce_sum3A_5 : vector<2048xf32> to vector<2048x1xf32>
    %neg3A = arith.constant 0.000000e+00 : f32
    %neg3A_6 = vector.broadcast %neg3A : f32 to vector<2048x1xf32>
    %neg3A_7 = arith.subf %neg3A_6, %broadcast_in_dim3A : vector<2048x1xf32>
    %max3A = arith.constant 0.000000e+00 : f32
    %max3A_8 = vector.broadcast %max3A : f32 to vector<2048x1xf32>
    %max3A_9 = arith.maximumf %neg3A_7, %max3A_8 : vector<2048x1xf32>
    %abs3A = math.absf %neg3A_7 : vector<2048x1xf32>
    %neg3A_10 = arith.constant 0.000000e+00 : f32
    %neg3A_11 = vector.broadcast %neg3A_10 : f32 to vector<2048x1xf32>
    %neg3A_12 = arith.subf %neg3A_11, %abs3A : vector<2048x1xf32>
    %exp3A = math.exp %neg3A_12 : vector<2048x1xf32>
    %add3A = arith.constant 1.000000e+00 : f32
    %add3A_13 = vector.broadcast %add3A : f32 to vector<2048x1xf32>
    %add3A_14 = arith.addf %add3A_13, %exp3A : vector<2048x1xf32>
    %log3A = math.log %add3A_14 : vector<2048x1xf32>
    %add3A_15 = arith.addf %max3A_9, %log3A : vector<2048x1xf32>
    %reduce_sum3A_16 = vector.shape_cast %add3A_15 : vector<2048x1xf32> to vector<1x2048x1xf32>
    %reduce_sum3A_17 = arith.constant dense<0.000000e+00> : vector<1xf32>
    %reduce_sum3A_18 = vector.multi_reduction <add>, %reduce_sum3A_16, %reduce_sum3A_17 [1, 2] : vector<1x2048x1xf32> to vector<1xf32>
    %reduce_sum3A_19 = vector.shape_cast %reduce_sum3A_18 : vector<1xf32> to vector<1x1x1xf32>
    %reduce_sum3A_20 = vector.extract %reduce_sum3A_19[0, 0, 0] : f32 from vector<1x1x1xf32>
    %div3A = arith.constant 1.638400e+04 : f32
    %div3A_21 = arith.divf %reduce_sum3A_20, %div3A : f32
    %get3A_22 = arith.constant 0 : index
    %get3A_23 = arith.constant 0 : index
    %get3A_24 = arith.constant 0 : index
    %get3A_25 = vector.load %arg3[%get3A_22, %get3A_23, %get3A_24] : memref<5x2048x128xf32, #tpu.memory_space<vmem>>, vector<1x2048x128xf32>
    %get3A_26 = vector.shape_cast %get3A_25 : vector<1x2048x128xf32> to vector<2048x128xf32>
    %mul3A_27 = arith.mulf %get3A_1, %get3A_26 : vector<2048x128xf32>
    %reduce_sum3A_28 = arith.constant dense<0.000000e+00> : vector<2048xf32>
    %reduce_sum3A_29 = vector.multi_reduction <add>, %mul3A_27, %reduce_sum3A_28 [1] : vector<2048x128xf32> to vector<2048xf32>
    %broadcast_in_dim3A_30 = vector.shape_cast %reduce_sum3A_29 : vector<2048xf32> to vector<2048x1xf32>
    %max3A_31 = arith.constant 0.000000e+00 : f32
    %max3A_32 = vector.broadcast %max3A_31 : f32 to vector<2048x1xf32>
    %max3A_33 = arith.maximumf %broadcast_in_dim3A_30, %max3A_32 : vector<2048x1xf32>
    %abs3A_34 = math.absf %broadcast_in_dim3A_30 : vector<2048x1xf32>
    %neg3A_35 = arith.constant 0.000000e+00 : f32
    %neg3A_36 = vector.broadcast %neg3A_35 : f32 to vector<2048x1xf32>
    %neg3A_37 = arith.subf %neg3A_36, %abs3A_34 : vector<2048x1xf32>
    %exp3A_38 = math.exp %neg3A_37 : vector<2048x1xf32>
    %add3A_39 = arith.constant 1.000000e+00 : f32
    %add3A_40 = vector.broadcast %add3A_39 : f32 to vector<2048x1xf32>
    %add3A_41 = arith.addf %add3A_40, %exp3A_38 : vector<2048x1xf32>
    %log3A_42 = math.log %add3A_41 : vector<2048x1xf32>
    %add3A_43 = arith.addf %max3A_33, %log3A_42 : vector<2048x1xf32>
    %reduce_sum3A_44 = vector.shape_cast %add3A_43 : vector<2048x1xf32> to vector<1x2048x1xf32>
    %reduce_sum3A_45 = arith.constant dense<0.000000e+00> : vector<1xf32>
    %reduce_sum3A_46 = vector.multi_reduction <add>, %reduce_sum3A_44, %reduce_sum3A_45 [1, 2] : vector<1x2048x1xf32> to vector<1xf32>
    %reduce_sum3A_47 = vector.shape_cast %reduce_sum3A_46 : vector<1xf32> to vector<1x1x1xf32>
    %reduce_sum3A_48 = vector.extract %reduce_sum3A_47[0, 0, 0] : f32 from vector<1x1x1xf32>
    %div3A_49 = arith.constant 8.192000e+04 : f32
    %div3A_50 = arith.divf %reduce_sum3A_48, %div3A_49 : f32
    %add3A_51 = arith.addf %div3A_21, %div3A_50 : f32
    %get3A_52 = arith.constant 1 : index
    %get3A_53 = arith.constant 0 : index
    %get3A_54 = arith.constant 0 : index
    %get3A_55 = vector.load %arg3[%get3A_52, %get3A_53, %get3A_54] : memref<5x2048x128xf32, #tpu.memory_space<vmem>>, vector<1x2048x128xf32>
    %get3A_56 = vector.shape_cast %get3A_55 : vector<1x2048x128xf32> to vector<2048x128xf32>
    %mul3A_57 = arith.mulf %get3A_1, %get3A_56 : vector<2048x128xf32>
    %reduce_sum3A_58 = arith.constant dense<0.000000e+00> : vector<2048xf32>
    %reduce_sum3A_59 = vector.multi_reduction <add>, %mul3A_57, %reduce_sum3A_58 [1] : vector<2048x128xf32> to vector<2048xf32>
    %broadcast_in_dim3A_60 = vector.shape_cast %reduce_sum3A_59 : vector<2048xf32> to vector<2048x1xf32>
    %max3A_61 = arith.constant 0.000000e+00 : f32
    %max3A_62 = vector.broadcast %max3A_61 : f32 to vector<2048x1xf32>
    %max3A_63 = arith.maximumf %broadcast_in_dim3A_60, %max3A_62 : vector<2048x1xf32>
    %abs3A_64 = math.absf %broadcast_in_dim3A_60 : vector<2048x1xf32>
    %neg3A_65 = arith.constant 0.000000e+00 : f32
    %neg3A_66 = vector.broadcast %neg3A_65 : f32 to vector<2048x1xf32>
    %neg3A_67 = arith.subf %neg3A_66, %abs3A_64 : vector<2048x1xf32>
    %exp3A_68 = math.exp %neg3A_67 : vector<2048x1xf32>
    %add3A_69 = arith.constant 1.000000e+00 : f32
    %add3A_70 = vector.broadcast %add3A_69 : f32 to vector<2048x1xf32>
    %add3A_71 = arith.addf %add3A_70, %exp3A_68 : vector<2048x1xf32>
    %log3A_72 = math.log %add3A_71 : vector<2048x1xf32>
    %add3A_73 = arith.addf %max3A_63, %log3A_72 : vector<2048x1xf32>
    %reduce_sum3A_74 = vector.shape_cast %add3A_73 : vector<2048x1xf32> to vector<1x2048x1xf32>
    %reduce_sum3A_75 = arith.constant dense<0.000000e+00> : vector<1xf32>
    %reduce_sum3A_76 = vector.multi_reduction <add>, %reduce_sum3A_74, %reduce_sum3A_75 [1, 2] : vector<1x2048x1xf32> to vector<1xf32>
    %reduce_sum3A_77 = vector.shape_cast %reduce_sum3A_76 : vector<1xf32> to vector<1x1x1xf32>
    %reduce_sum3A_78 = vector.extract %reduce_sum3A_77[0, 0, 0] : f32 from vector<1x1x1xf32>
    %div3A_79 = arith.constant 8.192000e+04 : f32
    %div3A_80 = arith.divf %reduce_sum3A_78, %div3A_79 : f32
    %add3A_81 = arith.addf %add3A_51, %div3A_80 : f32
    %get3A_82 = arith.constant 2 : index
    %get3A_83 = arith.constant 0 : index
    %get3A_84 = arith.constant 0 : index
    %get3A_85 = vector.load %arg3[%get3A_82, %get3A_83, %get3A_84] : memref<5x2048x128xf32, #tpu.memory_space<vmem>>, vector<1x2048x128xf32>
    %get3A_86 = vector.shape_cast %get3A_85 : vector<1x2048x128xf32> to vector<2048x128xf32>
    %mul3A_87 = arith.mulf %get3A_1, %get3A_86 : vector<2048x128xf32>
    %reduce_sum3A_88 = arith.constant dense<0.000000e+00> : vector<2048xf32>
    %reduce_sum3A_89 = vector.multi_reduction <add>, %mul3A_87, %reduce_sum3A_88 [1] : vector<2048x128xf32> to vector<2048xf32>
    %broadcast_in_dim3A_90 = vector.shape_cast %reduce_sum3A_89 : vector<2048xf32> to vector<2048x1xf32>
    %max3A_91 = arith.constant 0.000000e+00 : f32
    %max3A_92 = vector.broadcast %max3A_91 : f32 to vector<2048x1xf32>
    %max3A_93 = arith.maximumf %broadcast_in_dim3A_90, %max3A_92 : vector<2048x1xf32>
    %abs3A_94 = math.absf %broadcast_in_dim3A_90 : vector<2048x1xf32>
    %neg3A_95 = arith.constant 0.000000e+00 : f32
    %neg3A_96 = vector.broadcast %neg3A_95 : f32 to vector<2048x1xf32>
    %neg3A_97 = arith.subf %neg3A_96, %abs3A_94 : vector<2048x1xf32>
    %exp3A_98 = math.exp %neg3A_97 : vector<2048x1xf32>
    %add3A_99 = arith.constant 1.000000e+00 : f32
    %add3A_100 = vector.broadcast %add3A_99 : f32 to vector<2048x1xf32>
    %add3A_101 = arith.addf %add3A_100, %exp3A_98 : vector<2048x1xf32>
    %log3A_102 = math.log %add3A_101 : vector<2048x1xf32>
    %add3A_103 = arith.addf %max3A_93, %log3A_102 : vector<2048x1xf32>
    %reduce_sum3A_104 = vector.shape_cast %add3A_103 : vector<2048x1xf32> to vector<1x2048x1xf32>
    %reduce_sum3A_105 = arith.constant dense<0.000000e+00> : vector<1xf32>
    %reduce_sum3A_106 = vector.multi_reduction <add>, %reduce_sum3A_104, %reduce_sum3A_105 [1, 2] : vector<1x2048x1xf32> to vector<1xf32>
    %reduce_sum3A_107 = vector.shape_cast %reduce_sum3A_106 : vector<1xf32> to vector<1x1x1xf32>
    %reduce_sum3A_108 = vector.extract %reduce_sum3A_107[0, 0, 0] : f32 from vector<1x1x1xf32>
    %div3A_109 = arith.constant 8.192000e+04 : f32
    %div3A_110 = arith.divf %reduce_sum3A_108, %div3A_109 : f32
    %add3A_111 = arith.addf %add3A_81, %div3A_110 : f32
    %get3A_112 = arith.constant 3 : index
    %get3A_113 = arith.constant 0 : index
    %get3A_114 = arith.constant 0 : index
    %get3A_115 = vector.load %arg3[%get3A_112, %get3A_113, %get3A_114] : memref<5x2048x128xf32, #tpu.memory_space<vmem>>, vector<1x2048x128xf32>
    %get3A_116 = vector.shape_cast %get3A_115 : vector<1x2048x128xf32> to vector<2048x128xf32>
    %mul3A_117 = arith.mulf %get3A_1, %get3A_116 : vector<2048x128xf32>
    %reduce_sum3A_118 = arith.constant dense<0.000000e+00> : vector<2048xf32>
    %reduce_sum3A_119 = vector.multi_reduction <add>, %mul3A_117, %reduce_sum3A_118 [1] : vector<2048x128xf32> to vector<2048xf32>
    %broadcast_in_dim3A_120 = vector.shape_cast %reduce_sum3A_119 : vector<2048xf32> to vector<2048x1xf32>
    %max3A_121 = arith.constant 0.000000e+00 : f32
    %max3A_122 = vector.broadcast %max3A_121 : f32 to vector<2048x1xf32>
    %max3A_123 = arith.maximumf %broadcast_in_dim3A_120, %max3A_122 : vector<2048x1xf32>
    %abs3A_124 = math.absf %broadcast_in_dim3A_120 : vector<2048x1xf32>
    %neg3A_125 = arith.constant 0.000000e+00 : f32
    %neg3A_126 = vector.broadcast %neg3A_125 : f32 to vector<2048x1xf32>
    %neg3A_127 = arith.subf %neg3A_126, %abs3A_124 : vector<2048x1xf32>
    %exp3A_128 = math.exp %neg3A_127 : vector<2048x1xf32>
    %add3A_129 = arith.constant 1.000000e+00 : f32
    %add3A_130 = vector.broadcast %add3A_129 : f32 to vector<2048x1xf32>
    %add3A_131 = arith.addf %add3A_130, %exp3A_128 : vector<2048x1xf32>
    %log3A_132 = math.log %add3A_131 : vector<2048x1xf32>
    %add3A_133 = arith.addf %max3A_123, %log3A_132 : vector<2048x1xf32>
    %reduce_sum3A_134 = vector.shape_cast %add3A_133 : vector<2048x1xf32> to vector<1x2048x1xf32>
    %reduce_sum3A_135 = arith.constant dense<0.000000e+00> : vector<1xf32>
    %reduce_sum3A_136 = vector.multi_reduction <add>, %reduce_sum3A_134, %reduce_sum3A_135 [1, 2] : vector<1x2048x1xf32> to vector<1xf32>
    %reduce_sum3A_137 = vector.shape_cast %reduce_sum3A_136 : vector<1xf32> to vector<1x1x1xf32>
    %reduce_sum3A_138 = vector.extract %reduce_sum3A_137[0, 0, 0] : f32 from vector<1x1x1xf32>
    %div3A_139 = arith.constant 8.192000e+04 : f32
    %div3A_140 = arith.divf %reduce_sum3A_138, %div3A_139 : f32
    %add3A_141 = arith.addf %add3A_111, %div3A_140 : f32
    %get3A_142 = arith.constant 4 : index
    %get3A_143 = arith.constant 0 : index
    %get3A_144 = arith.constant 0 : index
    %get3A_145 = vector.load %arg3[%get3A_142, %get3A_143, %get3A_144] : memref<5x2048x128xf32, #tpu.memory_space<vmem>>, vector<1x2048x128xf32>
    %get3A_146 = vector.shape_cast %get3A_145 : vector<1x2048x128xf32> to vector<2048x128xf32>
    %mul3A_147 = arith.mulf %get3A_1, %get3A_146 : vector<2048x128xf32>
    %reduce_sum3A_148 = arith.constant dense<0.000000e+00> : vector<2048xf32>
    %reduce_sum3A_149 = vector.multi_reduction <add>, %mul3A_147, %reduce_sum3A_148 [1] : vector<2048x128xf32> to vector<2048xf32>
    %broadcast_in_dim3A_150 = vector.shape_cast %reduce_sum3A_149 : vector<2048xf32> to vector<2048x1xf32>
    %max3A_151 = arith.constant 0.000000e+00 : f32
    %max3A_152 = vector.broadcast %max3A_151 : f32 to vector<2048x1xf32>
    %max3A_153 = arith.maximumf %broadcast_in_dim3A_150, %max3A_152 : vector<2048x1xf32>
    %abs3A_154 = math.absf %broadcast_in_dim3A_150 : vector<2048x1xf32>
    %neg3A_155 = arith.constant 0.000000e+00 : f32
    %neg3A_156 = vector.broadcast %neg3A_155 : f32 to vector<2048x1xf32>
    %neg3A_157 = arith.subf %neg3A_156, %abs3A_154 : vector<2048x1xf32>
    %exp3A_158 = math.exp %neg3A_157 : vector<2048x1xf32>
    %add3A_159 = arith.constant 1.000000e+00 : f32
    %add3A_160 = vector.broadcast %add3A_159 : f32 to vector<2048x1xf32>
    %add3A_161 = arith.addf %add3A_160, %exp3A_158 : vector<2048x1xf32>
    %log3A_162 = math.log %add3A_161 : vector<2048x1xf32>
    %add3A_163 = arith.addf %max3A_153, %log3A_162 : vector<2048x1xf32>
    %reduce_sum3A_164 = vector.shape_cast %add3A_163 : vector<2048x1xf32> to vector<1x2048x1xf32>
    %reduce_sum3A_165 = arith.constant dense<0.000000e+00> : vector<1xf32>
    %reduce_sum3A_166 = vector.multi_reduction <add>, %reduce_sum3A_164, %reduce_sum3A_165 [1, 2] : vector<1x2048x1xf32> to vector<1xf32>
    %reduce_sum3A_167 = vector.shape_cast %reduce_sum3A_166 : vector<1xf32> to vector<1x1x1xf32>
    %reduce_sum3A_168 = vector.extract %reduce_sum3A_167[0, 0, 0] : f32 from vector<1x1x1xf32>
    %div3A_169 = arith.constant 8.192000e+04 : f32
    %div3A_170 = arith.divf %reduce_sum3A_168, %div3A_169 : f32
    %add3A_171 = arith.addf %add3A_141, %div3A_170 : f32
    %reshape3A = vector.broadcast %add3A_171 : f32 to vector<1x1xf32>
    %eq3A = arith.constant 0 : i32
    %eq3A_172 = arith.cmpi eq, %arg0, %eq3A : i32
    %convert_element_type3A = arith.extui %eq3A_172 : i1 to i32
    %cond3A = arith.constant 0 : i32
    %cond3A_173 = arith.cmpi ne, %convert_element_type3A, %cond3A : i32
    scf.if %cond3A_173 {
      %swap3A = arith.constant 0 : index
      %swap3A_178 = arith.constant 0 : index
      %swap3A_179 = vector.load %arg4[%swap3A, %swap3A_178] : memref<1x1xf32, #tpu.memory_space<vmem>>, vector<1x1xf32>
      tpu.vector_store %arg4[%swap3A, %swap3A_178], %reshape3A {strides = array<i32>} : memref<1x1xf32, #tpu.memory_space<vmem>>, vector<1x1xf32>,
    } else {
    }
    %ne3A = arith.constant 0 : i32
    %ne3A_174 = arith.cmpi ne, %arg0, %ne3A : i32
    %convert_element_type3A_175 = arith.extui %ne3A_174 : i1 to i32
    %cond3A_176 = arith.constant 0 : i32
    %cond3A_177 = arith.cmpi ne, %convert_element_type3A_175, %cond3A_176 : i32
    scf.if %cond3A_177 {
      %get3A_178 = arith.constant 0 : index
      %get3A_179 = arith.constant 0 : index
      %get3A_180 = vector.load %arg4[%get3A_178, %get3A_179] : memref<1x1xf32, #tpu.memory_space<vmem>>, vector<1x1xf32>
      %add3A_181 = arith.addf %get3A_180, %reshape3A : vector<1x1xf32>
      %swap3A = arith.constant 0 : index
      %swap3A_182 = arith.constant 0 : index
      %swap3A_183 = vector.load %arg4[%swap3A, %swap3A_182] : memref<1x1xf32, #tpu.memory_space<vmem>>, vector<1x1xf32>
      tpu.vector_store %arg4[%swap3A, %swap3A_182], %add3A_181 {strides = array<i32>} : memref<1x1xf32, #tpu.memory_space<vmem>>, vector<1x1xf32>,
    } else {
    }
    return
  }
  func.func @transform_0(%arg0: i32) -> (i32, i32) {
    %c0_i32 = arith.constant 0 : i32
    %c0_i32_0 = arith.constant 0 : i32
    return %arg0, %c0_i32 : i32, i32
  }
  func.func @transform_1(%arg0: i32) -> (i32, i32) {
    %c0_i32 = arith.constant 0 : i32
    %c0_i32_0 = arith.constant 0 : i32
    return %arg0, %c0_i32 : i32, i32
  }
  func.func @transform_2(%arg0: i32) -> (i32, i32, i32) {
    %c0_i32 = arith.constant 0 : i32
    %c0_i32_0 = arith.constant 0 : i32
    %c0_i32_1 = arith.constant 0 : i32
    return %c0_i32, %arg0, %c0_i32_0 : i32, i32, i32
  }
  func.func @transform_3(%arg0: i32) -> (i32, i32) {
    %c0_i32 = arith.constant 0 : i32
    %c0_i32_0 = arith.constant 0 : i32
    %c0_i32_1 = arith.constant 0 : i32
    return %c0_i32, %c0_i32_0 : i32, i32
  }
}

</mosaic_0001>

<sc_bundles>
// kernel: kernel.4.cloned.1.call-start
scs
__scs_entry_jumppad:
0x0: {  	(pc) =	sbr.rel $0x88, $3  }
0x1: {  	(tag) =	ssettag $0x0;
	lr =	simm.s32 $0x1  }
0x2: {  	[smem:$0x3F9E] =	sst lr;
	_ =	strace $0xD0000000  }
0x3: {  	_ = 	snop  }
0x4: {  	_ = 	snop  }
0x5: {  	_ = 	snop  }
0x6: {  	_ = 	snop  }
0x7: {  	_ = 	snop  }
__scs_overlays_trampoline_lowered:
0x8: {  	[smem:$0x3FAD] =	sst s0  }
0x9: {  	[smem:$0x3FAE] =	sst s1  }
0xa: {  	[smem:$0x3FAF] =	sst s2  }
0xb: {  	[smem:$0x3FB0] =	sst s3  }
0xc: {  	[smem:$0x3FB1] =	sst s4  }
0xd: {  	[smem:$0x3FB2] =	sst s5  }
0xe: {  	[smem:$0x3FB3] =	sst s6  }
0xf: {  	[smem:$0x3FB4] =	sst s7  }
0x10: {  	[smem:$0x3FB5] =	sst s8  }
0x11: {  	[smem:$0x3FB6] =	sst s9;
	s0 =	simm.s32 @!p0 $0x0  }
0x12: {  	s1 =	sld [smem:$0x3F9C];
	s0 =	simm.s32 @p0 $0x1  }
0x13: {  	[smem:$0x3FB7] =	sst s0;
	s0 =	simm.s32 @!p1 $0x0  }
0x14: {  	s2 =	sld [smem:$0x3F9B];
	s0 =	simm.s32 @p1 $0x1  }
0x15: {  	[smem:$0x3FB8] =	sst s0;
	s0 =	simm.s32 @!p2 $0x0  }
0x16: {  	s3 =	sld [smem:$0x3FDB];
	s0 =	simm.s32 @p2 $0x1  }
0x17: {  	s4 =	simm.s32 $0x1BF5;
	[smem:$0x3FBA] =	sst s0  }
0x18: {  	s0 =	sld [smem:$0x3F9D];
	_ =	swait.ge [sflag:s4], $0x0  }
0x19: {  	s7 =	sld [smem:$0x3F9E]  }
0x1a: {  	s8 =	sadd.s32 $0xFFFFE003, lr  }
0x1b: {  	s9 =	sadd.s32 $0xFFFFFEF7, lr;
	s5 =	simm.s32 $0xFFFFFFFF;
	p2 =	slt.u32 s8, $0xFFFFF086  }
0x1c: {  	p1 =	slt.u32 s9, $0xF7A;
	s5 =	simm.s32 @!p2 $0x0  }
0x1d: {  	s5 =	simm.s32 @p1 $0x1;
	p0 =	seq.s32 s7, s2  }
0x1e: {  	s7 =	smul.u32 @!p0 $0xF7A, s2;
	p2 =	seq.s32 @!p0 s5, $0x0  }
0x1f: {  	s9 =	smul.u32 $0xF7A, s1;
	s8 =	simm.s32 @!p0 $0x1BF5;
	p2 =	por !p2, p0  }
0x20: {  	[sflag:s8] =	ssyncset.s32 @!p0 $0xFFFFF086;
	s6 =	sadd.s32 @!p0 s3, s7;
	s7 =	simm.s32 @!p0 $0x108  }
0x21: {  	s3 =	sadd.s32 s3, s9;
	s6 =	sadd.s32 @!p0 $0x88, s6;
	s7 =	simm.s32 @p2 $0x1082  }
0x22: {  	[simem:s7], [sflag:s8] =	dma.local @!p0 [hbm:s6], $0xF7A  }
0x23: {  	s9 =	sor.u32 $0xD0000000, s2;
	s6 =	simm.s32 $0x108;
	_ =	swait.ge @!p0 [sflag:s8], $0x0  }
0x24: {  	s3 =	sadd.s32 $0x88, s3;
	s6 =	simm.s32 @!p1 $0x1082;
	[sflag:s4] =	ssyncset.s32 $0xFFFFF086  }
0x25: {  	[simem:s6], [sflag:s4] =	dma.local [hbm:s3], $0xF7A  }
0x26: {  	[smem:$0x3F9E] =	sst s1;
	(tag) =	ssettag s2;
	_ =	strace s9  }
0x27: {  	s1 =	sld [smem:$0x3FAE]  }
0x28: {  	s2 =	sld [smem:$0x3FAF]  }
0x29: {  	s4 =	sld [smem:$0x3FB1]  }
0x2a: {  	p0 =	seq.s32 s5, $0x0;
	s5 =	sld [smem:$0x3FB2]  }
0x2b: {  	s6 =	sld [smem:$0x3FB3]  }
0x2c: {  	s7 =	sld [smem:$0x3FB4]  }
0x2d: {  	s3 =	simm.s32 $0x108;
	s8 =	sld [smem:$0x3FB5]  }
0x2e: {  	s3 =	simm.s32 @!p0 $0x1082;
	s9 =	sld [smem:$0x3FB6]  }
0x2f: {  	lr =	sadd.s32 s0, s3;
	s0 =	sld [smem:$0x3FAD]  }
0x30: {  	s3 =	sld [smem:$0x3FB0]  }
0x31: {  	[smem:$0x3FB9] =	sst s10  }
0x32: {  	s10 =	sld [smem:$0x3FB7];
	_ =	sdelay $0x3  }
0x33: {  	p0 =	seq.s32 s10, $0x1;
	s10 =	sld [smem:$0x3FB9];
	_ =	sdelay $0x3  }
0x34: {  	[smem:$0x3FB9] =	sst s10  }
0x35: {  	s10 =	sld [smem:$0x3FB8];
	_ =	sdelay $0x3  }
0x36: {  	p1 =	seq.s32 s10, $0x1;
	s10 =	sld [smem:$0x3FB9];
	_ =	sdelay $0x3  }
0x37: {  	[smem:$0x3FB9] =	sst s10  }
0x38: {  	s10 =	sld [smem:$0x3FBA]  }
0x39: {  	_ = 	snop;
	(pc) =	sbr.ind lr, $3  }
0x3a: {  	_ = 	snop  }
0x3b: {  	_ = 	snop  }
0x3c: {  	p2 =	seq.s32 s10, $0x1;
	s10 =	sld [smem:$0x3FB9]  }
0x3d: {  	_ =	shalt  }
0x3e: {  	_ =	shalt  }
0x3f: {  	_ =	shalt  }
0x40: {  	_ =	shalt  }
0x41: {  	_ =	shalt  }
0x42: {  	_ =	shalt  }
0x43: {  	_ =	shalt  }
0x44: {  	_ =	shalt  }
0x45: {  	_ =	shalt  }
0x46: {  	_ =	shalt  }
0x47: {  	_ =	shalt  }
0x48: {  	_ =	shalt  }
0x49: {  	_ =	shalt  }
0x4a: {  	_ =	shalt  }
0x4b: {  	_ =	shalt  }
0x4c: {  	_ =	shalt  }
0x4d: {  	_ =	shalt  }
0x4e: {  	_ =	shalt  }
0x4f: {  	_ =	shalt  }
0x50: {  	_ =	shalt  }
0x51: {  	_ =	shalt  }
0x52: {  	_ =	shalt  }
0x53: {  	_ =	shalt  }
0x54: {  	_ =	shalt  }
0x55: {  	_ =	shalt  }
0x56: {  	_ =	shalt  }
0x57: {  	_ =	shalt  }
0x58: {  	_ =	shalt  }
0x59: {  	_ =	shalt  }
0x5a: {  	_ =	shalt  }
0x5b: {  	_ =	shalt  }
0x5c: {  	_ =	shalt  }
0x5d: {  	_ =	shalt  }
0x5e: {  	_ =	shalt  }
0x5f: {  	_ =	shalt  }
0x60: {  	_ =	shalt  }
0x61: {  	_ =	shalt  }
0x62: {  	_ =	shalt  }
0x63: {  	_ =	shalt  }
0x64: {  	_ =	shalt  }
0x65: {  	_ =	shalt  }
0x66: {  	_ =	shalt  }
0x67: {  	_ =	shalt  }
0x68: {  	_ =	shalt  }
0x69: {  	_ =	shalt  }
0x6a: {  	_ =	shalt  }
0x6b: {  	_ =	shalt  }
0x6c: {  	_ =	shalt  }
0x6d: {  	_ =	shalt  }
0x6e: {  	_ =	shalt  }
0x6f: {  	_ =	shalt  }
0x70: {  	_ =	shalt  }
0x71: {  	_ =	shalt  }
0x72: {  	_ =	shalt  }
0x73: {  	_ =	shalt  }
0x74: {  	_ =	shalt  }
0x75: {  	_ =	shalt  }
0x76: {  	_ =	shalt  }
0x77: {  	_ =	shalt  }
0x78: {  	_ =	shalt  }
0x79: {  	_ =	shalt  }
0x7a: {  	_ =	shalt  }
0x7b: {  	_ =	shalt  }
0x7c: {  	_ =	shalt  }
0x7d: {  	_ =	shalt  }
0x7e: {  	_ =	shalt  }
0x7f: {  	_ =	shalt  }
0x80: {  	_ =	shalt  }
0x81: {  	_ =	shalt  }
0x82: {  	_ =	shalt  }
0x83: {  	_ =	shalt  }
0x84: {  	_ =	shalt  }
0x85: {  	_ =	shalt  }
0x86: {  	_ =	shalt  }
0x87: {  	_ =	shalt  }
.Lfunc_end0:
.L_simem_size_0:
called_computation_lowered:
.L_overlay_start_0:
0x88: {  	s2 =	sld [smem:$0x3FD9]  }
0x89: {  	s3 =	sld [smem:$0x3FFE];
	_ =	sdelay $0x1  }
0x8a: {  	s1 =	srdreg.scid  }
0x8b: {  	s0 =	sand.u32 $0x1, s1  }
0x8c: {  	s17 =	sshll.u32 s0, $0xA;
	s2 =	sadd.s32 s3, s2  }
0x8d: {  	s2 =	sadd.s32 s2, s17  }
0x8e: {  	[smem:$0x3FC5] =	sst s2  }
0x8f: {  	_ = 	snop  }
0x90: {  	s2 =	sld [smem:$0x3FC8]  }
0x91: {  	s18 =	sld [smem:$0x3FC7];
	(tm) =	ssettm $0x1  }
0x92: {  	s4 =	sld [smem:$0x3FFB];
	_ =	sdelay $0x3  }
0x93: {  	_ =	strace s4  }
0x94: {  	s4 =	sld [smem:$0x3FFC];
	_ =	sdelay $0x3  }
0x95: {  	_ =	strace s4  }
0x96: {  	s4 =	sld [smem:$0x3FFD];
	_ =	sdelay $0x3  }
0x97: {  	_ =	strace s4  }
0x98: {  	_ =	strace $0x8FFFFFFF  }
0x99: {  	s19 =	sld [smem:$0x3FDB];
	_ =	sdelay $0x1  }
0x9a: {  	s5 =	simm.s32 $_scs_section_size  }
0x9b: {  	s6 =	simm.s32 $_size__tile_overlayer_lowered;
	s7 =	simm.s32 $_tile_overlayer_lowered  }
0x9c: {  	s22 =	simm.s32 $0x1BFF;
	s21 =	sshll.u32 s7, $0x1;
	s4 =	sadd.s32 s5, s19  }
0x9d: {  	s8 =	simm.s32 $0x0;
	s20 =	sshll.u32 s6, $0x1;
	s6 =	sadd.s32 s21, s4  }
0x9e: {  	[timem:s8], [sflag:s22] =	dma.local [hbm:s6], s20  }
0x9f: {  	_ =	swait.ge [sflag:s22], s20  }
0xa0: {  	s5 =	ssub.s32 $0x0, s20;
	[sflag:s22] =	ssyncset.done $0x0  }
0xa1: {  	[sflag:s22] =	ssyncadd.s32 s5;
	_ =	sdelay $0x1  }
0xa2: {  	s23 =	simm.s32 $0x1B8B  }
0xa3: {  	_ =	swait.ge [sflag:s23], $0x1  }
0xa4: {  	[sflag:s23] =	ssyncset.done $0x0  }
0xa5: {  	s25 =	simm.s32 $0x1B8E;
	s24 =	sld [smem:$0x3FFE];
	[sflag:s23] =	ssyncadd.s32 $0xFFFFFFFF  }
0xa6: {  	s26 =	simm.s32 $execute0_lowered;
	[smem:$0x3FD2] =	sst s25  }
0xa7: {  	s6 =	sshll.u32 s26, $0x1;
	_ =	strace $0x80000046;
	[dreg:$0x1] =	wrdreg $0xFFFFFFFF  }
0xa8: {  	s28 =	simm.s32 $_size_execute0_lowered;
	s4 =	sadd.s32 s4, s6;
	[dreg:$0x0] =	wrdreg $0x0  }
0xa9: {  	s6 =	sshll.u32 s28, $0x1;
	[dreg:$0x2] =	wrdreg s4  }
0xaa: {  	[dreg:$0x3] =	wrdreg s6  }
0xab: {  	[dreg:$0x4] =	wrdreg $0xC0  }
0xac: {  	_ =	task [dreg:s8], $0x5FFFF  }
0xad: {  	[dreg:$0x1] =	wrdreg $0xFFFFFFFF  }
0xae: {  	[dreg:$0x0] =	wrdreg $0x60  }
0xaf: {  	[dreg:$0x2] =	wrdreg s2  }
0xb0: {  	[dreg:$0x3] =	wrdreg s18  }
0xb1: {  	[dreg:$0x4] =	wrdreg s24  }
0xb2: {  	[dreg:$0x5] =	wrdreg $0x9  }
0xb3: {  	_ =	task.clear_ibuf [dreg:s8], $0x6FFFF;
	_ =	strace $0x90000046  }
0xb4: {  	s29 =	simm.s32 $0x9;
	_ =	strace $0x80000048  }
0xb5: {  	_ =	swait.ge [sflag:s29], $0x1  }
0xb6: {  	[sflag:s29] =	ssyncadd.s32 $0xFFFFFFFF  }
0xb7: {  	_ =	strace $0x90000048  }
0xb8: {  	_ =	sfence  }
0xb9: {  	s30 =	sld [smem:$0x0];
	_ =	sdelay $0x2  }
0xba: {  	s31 =	sshll.u32 s1, $0xD;
	s1 =	sshrl.u32 s1, $0x2  }
0xbb: {  	s3 =	sand.u32 $0x4000, s31;
	s1 =	sadd.s32 s1, s30  }
0xbc: {  	s0 =	sor.u32 s3, s0;
	s1 =	sshll.u32 s1, $0x11  }
0xbd: {  	s0 =	sor.u32 s1, s0  }
0xbe: {  	s0 =	sadd.s32 $0x8F2B, s0  }
0xbf: {  	[sflag:s0] =	ssyncadd.remote.s32 $0x1  }
0xc0: {  	_ =	sfence.sel $0xFFFF  }
0xc1: {  	[dreg:$0x0] =	wrdreg $0xFFFFFFFF;
	(pc) =	sbr.abs _section_cstart, $3  }
0xc2: {  	[dreg:$0x1] =	wrdreg $0xFFFFFFFF  }
0xc3: {  	_ =	task.clear_ibuf [dreg:s8], $0x2FFFF;
	_ =	strace $0x9FFFFFFF  }
0xc4: {  	(tm) =	ssettm $0x7FFFFFFF  }
0xc5: {  	_ =	shalt  }
tec
execute0_lowered:
.L_overlay_start_1:
0x0: {  	(tag) =	ssettag $0x1  }
0x1: {  	s1 =	rddreg [dreg:$0x0]  }
0x2: {  	s2 =	rddreg [dreg:$0x1]  }
0x3: {  	s11 =	rddreg [dreg:$0x2]  }
0x4: {  	s0 =	rddreg [dreg:$0x3];
	s3 =	simm.s32 $0x0  }
0x5: {  	s4 =	srdreg.scid;
	s13 =	simm.s32 $0x2;
	s14 =	simm.s32 $0x80  }
0x6: {  	s15 =	simm.s32 $0x4100;
	s16 =	simm.s32 $0x100;
	s17 =	simm.s32 $0x1  }
0x7: {  	v0 =	vlaneseq.u32;
	s18 =	simm.s32 $0x0;
	[smem:$0x7FF] =	sst s3;
	s7 =	sand.u32 $0x1, s4  }
0x8: {  	s5 =	sadd.s32 $0xC00, s11;
	s6 =	sadd.s32 $0x40C00, s11;
	s4 =	stileid.u32;
	v0 =	vmul.u32 $0x1715609D, v0  }
0x9: {  	s10 =	sadd.s32 $0x100C00, s11;
	_ =	strace $0x80000047;
	s8 =	ssub.s32 $0x2, s7  }
0xa: {  	s31 =	sshll.u32 s4, $0xA;
	s7 =	sshll.u32 s7, $0x9;
	s9 =	sshrl.u32 s8, $0x1;
	v2 =	vadd.s32 $0x9E3779B9, v0  }
0xb: {  	s7 =	sor.u32 s7, s31;
	v3 =	vadd.s32 $0x3C6EF372, v0;
	v4 =	vadd.s32 $0xDAA66D2B, v0;
	s12 =	ssub.s32 s8, s9;
	s8 =	sadd.s32 $0x80C00, s11  }
0xc: {  	v1 =	vimm.s32 $0x0;
	v5 =	vadd.s32 $0x78DDE6E4, v0;
	s9 =	sadd.s32 $0xC0C00, s11;
	s11 =	sadd.s32 $0x140C00, s11;
	s12 =	smax.u32 s12, $0x1  }
.LBB2_1:
0xd: {  	s19 =	smov.u32 s7;
	s20 =	simm.s32 $0x0  }
.LBB2_2:
0xe: {  	v6 =	vmov s19  }
0xf: {  	v6 =	vmul.u32 $0x1715609D, v6;
	_ =	sdelay $0x1  }
0x10: {  	v7 =	vbroadcast v6, $0x0;
	_ =	sdelay $0x1  }
0x11: {  	v6 =	vadd.s32 v0, v7  }
0x12: {  	v8 =	vshrl.u32 v6, $0x10  }
0x13: {  	v6 =	vxor.u32 v6, v8  }
0x14: {  	v6 =	vmul.u32 $0x85EBCA6B, v6;
	_ =	sdelay $0x1  }
0x15: {  	v8 =	vshrl.u32 v6, $0xD  }
0x16: {  	v6 =	vxor.u32 v6, v8  }
0x17: {  	v6 =	vmul.u32 $0xC2B2AE35, v6;
	_ =	sdelay $0x1  }
0x18: {  	v8 =	vshrl.u32 v6, $0x10;
	v6 =	vand.u32 $0xFFFFFF, v6  }
0x19: {  	s21 =	sshll.u32 s20, $0x7;
	v6 =	vxor.u32 v8, v6  }
0x1a: {  	s21 =	sadd.s32 s7, s21;
	v6 =	vcvt.s32.f32 v6  }
0x1b: {  	s22 =	sshrl.u32 s21, $0x3  }
0x1c: {  	s23 =	simm.s32 $0x0;
	s22 =	sadd.s32 s2, s22;
	v6 =	vmul.f32 $5.960464480e-08, v6  }
0x1d: {  	[tilespmem:s23], [sflag:$0x2] =	stream.linear.gather [hbm4b:s22+s23], $0x80, $0x38;
	[tilespmem:$0x8100] =	vst v63  }
0x1e: {  	_ =	swait.ge [sflag:s13], $0x80;
	v9 =	vmul.f32 $6.768997960e+01, v6  }
0x1f: {  	[sflag:s13] =	ssyncset.done $0x0  }
0x20: {  	[sflag:s13] =	ssyncadd.s32 $0xFFFFFF80;
	v8 =	vadd.f32 $3.441285370e+00, v9  }
0x21: {  	[tilespmem:s16], [sflag:$0x1] =	stream.indirect.gather [hbm4b:s1+s14], $0x80, s23, s14, $0xb8;
	[tilespmem:$0x8100] =	vst v63  }
0x22: {  	_ =	swait.ge [sflag:s17], $0x4000;
	v6 =	vmul.f32 $2.500000000e-01, v8  }
0x23: {  	s21 =	sshll.u32 s21, $0x4;
	s22 =	sadd.s32 $0x10, s19;
	[sflag:s17] =	ssyncset.done $0x0  }
0x24: {  	s31 =	sadd.s32 s5, s21;
	v12 =	vmov s22;
	[sflag:s17] =	ssyncadd.s32 $0xFFFFC000;
	v10 =	vmul.f32 v6, v6  }
0x25: {  	v12 =	vmul.u32 $0x1715609D, v12;
	[hbm4b:s31+s23] =	stream.linear.scatter [tilespmem:s16], [sflag:$0x2], $0x4000, $0x38;
	vm0 =	vge.f32 v9, $1.000000000e+00;
	[tilespmem:$0x8100] =	vst v63  }
0x26: {  	_ =	swait.ge [sflag:s13], $0x4000;
	vm1 =	vge.f32 v9, $4.080296520e+00;
	vm2 =	vge.f32 v9, $1.594603540e+00;
	v6 =	vmul.f32 v10, v6  }
0x27: {  	vm3 =	vge.f32 v9, $2.033294920e+00;
	vm4 =	vge.f32 v9, $2.946765420e+00;
	vm10 =	vge.f32 v9, $3.759635690e+00  }
0x28: {  	v11 =	vsel vm0, $0x1, v1;
	v10 =	vsel vm2, $0x1, v1;
	(erf) = vrcp.f32 v6  }
0x29: {  	vm5 =	vge.f32 v9, $3.179133650e+00;
	v6 =	vadd.s32 v10, v11;
	v10 =	vsel vm3, $0x1, v1  }
0x2a: {  	vm11 =	vge.f32 v9, $3.581807850e+00;
	v10 =	vadd.s32 v10, v6;
	v6 =	vbroadcast v12, $0x0  }
0x2b: {  	vm12 =	vge.f32 v9, $3.925195690e+00;
	vm0 =	vge.f32 v9, $4.226360320e+00;
	vm2 =	vge.f32 v9, $2.386848210e+00  }
0x2c: {  	v13 =	vsel vm2, $0x1, v1;
	vm3 =	vge.f32 v9, $2.685918090e+00;
	v14 =	vadd.s32 v0, v6  }
0x2d: {  	v12 =	vsel vm3, $0x1, v1;
	v10 =	vadd.s32 v13, v10;
	v13 =	vshrl.u32 v14, $0x10  }
0x2e: {  	vm2 =	vge.f32 v9, $4.364527230e+00;
	v10 =	vadd.s32 v12, v10;
	v12 =	vxor.u32 v14, v13  }
0x2f: {  	v11 =	vsel vm4, $0x1, v1;
	vm3 =	vge.f32 v9, $3.389357570e+00;
	v12 =	vmul.u32 $0x85EBCA6B, v12  }
0x30: {  	v15 =	vsel vm3, $0x1, v1;
	v10 =	vadd.s32 v11, v10;
	v11 =	vsel vm5, $0x1, v1  }
0x31: {  	v14 =	vsel vm11, $0x1, v1;
	v10 =	vadd.s32 v11, v10;
	v16 =	vshrl.u32 v12, $0xD;
	v17 =	vpop (erf)  }
0x32: {  	v10 =	vadd.s32 v15, v10;
	v12 =	vxor.u32 v12, v16;
	v16 =	vmul.f32 $-5.000000000e-01, v17  }
0x33: {  	v13 =	vsel vm10, $0x1, v1;
	v10 =	vadd.s32 v14, v10;
	v11 =	vmul.u32 $0xC2B2AE35, v12  }
0x34: {  	vm3 =	vge.f32 v9, $4.495726590e+00;
	v10 =	vadd.s32 v13, v10;
	v8 =	vadd.f32 v16, v8  }
0x35: {  	v17 =	vsel vm12, $0x1, v1;
	v14 =	vshrl.u32 v11, $0x10;
	v11 =	vand.u32 $0xFFFFFF, v11  }
0x36: {  	v12 =	vsel vm1, $0x1, v1;
	v11 =	vxor.u32 v14, v11;
	v8 =	vmul.f32 $2.500000000e-01, v8  }
0x37: {  	vm1 =	vge.f32 v9, $4.620726590e+00;
	v10 =	vadd.s32 v17, v10;
	v11 =	vcvt.s32.f32 v11  }
0x38: {  	v10 =	vadd.s32 v12, v10;
	v12 =	vsel vm0, $0x1, v1;
	v8 =	vmul.f32 v8, v8  }
0x39: {  	v10 =	vadd.s32 v12, v10;
	v12 =	vsel vm2, $0x1, v1;
	v11 =	vmul.f32 $5.960464480e-08, v11  }
0x3a: {  	v10 =	vadd.s32 v12, v10;
	v12 =	vsel vm3, $0x1, v1;
	v13 =	vmul.f32 v8, v8  }
0x3b: {  	v10 =	vadd.s32 v12, v10;
	v8 =	vmul.f32 $6.768997960e+01, v11;
	v11 =	vsel vm1, $0x1, v1  }
0x3c: {  	vm2 =	vlt.f32 v9, $4.620726590e+00;
	v11 =	vadd.s32 v11, v10;
	v12 =	vtrunc.f32 v13  }
0x3d: {  	v9 =	vadd.f32 $3.441285370e+00, v8;
	vm0 =	vge.f32 v8, $1.000000000e+00;
	vm1 =	vge.f32 v8, $4.080296520e+00  }
0x3e: {  	vm3 =	vge.f32 v8, $1.594603540e+00;
	vm13 =	vge.f32 v8, $2.033294920e+00;
	vm14 =	vge.f32 v8, $2.946765420e+00  }
0x3f: {  	vm15 =	vge.f32 v8, $2.685918090e+00;
	v10 =	vsel vm0, $0x1, v1;
	v13 =	vmul.f32 $2.500000000e-01, v9  }
0x40: {  	vm0 =	vge.f32 v8, $4.226360320e+00;
	v14 =	vsel vm3, $0x1, v1;
	v15 =	vsel vm13, $0x1, v1  }
0x41: {  	v16 =	vcvt.f32.s32 v12;
	v10 =	vadd.s32 v14, v10;
	v14 =	vmul.f32 v13, v13  }
0x42: {  	s26 =	sadd.s32 $0x10, s22;
	vm3 =	vge.f32 v8, $2.386848210e+00;
	v12 =	vadd.s32 v15, v10;
	v10 =	vsel vm14, $0x1, v1  }
0x43: {  	v11 =	vsel vm2, v11, v16;
	v16 =	vmov s26;
	v14 =	vmul.f32 v14, v13  }
0x44: {  	s25 =	simm.s32 $0x0;
	s24 =	simm.s32 $0x10;
	[sflag:s13] =	ssyncset.done $0x0;
	v15 =	vsel vm3, $0x1, v1;
	vm2 =	vgt.s32 v11, $0x0;
	v16 =	vmul.u32 $0x1715609D, v16  }
0x45: {  	s29 =	simm.s32 $0xC0;
	s23 =	simm.s32 $0x20;
	[sflag:s13] =	ssyncadd.s32 $0xFFFFC000;
	v13 =	vsel vm15, $0x1, v1;
	(erf) = vrcp.f32 v14;
	v14 =	vnsel vm2, $0x0, v11  }
.LBB2_3:
0x46: {  	s28 =	smov.u32 s29  }
0x47: {  	s30 =	sshra.s32 s29, $0x2;
	vm3 =	vge.f32 v8, $3.389357570e+00;
	vm4 =	vge.f32 v8, $3.759635690e+00;
	vm2 =	vge.f32 v8, $4.364527230e+00;
	s28 =	sadd.s32 $0x40, s29  }
0x48: {  	p0 =	sne.s32 s29, $0x1C0;
	v12 =	vadd.s32 v15, v12;
	v16 =	vbroadcast v16, $0x0;
	v15 =	vsel vm3, $0x1, v1;
	v17 =	vld [tilespmem:s25+$0x0]  }
0x49: {  	vm5 =	vge.f32 v8, $3.179133650e+00;
	v12 =	vadd.s32 v13, v12;
	vm3 =	vge.f32 v8, $4.495726590e+00  }
0x4a: {  	vm6 =	vgt.s32 v11, $0x1869E;
	v10 =	vadd.s32 v10, v12;
	v13 =	vadd.s32 v0, v16  }
0x4b: {  	v14 =	vmin.u32 v14, $0x1869F;
	v12 =	vsel vm5, $0x1, v1;
	v11 =	vshrl.u32 v13, $0x10  }
0x4c: {  	vm5 =	vge.f32 v8, $3.581807850e+00;
	v11 =	vxor.u32 v13, v11;
	v13 =	vadd.s32 $0x1, v14  }
0x4d: {  	v16 =	vsel vm4, $0x1, v1;
	v11 =	vmul.u32 $0x85EBCA6B, v11;
	v13 =	vsel vm6, $0x0, v13  }
0x4e: {  	v18 =	vsel vm5, $0x1, v1;
	vm4 =	vge.f32 v8, $3.925195690e+00;
	vm5 =	veq.s32 v14, v17  }
0x4f: {  	v19 =	vsel vm4, $0x1, v1;
	v17 =	vshrl.u32 v11, $0xD;
	v13 =	vsel vm5, v13, v14;
	v20 =	vpop (erf)  }
0x50: {  	v10 =	vadd.s32 v12, v10;
	v11 =	vxor.u32 v11, v17;
	v14 =	vmul.f32 $-5.000000000e-01, v20;
	[tilespmem:s25+$0x80] =	vst v13;
	s25 =	smov.u32 s24;
	s24 =	smov.u32 s23;
	s23 =	smov.u32 s30  }
0x51: {  	v12 =	vsel vm1, $0x1, v1;
	v10 =	vadd.s32 v15, v10;
	v11 =	vmul.u32 $0xC2B2AE35, v11  }
0x52: {  	vm1 =	vge.f32 v8, $4.620726590e+00;
	v10 =	vadd.s32 v18, v10;
	v9 =	vadd.f32 v14, v9  }
0x53: {  	v10 =	vadd.s32 v16, v10;
	v13 =	vshrl.u32 v11, $0x10;
	v11 =	vand.u32 $0xFFFFFF, v11  }
0x54: {  	v10 =	vadd.s32 v19, v10;
	v11 =	vxor.u32 v13, v11;
	v9 =	vmul.f32 $2.500000000e-01, v9  }
0x55: {  	v10 =	vadd.s32 v12, v10;
	v12 =	vsel vm0, $0x1, v1;
	v11 =	vcvt.s32.f32 v11  }
0x56: {  	v10 =	vadd.s32 v12, v10;
	v12 =	vsel vm2, $0x1, v1;
	v9 =	vmul.f32 v9, v9  }
0x57: {  	v10 =	vadd.s32 v12, v10;
	v12 =	vsel vm3, $0x1, v1;
	v11 =	vmul.f32 $5.960464480e-08, v11  }
0x58: {  	v10 =	vadd.s32 v12, v10;
	v9 =	vmul.f32 v9, v9  }
0x59: {  	v12 =	vsel vm1, $0x1, v1;
	v11 =	vmul.f32 $6.768997960e+01, v11  }
0x5a: {  	vm2 =	vlt.f32 v8, $4.620726590e+00;
	v14 =	vadd.s32 v12, v10;
	v13 =	vtrunc.f32 v9  }
0x5b: {  	v9 =	vadd.f32 $3.441285370e+00, v11;
	vm0 =	vge.f32 v11, $1.000000000e+00;
	vm1 =	vge.f32 v11, $4.080296520e+00;
	v8 =	vmovc v11  }
0x5c: {  	v10 =	vsel vm0, $0x1, v1;
	vm3 =	vge.f32 v8, $1.594603540e+00;
	vm0 =	vge.f32 v8, $4.226360320e+00  }
0x5d: {  	v11 =	vmul.f32 $2.500000000e-01, v9;
	v12 =	vsel vm3, $0x1, v1;
	vm3 =	vge.f32 v8, $2.386848210e+00  }
0x5e: {  	vm4 =	vge.f32 v8, $2.033294920e+00;
	vm5 =	vge.f32 v8, $2.946765420e+00;
	v10 =	vadd.s32 v12, v10  }
.Ltmp0:
0x5f: {  	v16 =	vcvt.f32.s32 v13;
	v12 =	vsel vm4, $0x1, v1;
	v15 =	vmul.f32 v11, v11;
	(pc) =	sbr.rel @p0 .LBB2_3-.Ltmp0, $4  }
0x60: {  	vm4 =	vge.f32 v8, $2.685918090e+00;
	v12 =	vadd.s32 v12, v10;
	v10 =	vsel vm5, $0x1, v1  }
0x61: {  	s26 =	sadd.s32 $0x10, s26;
	v13 =	vsel vm4, $0x1, v1;
	v17 =	vmul.f32 v15, v11;
	v11 =	vsel vm2, v14, v16  }
0x62: {  	v14 =	vmov s26;
	v15 =	vsel vm3, $0x1, v1;
	vm2 =	vgt.s32 v11, $0x0  }
0x63: {  	s29 =	smov.u32 s28;
	v16 =	vmul.u32 $0x1715609D, v14;
	v14 =	vnsel vm2, $0x0, v11;
	(erf) = vrcp.f32 v17  }
0x64: {  	_ = 	snop  }
0x65: {  	v16 =	vbroadcast v16, $0x0;
	_ =	sdelay $0x1  }
0x66: {  	v16 =	vadd.s32 v0, v16  }
0x67: {  	v17 =	vshrl.u32 v16, $0x10  }
0x68: {  	v16 =	vxor.u32 v16, v17  }
0x69: {  	vm3 =	vge.f32 v8, $3.389357570e+00;
	v16 =	vmul.u32 $0x85EBCA6B, v16  }
0x6a: {  	vm4 =	vge.f32 v8, $3.759635690e+00;
	vm2 =	vge.f32 v8, $4.364527230e+00;
	v12 =	vadd.s32 v15, v12  }
0x6b: {  	vm5 =	vge.f32 v8, $3.179133650e+00;
	v12 =	vadd.s32 v13, v12;
	v13 =	vshrl.u32 v16, $0xD  }
0x6c: {  	vm6 =	vgt.s32 v11, $0x1869E;
	vm13 =	vge.f32 v8, $3.581807850e+00;
	v13 =	vxor.u32 v16, v13  }
0x6d: {  	vm14 =	vge.f32 v8, $3.925195690e+00;
	v15 =	vsel vm3, $0x1, v1;
	v11 =	vmul.u32 $0xC2B2AE35, v13  }
0x6e: {  	vm3 =	vge.f32 v8, $4.495726590e+00;
	v10 =	vadd.s32 v10, v12;
	v12 =	vsel vm5, $0x1, v1  }
0x6f: {  	v10 =	vadd.s32 v12, v10;
	v17 =	vshrl.u32 v11, $0x10;
	v11 =	vand.u32 $0xFFFFFF, v11  }
0x70: {  	v12 =	vsel vm13, $0x1, v1;
	v10 =	vadd.s32 v15, v10;
	v15 =	vld [tilespmem:s25+$0x0];
	v11 =	vxor.u32 v17, v11  }
0x71: {  	v18 =	vsel vm4, $0x1, v1;
	v10 =	vadd.s32 v12, v10;
	v16 =	vpop (erf);
	v11 =	vcvt.s32.f32 v11  }
0x72: {  	v12 =	vsel vm14, $0x1, v1;
	v10 =	vadd.s32 v18, v10;
	v16 =	vmul.f32 $-5.000000000e-01, v16  }
0x73: {  	v10 =	vadd.s32 v12, v10;
	v13 =	vmin.u32 v14, $0x1869F;
	v11 =	vmul.f32 $5.960464480e-08, v11  }
0x74: {  	v12 =	vsel vm0, $0x1, v1;
	v14 =	vadd.s32 $0x1, v13;
	v9 =	vadd.f32 v16, v9  }
0x75: {  	vm0 =	veq.s32 v13, v15;
	v16 =	vsel vm1, $0x1, v1;
	v11 =	vmul.f32 $6.768997960e+01, v11  }
0x76: {  	v14 =	vsel vm6, $0x0, v14;
	v10 =	vadd.s32 v16, v10;
	v9 =	vmul.f32 $2.500000000e-01, v9  }
0x77: {  	v10 =	vadd.s32 v12, v10;
	v12 =	vsel vm2, $0x1, v1;
	v16 =	vadd.f32 $3.441285370e+00, v11  }
0x78: {  	vm1 =	vge.f32 v8, $4.620726590e+00;
	v13 =	vsel vm0, v14, v13;
	v10 =	vadd.s32 v12, v10  }
0x79: {  	v12 =	vsel vm3, $0x1, v1;
	v9 =	vmul.f32 v9, v9;
	v15 =	vmul.f32 $2.500000000e-01, v16  }
0x7a: {  	vm2 =	vlt.f32 v8, $4.620726590e+00;
	v10 =	vadd.s32 v12, v10;
	v12 =	vsel vm1, $0x1, v1  }
0x7b: {  	v10 =	vadd.s32 v12, v10;
	v9 =	vmul.f32 v9, v9;
	v12 =	vmul.f32 v15, v15  }
0x7c: {  	vm1 =	vge.f32 v11, $1.000000000e+00;
	vm0 =	vge.f32 v11, $4.080296520e+00;
	vm3 =	vge.f32 v11, $1.594603540e+00  }
0x7d: {  	vm15 =	vge.f32 v11, $2.033294920e+00;
	vm8 =	vge.f32 v11, $2.946765420e+00;
	v12 =	vmul.f32 v12, v15  }
0x7e: {  	vm9 =	vge.f32 v11, $2.685918090e+00;
	vm10 =	vge.f32 v11, $3.759635690e+00;
	vm11 =	vge.f32 v11, $3.179133650e+00  }
0x7f: {  	vm13 =	vge.f32 v11, $3.581807850e+00;
	vm14 =	vge.f32 v11, $3.925195690e+00;
	(erf) = vrcp.f32 v12  }
0x80: {  	v9 =	vtrunc.f32 v9;
	v8 =	vsel vm1, $0x1, v1;
	vm1 =	vge.f32 v11, $4.226360320e+00  }
0x81: {  	v14 =	vsel vm3, $0x1, v1;
	vm3 =	vge.f32 v11, $2.386848210e+00;
	v9 =	vcvt.f32.s32 v9  }
0x82: {  	v8 =	vadd.s32 v14, v8;
	v14 =	vsel vm3, $0x1, v1;
	vm3 =	vge.f32 v11, $3.389357570e+00  }
0x83: {  	[tilespmem:s25+$0x80] =	vst v13;
	v18 =	vsel vm13, $0x1, v1;
	v13 =	vsel vm3, $0x1, v1;
	vm3 =	vge.f32 v11, $4.495726590e+00  }
0x84: {  	v9 =	vsel vm2, v10, v9;
	v10 =	vsel vm8, $0x1, v1;
	v12 =	vsel vm15, $0x1, v1  }
0x85: {  	vm2 =	vgt.s32 v9, $0x0;
	vm12 =	vgt.s32 v9, $0x1869E;
	v8 =	vadd.s32 v12, v8  }
0x86: {  	v15 =	vnsel vm2, $0x0, v9;
	v12 =	vsel vm9, $0x1, v1;
	v8 =	vadd.s32 v14, v8;
	v14 =	vld [tilespmem:s24+$0x0]  }
0x87: {  	vm2 =	vge.f32 v11, $4.364527230e+00;
	v9 =	vsel vm11, $0x1, v1;
	v8 =	vadd.s32 v12, v8  }
0x88: {  	v8 =	vadd.s32 v10, v8;
	v10 =	vmin.u32 v15, $0x1869F;
	v15 =	vsel vm10, $0x1, v1;
	v17 =	vpop (erf)  }
0x89: {  	v12 =	vadd.s32 $0x1, v10;
	v8 =	vadd.s32 v9, v8;
	v17 =	vmul.f32 $-5.000000000e-01, v17  }
0x8a: {  	v12 =	vsel vm12, $0x0, v12;
	v8 =	vadd.s32 v13, v8;
	v13 =	vadd.s32 v2, v7  }
0x8b: {  	vm15 =	veq.s32 v10, v14;
	v14 =	vsel vm14, $0x1, v1;
	v9 =	vadd.f32 v17, v16  }
0x8c: {  	v8 =	vadd.s32 v18, v8;
	v10 =	vsel vm15, v12, v10;
	v12 =	vshrl.u32 v13, $0x10  }
0x8d: {  	v8 =	vadd.s32 v15, v8;
	v12 =	vxor.u32 v13, v12;
	v9 =	vmul.f32 $2.500000000e-01, v9  }
0x8e: {  	v13 =	vsel vm0, $0x1, v1;
	v8 =	vadd.s32 v14, v8;
	v12 =	vmul.u32 $0x85EBCA6B, v12  }
0x8f: {  	v8 =	vadd.s32 v13, v8;
	v13 =	vsel vm1, $0x1, v1;
	v9 =	vmul.f32 v9, v9  }
0x90: {  	vm0 =	vge.f32 v11, $4.620726590e+00;
	v8 =	vadd.s32 v13, v8;
	v13 =	vshrl.u32 v12, $0xD  }
0x91: {  	v14 =	vsel vm2, $0x1, v1;
	v12 =	vxor.u32 v12, v13;
	v9 =	vmul.f32 v9, v9  }
0x92: {  	v8 =	vadd.s32 v14, v8;
	v13 =	vsel vm3, $0x1, v1;
	v12 =	vmul.u32 $0xC2B2AE35, v12  }
0x93: {  	v8 =	vadd.s32 v13, v8;
	v13 =	vsel vm0, $0x1, v1;
	v9 =	vtrunc.f32 v9  }
0x94: {  	v14 =	vshrl.u32 v12, $0x10;
	v12 =	vand.u32 $0xFFFFFF, v12;
	v9 =	vcvt.f32.s32 v9  }
0x95: {  	[tilespmem:s24+$0x80] =	vst v10;
	vm0 =	vlt.f32 v11, $4.620726590e+00;
	v8 =	vadd.s32 v13, v8;
	v10 =	vxor.u32 v14, v12  }
0x96: {  	v10 =	vcvt.s32.f32 v10;
	v8 =	vsel vm0, v8, v9;
	v9 =	vld [tilespmem:s23+$0x0]  }
0x97: {  	vm0 =	vgt.s32 v8, $0x0  }
0x98: {  	v10 =	vmul.f32 $5.960464480e-08, v10;
	v11 =	vnsel vm0, $0x0, v8  }
0x99: {  	v11 =	vmin.u32 v11, $0x1869F  }
0x9a: {  	v10 =	vmul.f32 $6.768997960e+01, v10;
	vm0 =	vgt.s32 v8, $0x1869E;
	v8 =	vadd.s32 $0x1, v11  }
0x9b: {  	v8 =	vsel vm0, $0x0, v8;
	vm0 =	veq.s32 v11, v9  }
0x9c: {  	v9 =	vadd.f32 $3.441285370e+00, v10;
	v8 =	vsel vm0, v8, v11  }
0x9d: {  	[tilespmem:s23+$0x80] =	vst v8  }
0x9e: {  	v8 =	vmul.f32 $2.500000000e-01, v9;
	[tilespmem:s15], [sflag:$0x1] =	stream.indirect.gather [hbm4b:s1+s14], $0x80, s14, s14, $0xb8;
	[tilespmem:$0x8100] =	vst v63  }
0x9f: {  	_ =	swait.ge [sflag:s17], $0x4000  }
0xa0: {  	vm1 =	vge.f32 v10, $4.080296520e+00;
	vm2 =	vge.f32 v10, $1.594603540e+00;
	v11 =	vmul.f32 v8, v8;
	[sflag:s17] =	ssyncset.done $0x0  }
0xa1: {  	s30 =	sadd.s32 s6, s21;
	s31 =	simm.s32 $0x0;
	vm3 =	vge.f32 v10, $2.386848210e+00;
	vm8 =	vge.f32 v10, $2.685918090e+00;
	[sflag:s17] =	ssyncadd.s32 $0xFFFFC000  }
0xa2: {  	v14 =	vadd.s32 v2, v6;
	vm9 =	vge.f32 v10, $3.759635690e+00;
	v8 =	vmul.f32 v11, v8;
	[hbm4b:s30+s31] =	stream.linear.scatter [tilespmem:s15], [sflag:$0x2], $0x4000, $0x38;
	[tilespmem:$0x8100] =	vst v63  }
0xa3: {  	vm10 =	vge.f32 v10, $3.179133650e+00;
	v12 =	vsel vm2, $0x1, v1;
	vm0 =	vge.f32 v10, $1.000000000e+00;
	_ =	swait.ge [sflag:s13], $0x4000  }
0xa4: {  	vm2 =	vge.f32 v10, $2.033294920e+00;
	v11 =	vsel vm0, $0x1, v1;
	(erf) = vrcp.f32 v8  }
0xa5: {  	vm11 =	vge.f32 v10, $3.581807850e+00;
	v8 =	vadd.s32 v12, v11;
	v11 =	vsel vm2, $0x1, v1  }
0xa6: {  	vm12 =	vge.f32 v10, $3.925195690e+00;
	v13 =	vsel vm3, $0x1, v1;
	v8 =	vadd.s32 v11, v8  }
0xa7: {  	v12 =	vsel vm8, $0x1, v1;
	v8 =	vadd.s32 v13, v8;
	v13 =	vshrl.u32 v14, $0x10  }
0xa8: {  	vm3 =	vge.f32 v10, $3.389357570e+00;
	v8 =	vadd.s32 v12, v8;
	v12 =	vxor.u32 v14, v13  }
0xa9: {  	v15 =	vsel vm3, $0x1, v1;
	vm2 =	vge.f32 v10, $2.946765420e+00;
	v12 =	vmul.u32 $0x85EBCA6B, v12  }
0xaa: {  	vm3 =	vge.f32 v10, $4.495726590e+00;
	vm0 =	vge.f32 v10, $4.226360320e+00;
	v11 =	vsel vm2, $0x1, v1  }
0xab: {  	v8 =	vadd.s32 v11, v8;
	v11 =	vsel vm10, $0x1, v1;
	v16 =	vshrl.u32 v12, $0xD  }
0xac: {  	vm2 =	vge.f32 v10, $4.364527230e+00;
	v8 =	vadd.s32 v11, v8;
	v12 =	vxor.u32 v12, v16  }
0xad: {  	v14 =	vsel vm11, $0x1, v1;
	v8 =	vadd.s32 v15, v8;
	v11 =	vmul.u32 $0xC2B2AE35, v12;
	v17 =	vpop (erf)  }
0xae: {  	v13 =	vsel vm9, $0x1, v1;
	v8 =	vadd.s32 v14, v8;
	v16 =	vmul.f32 $-5.000000000e-01, v17  }
0xaf: {  	v8 =	vadd.s32 v13, v8;
	v14 =	vshrl.u32 v11, $0x10;
	v11 =	vand.u32 $0xFFFFFF, v11  }
0xb0: {  	v17 =	vsel vm12, $0x1, v1;
	v11 =	vxor.u32 v14, v11;
	v9 =	vadd.f32 v16, v9  }
0xb1: {  	v12 =	vsel vm1, $0x1, v1;
	v8 =	vadd.s32 v17, v8;
	v11 =	vcvt.s32.f32 v11  }
0xb2: {  	v8 =	vadd.s32 v12, v8;
	v12 =	vsel vm0, $0x1, v1;
	v9 =	vmul.f32 $2.500000000e-01, v9  }
0xb3: {  	v8 =	vadd.s32 v12, v8;
	v12 =	vsel vm2, $0x1, v1;
	v11 =	vmul.f32 $5.960464480e-08, v11  }
0xb4: {  	v8 =	vadd.s32 v12, v8;
	v12 =	vsel vm3, $0x1, v1;
	v9 =	vmul.f32 v9, v9  }
0xb5: {  	vm1 =	vge.f32 v10, $4.620726590e+00;
	v12 =	vadd.s32 v12, v8;
	v8 =	vmul.f32 $6.768997960e+01, v11  }
0xb6: {  	v11 =	vsel vm1, $0x1, v1;
	v9 =	vmul.f32 v9, v9  }
0xb7: {  	vm2 =	vlt.f32 v10, $4.620726590e+00;
	v11 =	vadd.s32 v11, v12;
	vm0 =	vge.f32 v8, $1.000000000e+00  }
0xb8: {  	vm1 =	vge.f32 v8, $4.080296520e+00;
	v13 =	vtrunc.f32 v9;
	v9 =	vadd.f32 $3.441285370e+00, v8  }
0xb9: {  	vm3 =	vge.f32 v8, $1.594603540e+00;
	vm13 =	vge.f32 v8, $2.033294920e+00;
	vm14 =	vge.f32 v8, $2.946765420e+00  }
0xba: {  	v10 =	vsel vm0, $0x1, v1;
	v12 =	vsel vm3, $0x1, v1;
	v14 =	vmul.f32 $2.500000000e-01, v9  }
0xbb: {  	vm15 =	vge.f32 v8, $2.685918090e+00;
	vm0 =	vge.f32 v8, $4.226360320e+00;
	v10 =	vadd.s32 v12, v10  }
0xbc: {  	v12 =	vsel vm13, $0x1, v1;
	v16 =	vcvt.f32.s32 v13;
	v15 =	vmul.f32 v14, v14  }
0xbd: {  	s26 =	sadd.s32 $0x10, s22;
	vm3 =	vge.f32 v8, $2.386848210e+00;
	v12 =	vadd.s32 v12, v10;
	v10 =	vsel vm14, $0x1, v1  }
0xbe: {  	v11 =	vsel vm2, v11, v16;
	v16 =	vmov s26;
	v14 =	vmul.f32 v15, v14  }
0xbf: {  	s29 =	simm.s32 $0xC0;
	s25 =	simm.s32 $0x0;
	[sflag:s13] =	ssyncset.done $0x0;
	v13 =	vsel vm15, $0x1, v1;
	vm2 =	vgt.s32 v11, $0x0;
	v16 =	vmul.u32 $0x1715609D, v16  }
0xc0: {  	s24 =	simm.s32 $0x10;
	s23 =	simm.s32 $0x20;
	[sflag:s13] =	ssyncadd.s32 $0xFFFFC000;
	v15 =	vsel vm3, $0x1, v1;
	(erf) = vrcp.f32 v14;
	v14 =	vnsel vm2, $0x0, v11  }
.LBB2_5:
0xc1: {  	s28 =	smov.u32 s29  }
0xc2: {  	s30 =	sshra.s32 s29, $0x2;
	vm3 =	vge.f32 v8, $3.389357570e+00;
	vm4 =	vge.f32 v8, $3.759635690e+00;
	vm2 =	vge.f32 v8, $4.364527230e+00;
	s28 =	sadd.s32 $0x40, s29  }
0xc3: {  	p0 =	sne.s32 s29, $0x1C0;
	v12 =	vadd.s32 v15, v12;
	v16 =	vbroadcast v16, $0x0;
	v15 =	vsel vm3, $0x1, v1;
	v17 =	vld [tilespmem:s25+$0x0]  }
0xc4: {  	vm5 =	vge.f32 v8, $3.179133650e+00;
	v12 =	vadd.s32 v13, v12;
	vm3 =	vge.f32 v8, $4.495726590e+00  }
0xc5: {  	vm6 =	vgt.s32 v11, $0x1869E;
	v10 =	vadd.s32 v10, v12;
	v13 =	vadd.s32 v2, v16  }
0xc6: {  	v14 =	vmin.u32 v14, $0x1869F;
	v12 =	vsel vm5, $0x1, v1;
	v11 =	vshrl.u32 v13, $0x10  }
0xc7: {  	vm5 =	vge.f32 v8, $3.581807850e+00;
	v11 =	vxor.u32 v13, v11;
	v13 =	vadd.s32 $0x1, v14  }
0xc8: {  	v16 =	vsel vm4, $0x1, v1;
	v11 =	vmul.u32 $0x85EBCA6B, v11;
	v13 =	vsel vm6, $0x0, v13  }
0xc9: {  	v18 =	vsel vm5, $0x1, v1;
	vm4 =	vge.f32 v8, $3.925195690e+00;
	vm5 =	veq.s32 v14, v17  }
0xca: {  	v19 =	vsel vm4, $0x1, v1;
	v17 =	vshrl.u32 v11, $0xD;
	v13 =	vsel vm5, v13, v14;
	v20 =	vpop (erf)  }
0xcb: {  	v10 =	vadd.s32 v12, v10;
	v11 =	vxor.u32 v11, v17;
	v14 =	vmul.f32 $-5.000000000e-01, v20;
	[tilespmem:s25+$0x80] =	vst v13;
	s25 =	smov.u32 s24;
	s24 =	smov.u32 s23;
	s23 =	smov.u32 s30  }
0xcc: {  	v12 =	vsel vm1, $0x1, v1;
	v10 =	vadd.s32 v15, v10;
	v11 =	vmul.u32 $0xC2B2AE35, v11  }
0xcd: {  	vm1 =	vge.f32 v8, $4.620726590e+00;
	v10 =	vadd.s32 v18, v10;
	v9 =	vadd.f32 v14, v9  }
0xce: {  	v10 =	vadd.s32 v16, v10;
	v13 =	vshrl.u32 v11, $0x10;
	v11 =	vand.u32 $0xFFFFFF, v11  }
0xcf: {  	v10 =	vadd.s32 v19, v10;
	v11 =	vxor.u32 v13, v11;
	v9 =	vmul.f32 $2.500000000e-01, v9  }
0xd0: {  	v10 =	vadd.s32 v12, v10;
	v12 =	vsel vm0, $0x1, v1;
	v11 =	vcvt.s32.f32 v11  }
0xd1: {  	v10 =	vadd.s32 v12, v10;
	v12 =	vsel vm2, $0x1, v1;
	v9 =	vmul.f32 v9, v9  }
0xd2: {  	v10 =	vadd.s32 v12, v10;
	v12 =	vsel vm3, $0x1, v1;
	v11 =	vmul.f32 $5.960464480e-08, v11  }
0xd3: {  	v10 =	vadd.s32 v12, v10;
	v9 =	vmul.f32 v9, v9  }
0xd4: {  	v12 =	vsel vm1, $0x1, v1;
	v11 =	vmul.f32 $6.768997960e+01, v11  }
0xd5: {  	vm2 =	vlt.f32 v8, $4.620726590e+00;
	v14 =	vadd.s32 v12, v10;
	v13 =	vtrunc.f32 v9  }
0xd6: {  	v9 =	vadd.f32 $3.441285370e+00, v11;
	vm0 =	vge.f32 v11, $1.000000000e+00;
	vm1 =	vge.f32 v11, $4.080296520e+00;
	v8 =	vmovc v11  }
0xd7: {  	v10 =	vsel vm0, $0x1, v1;
	vm3 =	vge.f32 v8, $1.594603540e+00;
	vm0 =	vge.f32 v8, $4.226360320e+00  }
0xd8: {  	v11 =	vmul.f32 $2.500000000e-01, v9;
	v12 =	vsel vm3, $0x1, v1;
	vm3 =	vge.f32 v8, $2.386848210e+00  }
0xd9: {  	vm4 =	vge.f32 v8, $2.033294920e+00;
	vm5 =	vge.f32 v8, $2.946765420e+00;
	v10 =	vadd.s32 v12, v10  }
.Ltmp1:
0xda: {  	v16 =	vcvt.f32.s32 v13;
	v12 =	vsel vm4, $0x1, v1;
	v15 =	vmul.f32 v11, v11;
	(pc) =	sbr.rel @p0 .LBB2_5-.Ltmp1, $4  }
0xdb: {  	vm4 =	vge.f32 v8, $2.685918090e+00;
	v12 =	vadd.s32 v12, v10;
	v10 =	vsel vm5, $0x1, v1  }
0xdc: {  	s26 =	sadd.s32 $0x10, s26;
	v13 =	vsel vm4, $0x1, v1;
	v17 =	vmul.f32 v15, v11;
	v11 =	vsel vm2, v14, v16  }
0xdd: {  	v14 =	vmov s26;
	v15 =	vsel vm3, $0x1, v1;
	vm2 =	vgt.s32 v11, $0x0  }
0xde: {  	s29 =	smov.u32 s28;
	v16 =	vmul.u32 $0x1715609D, v14;
	v14 =	vnsel vm2, $0x0, v11;
	(erf) = vrcp.f32 v17  }
0xdf: {  	_ = 	snop  }
0xe0: {  	v16 =	vbroadcast v16, $0x0;
	_ =	sdelay $0x1  }
0xe1: {  	v16 =	vadd.s32 v2, v16  }
0xe2: {  	v17 =	vshrl.u32 v16, $0x10  }
0xe3: {  	v16 =	vxor.u32 v16, v17  }
0xe4: {  	vm3 =	vge.f32 v8, $3.389357570e+00;
	v16 =	vmul.u32 $0x85EBCA6B, v16  }
0xe5: {  	vm4 =	vge.f32 v8, $3.759635690e+00;
	vm2 =	vge.f32 v8, $4.364527230e+00;
	v12 =	vadd.s32 v15, v12  }
0xe6: {  	vm5 =	vge.f32 v8, $3.179133650e+00;
	v12 =	vadd.s32 v13, v12;
	v13 =	vshrl.u32 v16, $0xD  }
0xe7: {  	vm6 =	vgt.s32 v11, $0x1869E;
	vm13 =	vge.f32 v8, $3.581807850e+00;
	v13 =	vxor.u32 v16, v13  }
0xe8: {  	vm14 =	vge.f32 v8, $3.925195690e+00;
	v15 =	vsel vm3, $0x1, v1;
	v11 =	vmul.u32 $0xC2B2AE35, v13  }
0xe9: {  	vm3 =	vge.f32 v8, $4.495726590e+00;
	v10 =	vadd.s32 v10, v12;
	v12 =	vsel vm5, $0x1, v1  }
0xea: {  	v10 =	vadd.s32 v12, v10;
	v17 =	vshrl.u32 v11, $0x10;
	v11 =	vand.u32 $0xFFFFFF, v11  }
0xeb: {  	v12 =	vsel vm13, $0x1, v1;
	v10 =	vadd.s32 v15, v10;
	v15 =	vld [tilespmem:s25+$0x0];
	v11 =	vxor.u32 v17, v11  }
0xec: {  	v18 =	vsel vm4, $0x1, v1;
	v10 =	vadd.s32 v12, v10;
	v16 =	vpop (erf);
	v11 =	vcvt.s32.f32 v11  }
0xed: {  	v12 =	vsel vm14, $0x1, v1;
	v10 =	vadd.s32 v18, v10;
	v16 =	vmul.f32 $-5.000000000e-01, v16  }
0xee: {  	v10 =	vadd.s32 v12, v10;
	v13 =	vmin.u32 v14, $0x1869F;
	v11 =	vmul.f32 $5.960464480e-08, v11  }
0xef: {  	v12 =	vsel vm0, $0x1, v1;
	v14 =	vadd.s32 $0x1, v13;
	v9 =	vadd.f32 v16, v9  }
0xf0: {  	vm0 =	veq.s32 v13, v15;
	v16 =	vsel vm1, $0x1, v1;
	v11 =	vmul.f32 $6.768997960e+01, v11  }
0xf1: {  	v14 =	vsel vm6, $0x0, v14;
	v10 =	vadd.s32 v16, v10;
	v9 =	vmul.f32 $2.500000000e-01, v9  }
0xf2: {  	v10 =	vadd.s32 v12, v10;
	v12 =	vsel vm2, $0x1, v1;
	v16 =	vadd.f32 $3.441285370e+00, v11  }
0xf3: {  	vm1 =	vge.f32 v8, $4.620726590e+00;
	v13 =	vsel vm0, v14, v13;
	v10 =	vadd.s32 v12, v10  }
0xf4: {  	v12 =	vsel vm3, $0x1, v1;
	v9 =	vmul.f32 v9, v9;
	v15 =	vmul.f32 $2.500000000e-01, v16  }
0xf5: {  	vm2 =	vlt.f32 v8, $4.620726590e+00;
	v10 =	vadd.s32 v12, v10;
	v12 =	vsel vm1, $0x1, v1  }
0xf6: {  	v10 =	vadd.s32 v12, v10;
	v9 =	vmul.f32 v9, v9;
	v12 =	vmul.f32 v15, v15  }
0xf7: {  	vm1 =	vge.f32 v11, $1.000000000e+00;
	vm0 =	vge.f32 v11, $4.080296520e+00;
	vm3 =	vge.f32 v11, $1.594603540e+00  }
0xf8: {  	vm15 =	vge.f32 v11, $2.033294920e+00;
	vm8 =	vge.f32 v11, $2.946765420e+00;
	v12 =	vmul.f32 v12, v15  }
0xf9: {  	vm9 =	vge.f32 v11, $2.685918090e+00;
	vm10 =	vge.f32 v11, $3.759635690e+00;
	vm11 =	vge.f32 v11, $3.179133650e+00  }
0xfa: {  	vm13 =	vge.f32 v11, $3.581807850e+00;
	vm14 =	vge.f32 v11, $3.925195690e+00;
	(erf) = vrcp.f32 v12  }
0xfb: {  	v9 =	vtrunc.f32 v9;
	v8 =	vsel vm1, $0x1, v1;
	vm1 =	vge.f32 v11, $4.226360320e+00  }
0xfc: {  	v14 =	vsel vm3, $0x1, v1;
	vm3 =	vge.f32 v11, $2.386848210e+00;
	v9 =	vcvt.f32.s32 v9  }
0xfd: {  	v8 =	vadd.s32 v14, v8;
	v14 =	vsel vm3, $0x1, v1;
	vm3 =	vge.f32 v11, $3.389357570e+00  }
0xfe: {  	[tilespmem:s25+$0x80] =	vst v13;
	v18 =	vsel vm13, $0x1, v1;
	v13 =	vsel vm3, $0x1, v1;
	vm3 =	vge.f32 v11, $4.495726590e+00  }
0xff: {  	v9 =	vsel vm2, v10, v9;
	v10 =	vsel vm8, $0x1, v1;
	v12 =	vsel vm15, $0x1, v1  }
0x100: {  	vm2 =	vgt.s32 v9, $0x0;
	vm12 =	vgt.s32 v9, $0x1869E;
	v8 =	vadd.s32 v12, v8  }
0x101: {  	v15 =	vnsel vm2, $0x0, v9;
	v12 =	vsel vm9, $0x1, v1;
	v8 =	vadd.s32 v14, v8;
	v14 =	vld [tilespmem:s24+$0x0]  }
0x102: {  	vm2 =	vge.f32 v11, $4.364527230e+00;
	v9 =	vsel vm11, $0x1, v1;
	v8 =	vadd.s32 v12, v8  }
0x103: {  	v8 =	vadd.s32 v10, v8;
	v10 =	vmin.u32 v15, $0x1869F;
	v15 =	vsel vm10, $0x1, v1;
	v17 =	vpop (erf)  }
0x104: {  	v12 =	vadd.s32 $0x1, v10;
	v8 =	vadd.s32 v9, v8;
	v17 =	vmul.f32 $-5.000000000e-01, v17  }
0x105: {  	v12 =	vsel vm12, $0x0, v12;
	v8 =	vadd.s32 v13, v8;
	v13 =	vadd.s32 v3, v7  }
0x106: {  	vm15 =	veq.s32 v10, v14;
	v14 =	vsel vm14, $0x1, v1;
	v9 =	vadd.f32 v17, v16  }
0x107: {  	v8 =	vadd.s32 v18, v8;
	v10 =	vsel vm15, v12, v10;
	v12 =	vshrl.u32 v13, $0x10  }
0x108: {  	v8 =	vadd.s32 v15, v8;
	v12 =	vxor.u32 v13, v12;
	v9 =	vmul.f32 $2.500000000e-01, v9  }
0x109: {  	v13 =	vsel vm0, $0x1, v1;
	v8 =	vadd.s32 v14, v8;
	v12 =	vmul.u32 $0x85EBCA6B, v12  }
0x10a: {  	v8 =	vadd.s32 v13, v8;
	v13 =	vsel vm1, $0x1, v1;
	v9 =	vmul.f32 v9, v9  }
0x10b: {  	vm0 =	vge.f32 v11, $4.620726590e+00;
	v8 =	vadd.s32 v13, v8;
	v13 =	vshrl.u32 v12, $0xD  }
0x10c: {  	v14 =	vsel vm2, $0x1, v1;
	v12 =	vxor.u32 v12, v13;
	v9 =	vmul.f32 v9, v9  }
0x10d: {  	v8 =	vadd.s32 v14, v8;
	v13 =	vsel vm3, $0x1, v1;
	v12 =	vmul.u32 $0xC2B2AE35, v12  }
0x10e: {  	v8 =	vadd.s32 v13, v8;
	v13 =	vsel vm0, $0x1, v1;
	v9 =	vtrunc.f32 v9  }
0x10f: {  	v14 =	vshrl.u32 v12, $0x10;
	v12 =	vand.u32 $0xFFFFFF, v12;
	v9 =	vcvt.f32.s32 v9  }
0x110: {  	[tilespmem:s24+$0x80] =	vst v10;
	vm0 =	vlt.f32 v11, $4.620726590e+00;
	v8 =	vadd.s32 v13, v8;
	v10 =	vxor.u32 v14, v12  }
0x111: {  	v10 =	vcvt.s32.f32 v10;
	v8 =	vsel vm0, v8, v9;
	v9 =	vld [tilespmem:s23+$0x0]  }
0x112: {  	vm0 =	vgt.s32 v8, $0x0  }
0x113: {  	v10 =	vmul.f32 $5.960464480e-08, v10;
	v11 =	vnsel vm0, $0x0, v8  }
0x114: {  	v11 =	vmin.u32 v11, $0x1869F  }
0x115: {  	v10 =	vmul.f32 $6.768997960e+01, v10;
	vm0 =	vgt.s32 v8, $0x1869E;
	v8 =	vadd.s32 $0x1, v11  }
0x116: {  	v8 =	vsel vm0, $0x0, v8;
	vm0 =	veq.s32 v11, v9  }
0x117: {  	v9 =	vadd.f32 $3.441285370e+00, v10;
	v8 =	vsel vm0, v8, v11  }
0x118: {  	[tilespmem:s23+$0x80] =	vst v8  }
0x119: {  	v8 =	vmul.f32 $2.500000000e-01, v9;
	[tilespmem:s15], [sflag:$0x1] =	stream.indirect.gather [hbm4b:s1+s14], $0x80, s14, s14, $0xb8;
	[tilespmem:$0x8100] =	vst v63  }
0x11a: {  	_ =	swait.ge [sflag:s17], $0x4000  }
0x11b: {  	vm1 =	vge.f32 v10, $4.080296520e+00;
	vm2 =	vge.f32 v10, $1.594603540e+00;
	v11 =	vmul.f32 v8, v8;
	[sflag:s17] =	ssyncset.done $0x0  }
0x11c: {  	s30 =	sadd.s32 s21, s8;
	s31 =	simm.s32 $0x0;
	vm3 =	vge.f32 v10, $2.386848210e+00;
	vm8 =	vge.f32 v10, $2.685918090e+00;
	[sflag:s17] =	ssyncadd.s32 $0xFFFFC000  }
0x11d: {  	v14 =	vadd.s32 v3, v6;
	vm9 =	vge.f32 v10, $3.759635690e+00;
	v8 =	vmul.f32 v11, v8;
	[hbm4b:s30+s31] =	stream.linear.scatter [tilespmem:s15], [sflag:$0x2], $0x4000, $0x38;
	[tilespmem:$0x8100] =	vst v63  }
0x11e: {  	vm10 =	vge.f32 v10, $3.179133650e+00;
	v12 =	vsel vm2, $0x1, v1;
	vm0 =	vge.f32 v10, $1.000000000e+00;
	_ =	swait.ge [sflag:s13], $0x4000  }
0x11f: {  	vm2 =	vge.f32 v10, $2.033294920e+00;
	v11 =	vsel vm0, $0x1, v1;
	(erf) = vrcp.f32 v8  }
0x120: {  	vm11 =	vge.f32 v10, $3.581807850e+00;
	v8 =	vadd.s32 v12, v11;
	v11 =	vsel vm2, $0x1, v1  }
0x121: {  	vm12 =	vge.f32 v10, $3.925195690e+00;
	v13 =	vsel vm3, $0x1, v1;
	v8 =	vadd.s32 v11, v8  }
0x122: {  	v12 =	vsel vm8, $0x1, v1;
	v8 =	vadd.s32 v13, v8;
	v13 =	vshrl.u32 v14, $0x10  }
0x123: {  	vm3 =	vge.f32 v10, $3.389357570e+00;
	v8 =	vadd.s32 v12, v8;
	v12 =	vxor.u32 v14, v13  }
0x124: {  	v15 =	vsel vm3, $0x1, v1;
	vm2 =	vge.f32 v10, $2.946765420e+00;
	v12 =	vmul.u32 $0x85EBCA6B, v12  }
0x125: {  	vm3 =	vge.f32 v10, $4.495726590e+00;
	vm0 =	vge.f32 v10, $4.226360320e+00;
	v11 =	vsel vm2, $0x1, v1  }
0x126: {  	v8 =	vadd.s32 v11, v8;
	v11 =	vsel vm10, $0x1, v1;
	v16 =	vshrl.u32 v12, $0xD  }
0x127: {  	vm2 =	vge.f32 v10, $4.364527230e+00;
	v8 =	vadd.s32 v11, v8;
	v12 =	vxor.u32 v12, v16  }
0x128: {  	v14 =	vsel vm11, $0x1, v1;
	v8 =	vadd.s32 v15, v8;
	v11 =	vmul.u32 $0xC2B2AE35, v12;
	v17 =	vpop (erf)  }
0x129: {  	v13 =	vsel vm9, $0x1, v1;
	v8 =	vadd.s32 v14, v8;
	v16 =	vmul.f32 $-5.000000000e-01, v17  }
0x12a: {  	v8 =	vadd.s32 v13, v8;
	v14 =	vshrl.u32 v11, $0x10;
	v11 =	vand.u32 $0xFFFFFF, v11  }
0x12b: {  	v17 =	vsel vm12, $0x1, v1;
	v11 =	vxor.u32 v14, v11;
	v9 =	vadd.f32 v16, v9  }
0x12c: {  	v12 =	vsel vm1, $0x1, v1;
	v8 =	vadd.s32 v17, v8;
	v11 =	vcvt.s32.f32 v11  }
0x12d: {  	v8 =	vadd.s32 v12, v8;
	v12 =	vsel vm0, $0x1, v1;
	v9 =	vmul.f32 $2.500000000e-01, v9  }
0x12e: {  	v8 =	vadd.s32 v12, v8;
	v12 =	vsel vm2, $0x1, v1;
	v11 =	vmul.f32 $5.960464480e-08, v11  }
0x12f: {  	v8 =	vadd.s32 v12, v8;
	v12 =	vsel vm3, $0x1, v1;
	v9 =	vmul.f32 v9, v9  }
0x130: {  	vm1 =	vge.f32 v10, $4.620726590e+00;
	v12 =	vadd.s32 v12, v8;
	v8 =	vmul.f32 $6.768997960e+01, v11  }
0x131: {  	v11 =	vsel vm1, $0x1, v1;
	v9 =	vmul.f32 v9, v9  }
0x132: {  	vm2 =	vlt.f32 v10, $4.620726590e+00;
	v11 =	vadd.s32 v11, v12;
	vm0 =	vge.f32 v8, $1.000000000e+00  }
0x133: {  	vm1 =	vge.f32 v8, $4.080296520e+00;
	v13 =	vtrunc.f32 v9;
	v9 =	vadd.f32 $3.441285370e+00, v8  }
0x134: {  	vm3 =	vge.f32 v8, $1.594603540e+00;
	vm13 =	vge.f32 v8, $2.033294920e+00;
	vm14 =	vge.f32 v8, $2.946765420e+00  }
0x135: {  	v10 =	vsel vm0, $0x1, v1;
	v12 =	vsel vm3, $0x1, v1;
	v14 =	vmul.f32 $2.500000000e-01, v9  }
0x136: {  	vm15 =	vge.f32 v8, $2.685918090e+00;
	vm0 =	vge.f32 v8, $4.226360320e+00;
	v10 =	vadd.s32 v12, v10  }
0x137: {  	v12 =	vsel vm13, $0x1, v1;
	v16 =	vcvt.f32.s32 v13;
	v15 =	vmul.f32 v14, v14  }
0x138: {  	s26 =	sadd.s32 $0x10, s22;
	vm3 =	vge.f32 v8, $2.386848210e+00;
	v12 =	vadd.s32 v12, v10;
	v10 =	vsel vm14, $0x1, v1  }
0x139: {  	v11 =	vsel vm2, v11, v16;
	v16 =	vmov s26;
	v14 =	vmul.f32 v15, v14  }
0x13a: {  	s29 =	simm.s32 $0xC0;
	s25 =	simm.s32 $0x0;
	[sflag:s13] =	ssyncset.done $0x0;
	v13 =	vsel vm15, $0x1, v1;
	vm2 =	vgt.s32 v11, $0x0;
	v16 =	vmul.u32 $0x1715609D, v16  }
0x13b: {  	s24 =	simm.s32 $0x10;
	s23 =	simm.s32 $0x20;
	[sflag:s13] =	ssyncadd.s32 $0xFFFFC000;
	v15 =	vsel vm3, $0x1, v1;
	(erf) = vrcp.f32 v14;
	v14 =	vnsel vm2, $0x0, v11  }
.LBB2_7:
0x13c: {  	s28 =	smov.u32 s29  }
0x13d: {  	s30 =	sshra.s32 s29, $0x2;
	vm3 =	vge.f32 v8, $3.389357570e+00;
	vm4 =	vge.f32 v8, $3.759635690e+00;
	vm2 =	vge.f32 v8, $4.364527230e+00;
	s28 =	sadd.s32 $0x40, s29  }
0x13e: {  	p0 =	sne.s32 s29, $0x1C0;
	v12 =	vadd.s32 v15, v12;
	v16 =	vbroadcast v16, $0x0;
	v15 =	vsel vm3, $0x1, v1;
	v17 =	vld [tilespmem:s25+$0x0]  }
0x13f: {  	vm5 =	vge.f32 v8, $3.179133650e+00;
	v12 =	vadd.s32 v13, v12;
	vm3 =	vge.f32 v8, $4.495726590e+00  }
0x140: {  	vm6 =	vgt.s32 v11, $0x1869E;
	v10 =	vadd.s32 v10, v12;
	v13 =	vadd.s32 v3, v16  }
0x141: {  	v14 =	vmin.u32 v14, $0x1869F;
	v12 =	vsel vm5, $0x1, v1;
	v11 =	vshrl.u32 v13, $0x10  }
0x142: {  	vm5 =	vge.f32 v8, $3.581807850e+00;
	v11 =	vxor.u32 v13, v11;
	v13 =	vadd.s32 $0x1, v14  }
0x143: {  	v16 =	vsel vm4, $0x1, v1;
	v11 =	vmul.u32 $0x85EBCA6B, v11;
	v13 =	vsel vm6, $0x0, v13  }
0x144: {  	v18 =	vsel vm5, $0x1, v1;
	vm4 =	vge.f32 v8, $3.925195690e+00;
	vm5 =	veq.s32 v14, v17  }
0x145: {  	v19 =	vsel vm4, $0x1, v1;
	v17 =	vshrl.u32 v11, $0xD;
	v13 =	vsel vm5, v13, v14;
	v20 =	vpop (erf)  }
0x146: {  	v10 =	vadd.s32 v12, v10;
	v11 =	vxor.u32 v11, v17;
	v14 =	vmul.f32 $-5.000000000e-01, v20;
	[tilespmem:s25+$0x80] =	vst v13;
	s25 =	smov.u32 s24;
	s24 =	smov.u32 s23;
	s23 =	smov.u32 s30  }
0x147: {  	v12 =	vsel vm1, $0x1, v1;
	v10 =	vadd.s32 v15, v10;
	v11 =	vmul.u32 $0xC2B2AE35, v11  }
0x148: {  	vm1 =	vge.f32 v8, $4.620726590e+00;
	v10 =	vadd.s32 v18, v10;
	v9 =	vadd.f32 v14, v9  }
0x149: {  	v10 =	vadd.s32 v16, v10;
	v13 =	vshrl.u32 v11, $0x10;
	v11 =	vand.u32 $0xFFFFFF, v11  }
0x14a: {  	v10 =	vadd.s32 v19, v10;
	v11 =	vxor.u32 v13, v11;
	v9 =	vmul.f32 $2.500000000e-01, v9  }
0x14b: {  	v10 =	vadd.s32 v12, v10;
	v12 =	vsel vm0, $0x1, v1;
	v11 =	vcvt.s32.f32 v11  }
0x14c: {  	v10 =	vadd.s32 v12, v10;
	v12 =	vsel vm2, $0x1, v1;
	v9 =	vmul.f32 v9, v9  }
0x14d: {  	v10 =	vadd.s32 v12, v10;
	v12 =	vsel vm3, $0x1, v1;
	v11 =	vmul.f32 $5.960464480e-08, v11  }
0x14e: {  	v10 =	vadd.s32 v12, v10;
	v9 =	vmul.f32 v9, v9  }
0x14f: {  	v12 =	vsel vm1, $0x1, v1;
	v11 =	vmul.f32 $6.768997960e+01, v11  }
0x150: {  	vm2 =	vlt.f32 v8, $4.620726590e+00;
	v14 =	vadd.s32 v12, v10;
	v13 =	vtrunc.f32 v9  }
0x151: {  	v9 =	vadd.f32 $3.441285370e+00, v11;
	vm0 =	vge.f32 v11, $1.000000000e+00;
	vm1 =	vge.f32 v11, $4.080296520e+00;
	v8 =	vmovc v11  }
0x152: {  	v10 =	vsel vm0, $0x1, v1;
	vm3 =	vge.f32 v8, $1.594603540e+00;
	vm0 =	vge.f32 v8, $4.226360320e+00  }
0x153: {  	v11 =	vmul.f32 $2.500000000e-01, v9;
	v12 =	vsel vm3, $0x1, v1;
	vm3 =	vge.f32 v8, $2.386848210e+00  }
0x154: {  	vm4 =	vge.f32 v8, $2.033294920e+00;
	vm5 =	vge.f32 v8, $2.946765420e+00;
	v10 =	vadd.s32 v12, v10  }
.Ltmp2:
0x155: {  	v16 =	vcvt.f32.s32 v13;
	v12 =	vsel vm4, $0x1, v1;
	v15 =	vmul.f32 v11, v11;
	(pc) =	sbr.rel @p0 .LBB2_7-.Ltmp2, $4  }
0x156: {  	vm4 =	vge.f32 v8, $2.685918090e+00;
	v12 =	vadd.s32 v12, v10;
	v10 =	vsel vm5, $0x1, v1  }
0x157: {  	s26 =	sadd.s32 $0x10, s26;
	v13 =	vsel vm4, $0x1, v1;
	v17 =	vmul.f32 v15, v11;
	v11 =	vsel vm2, v14, v16  }
0x158: {  	v14 =	vmov s26;
	v15 =	vsel vm3, $0x1, v1;
	vm2 =	vgt.s32 v11, $0x0  }
0x159: {  	s29 =	smov.u32 s28;
	v16 =	vmul.u32 $0x1715609D, v14;
	v14 =	vnsel vm2, $0x0, v11;
	(erf) = vrcp.f32 v17  }
0x15a: {  	_ = 	snop  }
0x15b: {  	v16 =	vbroadcast v16, $0x0;
	_ =	sdelay $0x1  }
0x15c: {  	v16 =	vadd.s32 v3, v16  }
0x15d: {  	v17 =	vshrl.u32 v16, $0x10  }
0x15e: {  	v16 =	vxor.u32 v16, v17  }
0x15f: {  	vm3 =	vge.f32 v8, $3.389357570e+00;
	v16 =	vmul.u32 $0x85EBCA6B, v16  }
0x160: {  	vm4 =	vge.f32 v8, $3.759635690e+00;
	vm2 =	vge.f32 v8, $4.364527230e+00;
	v12 =	vadd.s32 v15, v12  }
0x161: {  	vm5 =	vge.f32 v8, $3.179133650e+00;
	v12 =	vadd.s32 v13, v12;
	v13 =	vshrl.u32 v16, $0xD  }
0x162: {  	vm6 =	vgt.s32 v11, $0x1869E;
	vm13 =	vge.f32 v8, $3.581807850e+00;
	v13 =	vxor.u32 v16, v13  }
0x163: {  	vm14 =	vge.f32 v8, $3.925195690e+00;
	v15 =	vsel vm3, $0x1, v1;
	v11 =	vmul.u32 $0xC2B2AE35, v13  }
0x164: {  	vm3 =	vge.f32 v8, $4.495726590e+00;
	v10 =	vadd.s32 v10, v12;
	v12 =	vsel vm5, $0x1, v1  }
0x165: {  	v10 =	vadd.s32 v12, v10;
	v17 =	vshrl.u32 v11, $0x10;
	v11 =	vand.u32 $0xFFFFFF, v11  }
0x166: {  	v12 =	vsel vm13, $0x1, v1;
	v10 =	vadd.s32 v15, v10;
	v15 =	vld [tilespmem:s25+$0x0];
	v11 =	vxor.u32 v17, v11  }
0x167: {  	v18 =	vsel vm4, $0x1, v1;
	v10 =	vadd.s32 v12, v10;
	v16 =	vpop (erf);
	v11 =	vcvt.s32.f32 v11  }
0x168: {  	v12 =	vsel vm14, $0x1, v1;
	v10 =	vadd.s32 v18, v10;
	v16 =	vmul.f32 $-5.000000000e-01, v16  }
0x169: {  	v10 =	vadd.s32 v12, v10;
	v13 =	vmin.u32 v14, $0x1869F;
	v11 =	vmul.f32 $5.960464480e-08, v11  }
0x16a: {  	v12 =	vsel vm0, $0x1, v1;
	v14 =	vadd.s32 $0x1, v13;
	v9 =	vadd.f32 v16, v9  }
0x16b: {  	vm0 =	veq.s32 v13, v15;
	v16 =	vsel vm1, $0x1, v1;
	v11 =	vmul.f32 $6.768997960e+01, v11  }
0x16c: {  	v14 =	vsel vm6, $0x0, v14;
	v10 =	vadd.s32 v16, v10;
	v9 =	vmul.f32 $2.500000000e-01, v9  }
0x16d: {  	v10 =	vadd.s32 v12, v10;
	v12 =	vsel vm2, $0x1, v1;
	v16 =	vadd.f32 $3.441285370e+00, v11  }
0x16e: {  	vm1 =	vge.f32 v8, $4.620726590e+00;
	v13 =	vsel vm0, v14, v13;
	v10 =	vadd.s32 v12, v10  }
0x16f: {  	v12 =	vsel vm3, $0x1, v1;
	v9 =	vmul.f32 v9, v9;
	v15 =	vmul.f32 $2.500000000e-01, v16  }
0x170: {  	vm2 =	vlt.f32 v8, $4.620726590e+00;
	v10 =	vadd.s32 v12, v10;
	v12 =	vsel vm1, $0x1, v1  }
0x171: {  	v10 =	vadd.s32 v12, v10;
	v9 =	vmul.f32 v9, v9;
	v12 =	vmul.f32 v15, v15  }
0x172: {  	vm1 =	vge.f32 v11, $1.000000000e+00;
	vm0 =	vge.f32 v11, $4.080296520e+00;
	vm3 =	vge.f32 v11, $1.594603540e+00  }
0x173: {  	vm15 =	vge.f32 v11, $2.033294920e+00;
	vm8 =	vge.f32 v11, $2.946765420e+00;
	v12 =	vmul.f32 v12, v15  }
0x174: {  	vm9 =	vge.f32 v11, $2.685918090e+00;
	vm10 =	vge.f32 v11, $3.759635690e+00;
	vm11 =	vge.f32 v11, $3.179133650e+00  }
0x175: {  	vm13 =	vge.f32 v11, $3.581807850e+00;
	vm14 =	vge.f32 v11, $3.925195690e+00;
	(erf) = vrcp.f32 v12  }
0x176: {  	v9 =	vtrunc.f32 v9;
	v8 =	vsel vm1, $0x1, v1;
	vm1 =	vge.f32 v11, $4.226360320e+00  }
0x177: {  	v14 =	vsel vm3, $0x1, v1;
	vm3 =	vge.f32 v11, $2.386848210e+00;
	v9 =	vcvt.f32.s32 v9  }
0x178: {  	v8 =	vadd.s32 v14, v8;
	v14 =	vsel vm3, $0x1, v1;
	vm3 =	vge.f32 v11, $3.389357570e+00  }
0x179: {  	[tilespmem:s25+$0x80] =	vst v13;
	v18 =	vsel vm13, $0x1, v1;
	v13 =	vsel vm3, $0x1, v1;
	vm3 =	vge.f32 v11, $4.495726590e+00  }
0x17a: {  	v9 =	vsel vm2, v10, v9;
	v10 =	vsel vm8, $0x1, v1;
	v12 =	vsel vm15, $0x1, v1  }
0x17b: {  	vm2 =	vgt.s32 v9, $0x0;
	vm12 =	vgt.s32 v9, $0x1869E;
	v8 =	vadd.s32 v12, v8  }
0x17c: {  	v15 =	vnsel vm2, $0x0, v9;
	v12 =	vsel vm9, $0x1, v1;
	v8 =	vadd.s32 v14, v8;
	v14 =	vld [tilespmem:s24+$0x0]  }
0x17d: {  	vm2 =	vge.f32 v11, $4.364527230e+00;
	v9 =	vsel vm11, $0x1, v1;
	v8 =	vadd.s32 v12, v8  }
0x17e: {  	v8 =	vadd.s32 v10, v8;
	v10 =	vmin.u32 v15, $0x1869F;
	v15 =	vsel vm10, $0x1, v1;
	v17 =	vpop (erf)  }
0x17f: {  	v12 =	vadd.s32 $0x1, v10;
	v8 =	vadd.s32 v9, v8;
	v17 =	vmul.f32 $-5.000000000e-01, v17  }
0x180: {  	v12 =	vsel vm12, $0x0, v12;
	v8 =	vadd.s32 v13, v8;
	v13 =	vadd.s32 v4, v7  }
0x181: {  	vm15 =	veq.s32 v10, v14;
	v14 =	vsel vm14, $0x1, v1;
	v9 =	vadd.f32 v17, v16  }
0x182: {  	v8 =	vadd.s32 v18, v8;
	v10 =	vsel vm15, v12, v10;
	v12 =	vshrl.u32 v13, $0x10  }
0x183: {  	v8 =	vadd.s32 v15, v8;
	v12 =	vxor.u32 v13, v12;
	v9 =	vmul.f32 $2.500000000e-01, v9  }
0x184: {  	v13 =	vsel vm0, $0x1, v1;
	v8 =	vadd.s32 v14, v8;
	v12 =	vmul.u32 $0x85EBCA6B, v12  }
0x185: {  	v8 =	vadd.s32 v13, v8;
	v13 =	vsel vm1, $0x1, v1;
	v9 =	vmul.f32 v9, v9  }
0x186: {  	vm0 =	vge.f32 v11, $4.620726590e+00;
	v8 =	vadd.s32 v13, v8;
	v13 =	vshrl.u32 v12, $0xD  }
0x187: {  	v14 =	vsel vm2, $0x1, v1;
	v12 =	vxor.u32 v12, v13;
	v9 =	vmul.f32 v9, v9  }
0x188: {  	v8 =	vadd.s32 v14, v8;
	v13 =	vsel vm3, $0x1, v1;
	v12 =	vmul.u32 $0xC2B2AE35, v12  }
0x189: {  	v8 =	vadd.s32 v13, v8;
	v13 =	vsel vm0, $0x1, v1;
	v9 =	vtrunc.f32 v9  }
0x18a: {  	v14 =	vshrl.u32 v12, $0x10;
	v12 =	vand.u32 $0xFFFFFF, v12;
	v9 =	vcvt.f32.s32 v9  }
0x18b: {  	[tilespmem:s24+$0x80] =	vst v10;
	vm0 =	vlt.f32 v11, $4.620726590e+00;
	v8 =	vadd.s32 v13, v8;
	v10 =	vxor.u32 v14, v12  }
0x18c: {  	v10 =	vcvt.s32.f32 v10;
	v8 =	vsel vm0, v8, v9;
	v9 =	vld [tilespmem:s23+$0x0]  }
0x18d: {  	vm0 =	vgt.s32 v8, $0x0  }
0x18e: {  	v10 =	vmul.f32 $5.960464480e-08, v10;
	v11 =	vnsel vm0, $0x0, v8  }
0x18f: {  	v11 =	vmin.u32 v11, $0x1869F  }
0x190: {  	v10 =	vmul.f32 $6.768997960e+01, v10;
	vm0 =	vgt.s32 v8, $0x1869E;
	v8 =	vadd.s32 $0x1, v11  }
0x191: {  	v8 =	vsel vm0, $0x0, v8;
	vm0 =	veq.s32 v11, v9  }
0x192: {  	v9 =	vadd.f32 $3.441285370e+00, v10;
	v8 =	vsel vm0, v8, v11  }
0x193: {  	[tilespmem:s23+$0x80] =	vst v8  }
0x194: {  	v8 =	vmul.f32 $2.500000000e-01, v9;
	[tilespmem:s15], [sflag:$0x1] =	stream.indirect.gather [hbm4b:s1+s14], $0x80, s14, s14, $0xb8;
	[tilespmem:$0x8100] =	vst v63  }
0x195: {  	_ =	swait.ge [sflag:s17], $0x4000  }
0x196: {  	vm1 =	vge.f32 v10, $4.080296520e+00;
	vm2 =	vge.f32 v10, $1.594603540e+00;
	v11 =	vmul.f32 v8, v8;
	[sflag:s17] =	ssyncset.done $0x0  }
0x197: {  	s30 =	sadd.s32 s21, s9;
	s31 =	simm.s32 $0x0;
	vm3 =	vge.f32 v10, $2.386848210e+00;
	vm8 =	vge.f32 v10, $2.685918090e+00;
	[sflag:s17] =	ssyncadd.s32 $0xFFFFC000  }
0x198: {  	v14 =	vadd.s32 v4, v6;
	vm9 =	vge.f32 v10, $3.759635690e+00;
	v8 =	vmul.f32 v11, v8;
	[hbm4b:s30+s31] =	stream.linear.scatter [tilespmem:s15], [sflag:$0x2], $0x4000, $0x38;
	[tilespmem:$0x8100] =	vst v63  }
0x199: {  	vm10 =	vge.f32 v10, $3.179133650e+00;
	v12 =	vsel vm2, $0x1, v1;
	vm0 =	vge.f32 v10, $1.000000000e+00;
	_ =	swait.ge [sflag:s13], $0x4000  }
0x19a: {  	vm2 =	vge.f32 v10, $2.033294920e+00;
	v11 =	vsel vm0, $0x1, v1;
	(erf) = vrcp.f32 v8  }
0x19b: {  	vm11 =	vge.f32 v10, $3.581807850e+00;
	v8 =	vadd.s32 v12, v11;
	v11 =	vsel vm2, $0x1, v1  }
0x19c: {  	vm12 =	vge.f32 v10, $3.925195690e+00;
	v13 =	vsel vm3, $0x1, v1;
	v8 =	vadd.s32 v11, v8  }
0x19d: {  	v12 =	vsel vm8, $0x1, v1;
	v8 =	vadd.s32 v13, v8;
	v13 =	vshrl.u32 v14, $0x10  }
0x19e: {  	vm3 =	vge.f32 v10, $3.389357570e+00;
	v8 =	vadd.s32 v12, v8;
	v12 =	vxor.u32 v14, v13  }
0x19f: {  	v15 =	vsel vm3, $0x1, v1;
	vm2 =	vge.f32 v10, $2.946765420e+00;
	v12 =	vmul.u32 $0x85EBCA6B, v12  }
0x1a0: {  	vm3 =	vge.f32 v10, $4.495726590e+00;
	vm0 =	vge.f32 v10, $4.226360320e+00;
	v11 =	vsel vm2, $0x1, v1  }
0x1a1: {  	v8 =	vadd.s32 v11, v8;
	v11 =	vsel vm10, $0x1, v1;
	v16 =	vshrl.u32 v12, $0xD  }
0x1a2: {  	vm2 =	vge.f32 v10, $4.364527230e+00;
	v8 =	vadd.s32 v11, v8;
	v12 =	vxor.u32 v12, v16  }
0x1a3: {  	v14 =	vsel vm11, $0x1, v1;
	v8 =	vadd.s32 v15, v8;
	v11 =	vmul.u32 $0xC2B2AE35, v12;
	v17 =	vpop (erf)  }
0x1a4: {  	v13 =	vsel vm9, $0x1, v1;
	v8 =	vadd.s32 v14, v8;
	v16 =	vmul.f32 $-5.000000000e-01, v17  }
0x1a5: {  	v8 =	vadd.s32 v13, v8;
	v14 =	vshrl.u32 v11, $0x10;
	v11 =	vand.u32 $0xFFFFFF, v11  }
0x1a6: {  	v17 =	vsel vm12, $0x1, v1;
	v11 =	vxor.u32 v14, v11;
	v9 =	vadd.f32 v16, v9  }
0x1a7: {  	v12 =	vsel vm1, $0x1, v1;
	v8 =	vadd.s32 v17, v8;
	v11 =	vcvt.s32.f32 v11  }
0x1a8: {  	v8 =	vadd.s32 v12, v8;
	v12 =	vsel vm0, $0x1, v1;
	v9 =	vmul.f32 $2.500000000e-01, v9  }
0x1a9: {  	v8 =	vadd.s32 v12, v8;
	v12 =	vsel vm2, $0x1, v1;
	v11 =	vmul.f32 $5.960464480e-08, v11  }
0x1aa: {  	v8 =	vadd.s32 v12, v8;
	v12 =	vsel vm3, $0x1, v1;
	v9 =	vmul.f32 v9, v9  }
0x1ab: {  	vm1 =	vge.f32 v10, $4.620726590e+00;
	v12 =	vadd.s32 v12, v8;
	v8 =	vmul.f32 $6.768997960e+01, v11  }
0x1ac: {  	v11 =	vsel vm1, $0x1, v1;
	v9 =	vmul.f32 v9, v9  }
0x1ad: {  	vm2 =	vlt.f32 v10, $4.620726590e+00;
	v11 =	vadd.s32 v11, v12;
	vm0 =	vge.f32 v8, $1.000000000e+00  }
0x1ae: {  	vm1 =	vge.f32 v8, $4.080296520e+00;
	v13 =	vtrunc.f32 v9;
	v9 =	vadd.f32 $3.441285370e+00, v8  }
0x1af: {  	vm3 =	vge.f32 v8, $1.594603540e+00;
	vm13 =	vge.f32 v8, $2.033294920e+00;
	vm14 =	vge.f32 v8, $2.946765420e+00  }
0x1b0: {  	v10 =	vsel vm0, $0x1, v1;
	v12 =	vsel vm3, $0x1, v1;
	v14 =	vmul.f32 $2.500000000e-01, v9  }
0x1b1: {  	vm15 =	vge.f32 v8, $2.685918090e+00;
	vm0 =	vge.f32 v8, $4.226360320e+00;
	v10 =	vadd.s32 v12, v10  }
0x1b2: {  	v12 =	vsel vm13, $0x1, v1;
	v16 =	vcvt.f32.s32 v13;
	v15 =	vmul.f32 v14, v14  }
0x1b3: {  	s26 =	sadd.s32 $0x10, s22;
	vm3 =	vge.f32 v8, $2.386848210e+00;
	v12 =	vadd.s32 v12, v10;
	v10 =	vsel vm14, $0x1, v1  }
0x1b4: {  	v11 =	vsel vm2, v11, v16;
	v16 =	vmov s26;
	v14 =	vmul.f32 v15, v14  }
0x1b5: {  	s29 =	simm.s32 $0xC0;
	s25 =	simm.s32 $0x0;
	[sflag:s13] =	ssyncset.done $0x0;
	v13 =	vsel vm15, $0x1, v1;
	vm2 =	vgt.s32 v11, $0x0;
	v16 =	vmul.u32 $0x1715609D, v16  }
0x1b6: {  	s24 =	simm.s32 $0x10;
	s23 =	simm.s32 $0x20;
	[sflag:s13] =	ssyncadd.s32 $0xFFFFC000;
	v15 =	vsel vm3, $0x1, v1;
	(erf) = vrcp.f32 v14;
	v14 =	vnsel vm2, $0x0, v11  }
.LBB2_9:
0x1b7: {  	s28 =	smov.u32 s29  }
0x1b8: {  	s30 =	sshra.s32 s29, $0x2;
	vm3 =	vge.f32 v8, $3.389357570e+00;
	vm4 =	vge.f32 v8, $3.759635690e+00;
	vm2 =	vge.f32 v8, $4.364527230e+00;
	s28 =	sadd.s32 $0x40, s29  }
0x1b9: {  	p0 =	sne.s32 s29, $0x1C0;
	v12 =	vadd.s32 v15, v12;
	v16 =	vbroadcast v16, $0x0;
	v15 =	vsel vm3, $0x1, v1;
	v17 =	vld [tilespmem:s25+$0x0]  }
0x1ba: {  	vm5 =	vge.f32 v8, $3.179133650e+00;
	v12 =	vadd.s32 v13, v12;
	vm3 =	vge.f32 v8, $4.495726590e+00  }
0x1bb: {  	vm6 =	vgt.s32 v11, $0x1869E;
	v10 =	vadd.s32 v10, v12;
	v13 =	vadd.s32 v4, v16  }
0x1bc: {  	v14 =	vmin.u32 v14, $0x1869F;
	v12 =	vsel vm5, $0x1, v1;
	v11 =	vshrl.u32 v13, $0x10  }
0x1bd: {  	vm5 =	vge.f32 v8, $3.581807850e+00;
	v11 =	vxor.u32 v13, v11;
	v13 =	vadd.s32 $0x1, v14  }
0x1be: {  	v16 =	vsel vm4, $0x1, v1;
	v11 =	vmul.u32 $0x85EBCA6B, v11;
	v13 =	vsel vm6, $0x0, v13  }
0x1bf: {  	v18 =	vsel vm5, $0x1, v1;
	vm4 =	vge.f32 v8, $3.925195690e+00;
	vm5 =	veq.s32 v14, v17  }
0x1c0: {  	v19 =	vsel vm4, $0x1, v1;
	v17 =	vshrl.u32 v11, $0xD;
	v13 =	vsel vm5, v13, v14;
	v20 =	vpop (erf)  }
0x1c1: {  	v10 =	vadd.s32 v12, v10;
	v11 =	vxor.u32 v11, v17;
	v14 =	vmul.f32 $-5.000000000e-01, v20;
	[tilespmem:s25+$0x80] =	vst v13;
	s25 =	smov.u32 s24;
	s24 =	smov.u32 s23;
	s23 =	smov.u32 s30  }
0x1c2: {  	v12 =	vsel vm1, $0x1, v1;
	v10 =	vadd.s32 v15, v10;
	v11 =	vmul.u32 $0xC2B2AE35, v11  }
0x1c3: {  	vm1 =	vge.f32 v8, $4.620726590e+00;
	v10 =	vadd.s32 v18, v10;
	v9 =	vadd.f32 v14, v9  }
0x1c4: {  	v10 =	vadd.s32 v16, v10;
	v13 =	vshrl.u32 v11, $0x10;
	v11 =	vand.u32 $0xFFFFFF, v11  }
0x1c5: {  	v10 =	vadd.s32 v19, v10;
	v11 =	vxor.u32 v13, v11;
	v9 =	vmul.f32 $2.500000000e-01, v9  }
0x1c6: {  	v10 =	vadd.s32 v12, v10;
	v12 =	vsel vm0, $0x1, v1;
	v11 =	vcvt.s32.f32 v11  }
0x1c7: {  	v10 =	vadd.s32 v12, v10;
	v12 =	vsel vm2, $0x1, v1;
	v9 =	vmul.f32 v9, v9  }
0x1c8: {  	v10 =	vadd.s32 v12, v10;
	v12 =	vsel vm3, $0x1, v1;
	v11 =	vmul.f32 $5.960464480e-08, v11  }
0x1c9: {  	v10 =	vadd.s32 v12, v10;
	v9 =	vmul.f32 v9, v9  }
0x1ca: {  	v12 =	vsel vm1, $0x1, v1;
	v11 =	vmul.f32 $6.768997960e+01, v11  }
0x1cb: {  	vm2 =	vlt.f32 v8, $4.620726590e+00;
	v14 =	vadd.s32 v12, v10;
	v13 =	vtrunc.f32 v9  }
0x1cc: {  	v9 =	vadd.f32 $3.441285370e+00, v11;
	vm0 =	vge.f32 v11, $1.000000000e+00;
	vm1 =	vge.f32 v11, $4.080296520e+00;
	v8 =	vmovc v11  }
0x1cd: {  	v10 =	vsel vm0, $0x1, v1;
	vm3 =	vge.f32 v8, $1.594603540e+00;
	vm0 =	vge.f32 v8, $4.226360320e+00  }
0x1ce: {  	v11 =	vmul.f32 $2.500000000e-01, v9;
	v12 =	vsel vm3, $0x1, v1;
	vm3 =	vge.f32 v8, $2.386848210e+00  }
0x1cf: {  	vm4 =	vge.f32 v8, $2.033294920e+00;
	vm5 =	vge.f32 v8, $2.946765420e+00;
	v10 =	vadd.s32 v12, v10  }
.Ltmp3:
0x1d0: {  	v16 =	vcvt.f32.s32 v13;
	v12 =	vsel vm4, $0x1, v1;
	v15 =	vmul.f32 v11, v11;
	(pc) =	sbr.rel @p0 .LBB2_9-.Ltmp3, $4  }
0x1d1: {  	vm4 =	vge.f32 v8, $2.685918090e+00;
	v12 =	vadd.s32 v12, v10;
	v10 =	vsel vm5, $0x1, v1  }
0x1d2: {  	s26 =	sadd.s32 $0x10, s26;
	v13 =	vsel vm4, $0x1, v1;
	v17 =	vmul.f32 v15, v11;
	v11 =	vsel vm2, v14, v16  }
0x1d3: {  	v14 =	vmov s26;
	v15 =	vsel vm3, $0x1, v1;
	vm2 =	vgt.s32 v11, $0x0  }
0x1d4: {  	s29 =	smov.u32 s28;
	v16 =	vmul.u32 $0x1715609D, v14;
	v14 =	vnsel vm2, $0x0, v11;
	(erf) = vrcp.f32 v17  }
0x1d5: {  	_ = 	snop  }
0x1d6: {  	v16 =	vbroadcast v16, $0x0;
	_ =	sdelay $0x1  }
0x1d7: {  	v16 =	vadd.s32 v4, v16  }
0x1d8: {  	v17 =	vshrl.u32 v16, $0x10  }
0x1d9: {  	v16 =	vxor.u32 v16, v17  }
0x1da: {  	vm3 =	vge.f32 v8, $3.389357570e+00;
	v16 =	vmul.u32 $0x85EBCA6B, v16  }
0x1db: {  	vm4 =	vge.f32 v8, $3.759635690e+00;
	vm2 =	vge.f32 v8, $4.364527230e+00;
	v12 =	vadd.s32 v15, v12  }
0x1dc: {  	vm5 =	vge.f32 v8, $3.179133650e+00;
	v12 =	vadd.s32 v13, v12;
	v13 =	vshrl.u32 v16, $0xD  }
0x1dd: {  	vm6 =	vgt.s32 v11, $0x1869E;
	vm13 =	vge.f32 v8, $3.581807850e+00;
	v13 =	vxor.u32 v16, v13  }
0x1de: {  	vm14 =	vge.f32 v8, $3.925195690e+00;
	v60 =	vsel vm1, $0x1, v1;
	v11 =	vmul.u32 $0xC2B2AE35, v13  }
0x1df: {  	vm1 =	vge.f32 v8, $4.620726590e+00;
	v7 =	vadd.s32 v5, v7;
	v10 =	vadd.s32 v10, v12  }
0x1e0: {  	v12 =	vsel vm5, $0x1, v1;
	v59 =	vshrl.u32 v11, $0x10;
	v11 =	vand.u32 $0xFFFFFF, v11  }
0x1e1: {  	v15 =	vsel vm3, $0x1, v1;
	v10 =	vadd.s32 v12, v10;
	v11 =	vxor.u32 v59, v11  }
0x1e2: {  	v12 =	vsel vm13, $0x1, v1;
	v10 =	vadd.s32 v15, v10;
	v58 =	vpop (erf);
	v11 =	vcvt.s32.f32 v11  }
0x1e3: {  	v18 =	vsel vm4, $0x1, v1;
	v10 =	vadd.s32 v12, v10;
	v16 =	vmul.f32 $-5.000000000e-01, v58  }
0x1e4: {  	v12 =	vsel vm14, $0x1, v1;
	v10 =	vadd.s32 v18, v10;
	v11 =	vmul.f32 $5.960464480e-08, v11  }
0x1e5: {  	vm3 =	vge.f32 v8, $4.495726590e+00;
	v15 =	vld [tilespmem:s25+$0x0];
	v10 =	vadd.s32 v12, v10;
	v9 =	vadd.f32 v16, v9  }
0x1e6: {  	v12 =	vsel vm0, $0x1, v1;
	v10 =	vadd.s32 v60, v10;
	v11 =	vmul.f32 $6.768997960e+01, v11  }
0x1e7: {  	v10 =	vadd.s32 v12, v10;
	v12 =	vsel vm2, $0x1, v1;
	v9 =	vmul.f32 $2.500000000e-01, v9  }
0x1e8: {  	vm2 =	vlt.f32 v8, $4.620726590e+00;
	v13 =	vmin.u32 v14, $0x1869F;
	v61 =	vadd.f32 $3.441285370e+00, v11  }
0x1e9: {  	v10 =	vadd.s32 v12, v10;
	v12 =	vsel vm3, $0x1, v1;
	v9 =	vmul.f32 v9, v9  }
0x1ea: {  	v14 =	vadd.s32 $0x1, v13;
	vm0 =	veq.s32 v13, v15;
	v15 =	vmul.f32 $2.500000000e-01, v61  }
0x1eb: {  	v10 =	vadd.s32 v12, v10;
	v12 =	vsel vm1, $0x1, v1;
	v9 =	vmul.f32 v9, v9  }
0x1ec: {  	v14 =	vsel vm6, $0x0, v14;
	v10 =	vadd.s32 v12, v10;
	v12 =	vmul.f32 v15, v15  }
0x1ed: {  	v13 =	vsel vm0, v14, v13;
	v9 =	vtrunc.f32 v9;
	vm1 =	vge.f32 v11, $1.000000000e+00  }
0x1ee: {  	vm0 =	vge.f32 v11, $4.080296520e+00;
	vm3 =	vge.f32 v11, $1.594603540e+00;
	v12 =	vmul.f32 v12, v15  }
0x1ef: {  	vm15 =	vge.f32 v11, $2.033294920e+00;
	v9 =	vcvt.f32.s32 v9;
	vm8 =	vge.f32 v11, $2.946765420e+00  }
0x1f0: {  	vm9 =	vge.f32 v11, $2.685918090e+00;
	vm10 =	vge.f32 v11, $3.759635690e+00;
	(erf) = vrcp.f32 v12  }
0x1f1: {  	vm11 =	vge.f32 v11, $3.179133650e+00;
	vm13 =	vge.f32 v11, $3.581807850e+00;
	vm14 =	vge.f32 v11, $3.925195690e+00  }
0x1f2: {  	v8 =	vsel vm1, $0x1, v1;
	vm1 =	vge.f32 v11, $4.226360320e+00;
	v14 =	vsel vm3, $0x1, v1  }
0x1f3: {  	vm3 =	vge.f32 v11, $2.386848210e+00;
	v63 =	vsel vm13, $0x1, v1;
	v8 =	vadd.s32 v14, v8  }
0x1f4: {  	v9 =	vsel vm2, v10, v9;
	v10 =	vsel vm8, $0x1, v1;
	v14 =	vsel vm3, $0x1, v1  }
0x1f5: {  	vm3 =	vge.f32 v11, $3.389357570e+00;
	vm2 =	vgt.s32 v9, $0x0;
	v12 =	vsel vm15, $0x1, v1  }
0x1f6: {  	[tilespmem:s25+$0x80] =	vst v13;
	v13 =	vsel vm3, $0x1, v1;
	vm3 =	vge.f32 v11, $4.495726590e+00;
	v8 =	vadd.s32 v12, v8  }
0x1f7: {  	vm12 =	vgt.s32 v9, $0x1869E;
	v12 =	vsel vm9, $0x1, v1;
	v8 =	vadd.s32 v14, v8;
	v14 =	vld [tilespmem:s24+$0x0]  }
0x1f8: {  	v15 =	vnsel vm2, $0x0, v9;
	vm2 =	vge.f32 v11, $4.364527230e+00;
	v8 =	vadd.s32 v12, v8  }
0x1f9: {  	v9 =	vsel vm11, $0x1, v1;
	v8 =	vadd.s32 v10, v8;
	v10 =	vmin.u32 v15, $0x1869F;
	v62 =	vpop (erf)  }
0x1fa: {  	v12 =	vadd.s32 $0x1, v10;
	v8 =	vadd.s32 v9, v8;
	v17 =	vmul.f32 $-5.000000000e-01, v62  }
0x1fb: {  	v15 =	vsel vm10, $0x1, v1;
	v12 =	vsel vm12, $0x0, v12;
	v8 =	vadd.s32 v13, v8  }
0x1fc: {  	vm15 =	veq.s32 v10, v14;
	v14 =	vsel vm14, $0x1, v1;
	v9 =	vadd.f32 v17, v61  }
0x1fd: {  	v8 =	vadd.s32 v63, v8;
	v10 =	vsel vm15, v12, v10;
	v12 =	vshrl.u32 v7, $0x10  }
0x1fe: {  	v8 =	vadd.s32 v15, v8;
	v7 =	vxor.u32 v7, v12;
	v9 =	vmul.f32 $2.500000000e-01, v9  }
0x1ff: {  	v12 =	vsel vm0, $0x1, v1;
	v8 =	vadd.s32 v14, v8;
	v7 =	vmul.u32 $0x85EBCA6B, v7  }
0x200: {  	v8 =	vadd.s32 v12, v8;
	v12 =	vsel vm1, $0x1, v1;
	v9 =	vmul.f32 v9, v9  }
0x201: {  	v13 =	vsel vm2, $0x1, v1;
	v8 =	vadd.s32 v12, v8;
	v12 =	vshrl.u32 v7, $0xD  }
0x202: {  	vm0 =	vge.f32 v11, $4.620726590e+00;
	v7 =	vxor.u32 v7, v12;
	v9 =	vmul.f32 v9, v9  }
0x203: {  	v8 =	vadd.s32 v13, v8;
	v12 =	vsel vm3, $0x1, v1;
	v7 =	vmul.u32 $0xC2B2AE35, v7  }
0x204: {  	v8 =	vadd.s32 v12, v8;
	v12 =	vsel vm0, $0x1, v1;
	v9 =	vtrunc.f32 v9  }
0x205: {  	v13 =	vshrl.u32 v7, $0x10;
	v7 =	vand.u32 $0xFFFFFF, v7;
	v9 =	vcvt.f32.s32 v9  }
0x206: {  	[tilespmem:s24+$0x80] =	vst v10;
	vm0 =	vlt.f32 v11, $4.620726590e+00;
	v8 =	vadd.s32 v12, v8;
	v7 =	vxor.u32 v13, v7  }
0x207: {  	v7 =	vcvt.s32.f32 v7;
	v8 =	vsel vm0, v8, v9;
	v9 =	vld [tilespmem:s23+$0x0]  }
0x208: {  	vm0 =	vgt.s32 v8, $0x0  }
0x209: {  	v7 =	vmul.f32 $5.960464480e-08, v7;
	v10 =	vnsel vm0, $0x0, v8  }
0x20a: {  	v10 =	vmin.u32 v10, $0x1869F  }
0x20b: {  	v7 =	vmul.f32 $6.768997960e+01, v7;
	vm0 =	vgt.s32 v8, $0x1869E;
	v8 =	vadd.s32 $0x1, v10  }
0x20c: {  	v8 =	vsel vm0, $0x0, v8;
	vm0 =	veq.s32 v10, v9  }
0x20d: {  	v9 =	vadd.f32 $3.441285370e+00, v7;
	v8 =	vsel vm0, v8, v10  }
0x20e: {  	[tilespmem:s23+$0x80] =	vst v8  }
0x20f: {  	v8 =	vmul.f32 $2.500000000e-01, v9;
	[tilespmem:s15], [sflag:$0x1] =	stream.indirect.gather [hbm4b:s1+s14], $0x80, s14, s14, $0xb8;
	[tilespmem:$0x8100] =	vst v63  }
0x210: {  	_ =	swait.ge [sflag:s17], $0x4000  }
0x211: {  	vm1 =	vge.f32 v7, $4.080296520e+00;
	vm2 =	vge.f32 v7, $1.594603540e+00;
	v10 =	vmul.f32 v8, v8;
	[sflag:s17] =	ssyncset.done $0x0  }
0x212: {  	s30 =	sadd.s32 s21, s10;
	s31 =	simm.s32 $0x0;
	vm3 =	vge.f32 v7, $2.386848210e+00;
	vm8 =	vge.f32 v7, $2.685918090e+00;
	[sflag:s17] =	ssyncadd.s32 $0xFFFFC000  }
0x213: {  	v6 =	vadd.s32 v5, v6;
	vm9 =	vge.f32 v7, $3.759635690e+00;
	v8 =	vmul.f32 v10, v8;
	[hbm4b:s30+s31] =	stream.linear.scatter [tilespmem:s15], [sflag:$0x2], $0x4000, $0x38;
	[tilespmem:$0x8100] =	vst v63  }
0x214: {  	vm10 =	vge.f32 v7, $3.179133650e+00;
	v11 =	vsel vm2, $0x1, v1;
	vm0 =	vge.f32 v7, $1.000000000e+00;
	_ =	swait.ge [sflag:s13], $0x4000  }
0x215: {  	vm2 =	vge.f32 v7, $2.033294920e+00;
	v10 =	vsel vm0, $0x1, v1;
	(erf) = vrcp.f32 v8  }
0x216: {  	vm11 =	vge.f32 v7, $3.581807850e+00;
	v8 =	vadd.s32 v11, v10;
	v10 =	vsel vm2, $0x1, v1  }
0x217: {  	vm12 =	vge.f32 v7, $3.925195690e+00;
	v12 =	vsel vm3, $0x1, v1;
	v8 =	vadd.s32 v10, v8  }
0x218: {  	vm3 =	vge.f32 v7, $3.389357570e+00;
	v8 =	vadd.s32 v12, v8;
	v12 =	vshrl.u32 v6, $0x10  }
0x219: {  	vm2 =	vge.f32 v7, $2.946765420e+00;
	v11 =	vsel vm8, $0x1, v1;
	v6 =	vxor.u32 v6, v12  }
0x21a: {  	v10 =	vsel vm2, $0x1, v1;
	v8 =	vadd.s32 v11, v8;
	v6 =	vmul.u32 $0x85EBCA6B, v6  }
0x21b: {  	v13 =	vsel vm3, $0x1, v1;
	v8 =	vadd.s32 v10, v8;
	v10 =	vsel vm10, $0x1, v1  }
0x21c: {  	vm0 =	vge.f32 v7, $4.226360320e+00;
	v8 =	vadd.s32 v10, v8;
	v14 =	vshrl.u32 v6, $0xD  }
0x21d: {  	v12 =	vsel vm11, $0x1, v1;
	v8 =	vadd.s32 v13, v8;
	v6 =	vxor.u32 v6, v14  }
0x21e: {  	v11 =	vsel vm9, $0x1, v1;
	v8 =	vadd.s32 v12, v8;
	v6 =	vmul.u32 $0xC2B2AE35, v6;
	v15 =	vpop (erf)  }
0x21f: {  	v10 =	vsel vm1, $0x1, v1;
	v8 =	vadd.s32 v11, v8;
	v14 =	vmul.f32 $-5.000000000e-01, v15  }
0x220: {  	v15 =	vsel vm12, $0x1, v1;
	v12 =	vshrl.u32 v6, $0x10;
	v6 =	vand.u32 $0xFFFFFF, v6  }
0x221: {  	v6 =	vxor.u32 v12, v6;
	v8 =	vadd.s32 v15, v8;
	v9 =	vadd.f32 v14, v9  }
0x222: {  	v6 =	vcvt.s32.f32 v6;
	v8 =	vadd.s32 v10, v8;
	v10 =	vsel vm0, $0x1, v1  }
0x223: {  	vm2 =	vge.f32 v7, $4.364527230e+00;
	v8 =	vadd.s32 v10, v8  }
0x224: {  	v10 =	vsel vm2, $0x1, v1;
	v9 =	vmul.f32 $2.500000000e-01, v9;
	v6 =	vmul.f32 $5.960464480e-08, v6  }
0x225: {  	vm3 =	vge.f32 v7, $4.495726590e+00;
	vm1 =	vge.f32 v7, $4.620726590e+00;
	v8 =	vadd.s32 v10, v8  }
0x226: {  	v10 =	vsel vm3, $0x1, v1;
	v9 =	vmul.f32 v9, v9;
	v6 =	vmul.f32 $6.768997960e+01, v6  }
0x227: {  	vm2 =	vlt.f32 v7, $4.620726590e+00;
	v8 =	vadd.s32 v10, v8;
	v10 =	vsel vm1, $0x1, v1  }
0x228: {  	v12 =	vadd.s32 v10, v8;
	v9 =	vmul.f32 v9, v9;
	v7 =	vadd.f32 $3.441285370e+00, v6  }
0x229: {  	vm0 =	vge.f32 v6, $1.000000000e+00;
	vm1 =	vge.f32 v6, $4.080296520e+00;
	vm3 =	vge.f32 v6, $1.594603540e+00  }
0x22a: {  	vm13 =	vge.f32 v6, $2.033294920e+00;
	vm14 =	vge.f32 v6, $2.946765420e+00;
	vm15 =	vge.f32 v6, $2.685918090e+00  }
0x22b: {  	v8 =	vsel vm0, $0x1, v1;
	v10 =	vsel vm3, $0x1, v1;
	v11 =	vmul.f32 $2.500000000e-01, v7  }
0x22c: {  	vm0 =	vge.f32 v6, $4.226360320e+00;
	v9 =	vtrunc.f32 v9;
	v8 =	vadd.s32 v10, v8  }
0x22d: {  	v10 =	vsel vm13, $0x1, v1;
	v9 =	vcvt.f32.s32 v9;
	v13 =	vmul.f32 v11, v11  }
0x22e: {  	s25 =	sadd.s32 $0x10, s22;
	vm3 =	vge.f32 v6, $2.386848210e+00;
	v10 =	vadd.s32 v10, v8;
	v8 =	vsel vm14, $0x1, v1  }
0x22f: {  	v9 =	vsel vm2, v12, v9;
	v12 =	vmov s25;
	v15 =	vmul.f32 v13, v11  }
0x230: {  	s28 =	simm.s32 $0xC0;
	s22 =	simm.s32 $0x20;
	[sflag:s13] =	ssyncset.done $0x0;
	v11 =	vsel vm15, $0x1, v1;
	v13 =	vsel vm3, $0x1, v1;
	vm2 =	vgt.s32 v9, $0x0  }
0x231: {  	s24 =	simm.s32 $0x0;
	s23 =	simm.s32 $0x10;
	[sflag:s13] =	ssyncadd.s32 $0xFFFFC000;
	v14 =	vmul.u32 $0x1715609D, v12;
	v12 =	vnsel vm2, $0x0, v9;
	(erf) = vrcp.f32 v15  }
.LBB2_11:
0x232: {  	s26 =	smov.u32 s28  }
0x233: {  	s29 =	sshra.s32 s28, $0x2;
	vm3 =	vge.f32 v6, $3.389357570e+00;
	vm4 =	vge.f32 v6, $3.759635690e+00;
	vm2 =	vge.f32 v6, $4.364527230e+00;
	s26 =	sadd.s32 $0x40, s28  }
0x234: {  	p0 =	sne.s32 s28, $0x1C0;
	v10 =	vadd.s32 v13, v10;
	v14 =	vbroadcast v14, $0x0;
	v13 =	vsel vm3, $0x1, v1;
	v15 =	vld [tilespmem:s24+$0x0]  }
0x235: {  	vm5 =	vge.f32 v6, $3.179133650e+00;
	v10 =	vadd.s32 v11, v10;
	vm3 =	vge.f32 v6, $4.495726590e+00  }
0x236: {  	vm6 =	vgt.s32 v9, $0x1869E;
	v8 =	vadd.s32 v8, v10;
	v11 =	vadd.s32 v5, v14  }
0x237: {  	v12 =	vmin.u32 v12, $0x1869F;
	v10 =	vsel vm5, $0x1, v1;
	v9 =	vshrl.u32 v11, $0x10  }
0x238: {  	vm5 =	vge.f32 v6, $3.581807850e+00;
	v9 =	vxor.u32 v11, v9;
	v11 =	vadd.s32 $0x1, v12  }
0x239: {  	v14 =	vsel vm4, $0x1, v1;
	v9 =	vmul.u32 $0x85EBCA6B, v9;
	v11 =	vsel vm6, $0x0, v11  }
0x23a: {  	v16 =	vsel vm5, $0x1, v1;
	vm4 =	vge.f32 v6, $3.925195690e+00;
	vm5 =	veq.s32 v12, v15  }
0x23b: {  	v17 =	vsel vm4, $0x1, v1;
	v15 =	vshrl.u32 v9, $0xD;
	v11 =	vsel vm5, v11, v12;
	v18 =	vpop (erf)  }
0x23c: {  	v8 =	vadd.s32 v10, v8;
	v9 =	vxor.u32 v9, v15;
	v12 =	vmul.f32 $-5.000000000e-01, v18;
	[tilespmem:s24+$0x80] =	vst v11;
	s24 =	smov.u32 s23;
	s23 =	smov.u32 s22;
	s22 =	smov.u32 s29  }
0x23d: {  	v10 =	vsel vm1, $0x1, v1;
	v8 =	vadd.s32 v13, v8;
	v9 =	vmul.u32 $0xC2B2AE35, v9  }
0x23e: {  	vm1 =	vge.f32 v6, $4.620726590e+00;
	v8 =	vadd.s32 v16, v8;
	v7 =	vadd.f32 v12, v7  }
0x23f: {  	v8 =	vadd.s32 v14, v8;
	v11 =	vshrl.u32 v9, $0x10;
	v9 =	vand.u32 $0xFFFFFF, v9  }
0x240: {  	v8 =	vadd.s32 v17, v8;
	v9 =	vxor.u32 v11, v9;
	v7 =	vmul.f32 $2.500000000e-01, v7  }
0x241: {  	v8 =	vadd.s32 v10, v8;
	v10 =	vsel vm0, $0x1, v1;
	v9 =	vcvt.s32.f32 v9  }
0x242: {  	v8 =	vadd.s32 v10, v8;
	v10 =	vsel vm2, $0x1, v1;
	v7 =	vmul.f32 v7, v7  }
0x243: {  	v8 =	vadd.s32 v10, v8;
	v10 =	vsel vm3, $0x1, v1;
	v9 =	vmul.f32 $5.960464480e-08, v9  }
0x244: {  	v8 =	vadd.s32 v10, v8;
	v7 =	vmul.f32 v7, v7  }
0x245: {  	v10 =	vsel vm1, $0x1, v1;
	v9 =	vmul.f32 $6.768997960e+01, v9  }
0x246: {  	vm2 =	vlt.f32 v6, $4.620726590e+00;
	v12 =	vadd.s32 v10, v8;
	v11 =	vtrunc.f32 v7  }
0x247: {  	v7 =	vadd.f32 $3.441285370e+00, v9;
	vm0 =	vge.f32 v9, $1.000000000e+00;
	vm1 =	vge.f32 v9, $4.080296520e+00;
	v6 =	vmovc v9  }
0x248: {  	v8 =	vsel vm0, $0x1, v1;
	vm3 =	vge.f32 v6, $1.594603540e+00;
	vm0 =	vge.f32 v6, $4.226360320e+00  }
0x249: {  	v9 =	vmul.f32 $2.500000000e-01, v7;
	v10 =	vsel vm3, $0x1, v1;
	vm3 =	vge.f32 v6, $2.386848210e+00  }
0x24a: {  	vm4 =	vge.f32 v6, $2.033294920e+00;
	vm5 =	vge.f32 v6, $2.946765420e+00;
	v8 =	vadd.s32 v10, v8  }
.Ltmp4:
0x24b: {  	v14 =	vcvt.f32.s32 v11;
	v10 =	vsel vm4, $0x1, v1;
	v13 =	vmul.f32 v9, v9;
	(pc) =	sbr.rel @p0 .LBB2_11-.Ltmp4, $4  }
0x24c: {  	vm4 =	vge.f32 v6, $2.685918090e+00;
	v10 =	vadd.s32 v10, v8;
	v8 =	vsel vm5, $0x1, v1  }
0x24d: {  	s25 =	sadd.s32 $0x10, s25;
	v11 =	vsel vm4, $0x1, v1;
	v15 =	vmul.f32 v13, v9;
	v9 =	vsel vm2, v12, v14  }
0x24e: {  	v12 =	vmov s25;
	v13 =	vsel vm3, $0x1, v1;
	vm2 =	vgt.s32 v9, $0x0  }
0x24f: {  	s28 =	smov.u32 s26;
	v14 =	vmul.u32 $0x1715609D, v12;
	v12 =	vnsel vm2, $0x0, v9;
	(erf) = vrcp.f32 v15  }
0x250: {  	_ = 	snop  }
0x251: {  	v14 =	vbroadcast v14, $0x0;
	_ =	sdelay $0x1  }
0x252: {  	v14 =	vadd.s32 v5, v14  }
0x253: {  	v15 =	vshrl.u32 v14, $0x10  }
0x254: {  	v14 =	vxor.u32 v14, v15  }
0x255: {  	v14 =	vmul.u32 $0x85EBCA6B, v14;
	_ =	sdelay $0x1  }
0x256: {  	v33 =	vshrl.u32 v14, $0xD  }
0x257: {  	v14 =	vxor.u32 v14, v33  }
0x258: {  	vm3 =	vge.f32 v6, $3.389357570e+00;
	v14 =	vmul.u32 $0xC2B2AE35, v14  }
0x259: {  	vm4 =	vge.f32 v6, $3.759635690e+00;
	vm2 =	vge.f32 v6, $4.364527230e+00;
	v10 =	vadd.s32 v13, v10  }
0x25a: {  	vm5 =	vge.f32 v6, $3.179133650e+00;
	v35 =	vshrl.u32 v14, $0x10;
	v14 =	vand.u32 $0xFFFFFF, v14  }
0x25b: {  	vm15 =	vge.f32 v6, $4.495726590e+00;
	vm6 =	vgt.s32 v9, $0x1869E;
	v36 =	vxor.u32 v35, v14  }
0x25c: {  	v40 =	vmin.u32 v12, $0x1869F;
	vm8 =	vge.f32 v6, $3.581807850e+00;
	v38 =	vcvt.s32.f32 v36  }
0x25d: {  	vm9 =	vge.f32 v6, $3.925195690e+00;
	v44 =	vsel vm1, $0x1, v1;
	v10 =	vadd.s32 v11, v10  }
0x25e: {  	vm11 =	vge.f32 v6, $4.620726590e+00;
	v8 =	vadd.s32 v8, v10;
	v10 =	vmul.f32 $5.960464480e-08, v38  }
0x25f: {  	v46 =	vsel vm0, $0x1, v1;
	v34 =	vsel vm3, $0x1, v1;
	v39 =	vsel vm5, $0x1, v1;
	v41 =	vpop (erf)  }
0x260: {  	v37 =	vld [tilespmem:s24+$0x0];
	v12 =	vadd.s32 $0x1, v40;
	v15 =	vmul.f32 $-5.000000000e-01, v41;
	v10 =	vmul.f32 $6.768997960e+01, v10  }
0x261: {  	v16 =	vsel vm4, $0x1, v1;
	v17 =	vsel vm8, $0x1, v1;
	v8 =	vadd.s32 v39, v8  }
0x262: {  	v8 =	vadd.s32 v34, v8;
	v7 =	vadd.f32 v15, v7;
	v43 =	vadd.f32 $3.441285370e+00, v10  }
0x263: {  	v42 =	vsel vm9, $0x1, v1;
	v48 =	vsel vm2, $0x1, v1;
	v8 =	vadd.s32 v17, v8  }
0x264: {  	v8 =	vadd.s32 v16, v8;
	v7 =	vmul.f32 $2.500000000e-01, v7;
	v45 =	vmul.f32 $2.500000000e-01, v43  }
0x265: {  	v12 =	vsel vm6, $0x0, v12;
	vm10 =	veq.s32 v40, v37;
	v8 =	vadd.s32 v42, v8  }
0x266: {  	v8 =	vadd.s32 v44, v8;
	v7 =	vmul.f32 v7, v7;
	v47 =	vmul.f32 v45, v45  }
0x267: {  	v49 =	vsel vm15, $0x1, v1;
	v11 =	vsel vm10, v12, v40;
	v8 =	vadd.s32 v46, v8  }
0x268: {  	v8 =	vadd.s32 v48, v8;
	v7 =	vmul.f32 v7, v7;
	v12 =	vmul.f32 v47, v45  }
0x269: {  	vm12 =	vlt.f32 v6, $4.620726590e+00;
	v50 =	vsel vm11, $0x1, v1;
	v8 =	vadd.s32 v49, v8  }
0x26a: {  	v8 =	vadd.s32 v50, v8;
	v7 =	vtrunc.f32 v7;
	(erf) = vrcp.f32 v12  }
0x26b: {  	vm13 =	vge.f32 v10, $1.000000000e+00;
	vm0 =	vge.f32 v10, $4.080296520e+00;
	vm14 =	vge.f32 v10, $1.594603540e+00  }
0x26c: {  	vm1 =	vge.f32 v10, $4.226360320e+00;
	vm15 =	vge.f32 v10, $2.386848210e+00;
	vm8 =	vge.f32 v10, $2.033294920e+00  }
0x26d: {  	v7 =	vcvt.f32.s32 v7;
	vm9 =	vge.f32 v10, $2.946765420e+00;
	vm10 =	vge.f32 v10, $2.685918090e+00  }
0x26e: {  	vm11 =	vge.f32 v10, $3.389357570e+00;
	v6 =	vsel vm13, $0x1, v1;
	v51 =	vsel vm14, $0x1, v1  }
0x26f: {  	v52 =	vsel vm8, $0x1, v1;
	v53 =	vsel vm9, $0x1, v1;
	v54 =	vsel vm10, $0x1, v1  }
0x270: {  	v55 =	vsel vm15, $0x1, v1;
	v57 =	vsel vm11, $0x1, v1;
	vm13 =	vge.f32 v10, $3.179133650e+00  }
0x271: {  	vm14 =	vge.f32 v10, $4.495726590e+00;
	vm9 =	vge.f32 v10, $3.581807850e+00;
	vm10 =	vge.f32 v10, $3.925195690e+00  }
0x272: {  	v63 =	vsel vm0, $0x1, v1;
	v6 =	vadd.s32 v51, v6;
	v7 =	vsel vm12, v8, v7  }
0x273: {  	vm12 =	vge.f32 v10, $3.759635690e+00;
	v6 =	vadd.s32 v52, v6;
	vm2 =	vgt.s32 v7, $0x0;
	v58 =	vpop (erf)  }
0x274: {  	vm15 =	vgt.s32 v7, $0x1869E;
	v6 =	vadd.s32 v55, v6;
	v60 =	vmul.f32 $-5.000000000e-01, v58  }
0x275: {  	[tilespmem:s24+$0x80] =	vst v11;
	v62 =	vsel vm12, $0x1, v1;
	v56 =	vnsel vm2, $0x0, v7;
	v6 =	vadd.s32 v54, v6  }
0x276: {  	v59 =	vld [tilespmem:s23+$0x0];
	v7 =	vsel vm13, $0x1, v1;
	v6 =	vadd.s32 v53, v6;
	v8 =	vadd.f32 v60, v43  }
0x277: {  	vm12 =	vge.f32 v10, $4.620726590e+00;
	v61 =	vmin.u32 v56, $0x1869F;
	v6 =	vadd.s32 v7, v6  }
0x278: {  	v7 =	vsel vm9, $0x1, v1;
	v6 =	vadd.s32 v57, v6;
	v8 =	vmul.f32 $2.500000000e-01, v8  }
0x279: {  	vm2 =	vge.f32 v10, $4.364527230e+00;
	v14 =	vadd.s32 $0x1, v61;
	v6 =	vadd.s32 v7, v6  }
0x27a: {  	v7 =	vsel vm10, $0x1, v1;
	v6 =	vadd.s32 v62, v6;
	v8 =	vmul.f32 v8, v8  }
0x27b: {  	vm11 =	veq.s32 v61, v59;
	v14 =	vsel vm15, $0x0, v14;
	v6 =	vadd.s32 v7, v6  }
0x27c: {  	v7 =	vsel vm1, $0x1, v1;
	v6 =	vadd.s32 v63, v6;
	v8 =	vmul.f32 v8, v8  }
0x27d: {  	v9 =	vsel vm11, v14, v61;
	v6 =	vadd.s32 v7, v6;
	v7 =	vsel vm2, $0x1, v1  }
0x27e: {  	v6 =	vadd.s32 v7, v6;
	v7 =	vsel vm14, $0x1, v1;
	v8 =	vtrunc.f32 v8  }
0x27f: {  	v6 =	vadd.s32 v7, v6;
	v7 =	vsel vm12, $0x1, v1;
	v8 =	vcvt.f32.s32 v8  }
0x280: {  	vm13 =	vlt.f32 v10, $4.620726590e+00;
	[tilespmem:s23+$0x80] =	vst v9;
	v6 =	vadd.s32 v7, v6  }
0x281: {  	v7 =	vld [tilespmem:s22+$0x0];
	v6 =	vsel vm13, v6, v8  }
0x282: {  	vm0 =	vgt.s32 v6, $0x0  }
0x283: {  	v8 =	vnsel vm0, $0x0, v6  }
0x284: {  	v8 =	vmin.u32 v8, $0x1869F  }
0x285: {  	vm14 =	vgt.s32 v6, $0x1869E;
	v6 =	vadd.s32 $0x1, v8  }
0x286: {  	vm15 =	veq.s32 v8, v7;
	v6 =	vsel vm14, $0x0, v6  }
0x287: {  	v6 =	vsel vm15, v6, v8  }
0x288: {  	[tilespmem:s22+$0x80] =	vst v6  }
0x289: {  	[tilespmem:s15], [sflag:$0x1] =	stream.indirect.gather [hbm4b:s1+s14], $0x80, s14, s14, $0xb8;
	[tilespmem:$0x8100] =	vst v63  }
0x28a: {  	s20 =	sadd.s32 $0x1, s20;
	_ =	swait.ge [sflag:s17], $0x4000  }
0x28b: {  	p0 =	sne.s32 s20, $0x4;
	[sflag:s17] =	ssyncset.done $0x0  }
.Ltmp5:
0x28c: {  	s21 =	sadd.s32 s21, s11;
	[sflag:s17] =	ssyncadd.s32 $0xFFFFC000;
	(pc) =	sbr.rel @p0 .LBB2_2-.Ltmp5, $4  }
0x28d: {  	[hbm4b:s21+s3] =	stream.linear.scatter [tilespmem:s15], [sflag:$0x2], $0x4000, $0x38;
	[tilespmem:$0x8100] =	vst v63  }
0x28e: {  	_ =	swait.ge [sflag:s13], $0x4000  }
0x28f: {  	[sflag:s13] =	ssyncset.done $0x0  }
0x290: {  	s19 =	sadd.s32 $0x80, s19;
	[sflag:s13] =	ssyncadd.s32 $0xFFFFC000  }
0x291: {  	s18 =	sadd.s32 $0x1, s18  }
0x292: {  	p0 =	sne.s32 s18, s12  }
.Ltmp6:
0x293: {  	_ = 	snop;
	(pc) =	sbr.rel @p0 .LBB2_1-.Ltmp6, $1  }
0x294: {  	_ =	sdelay $0x3  }
0x295: {  	_ =	sfence.sel $0x180000  }
0x296: {  	[bflag:$0x0] =	sbarrier.arrive $0xFFFF  }
0x297: {  	p0 =	sne.s32 s4, $0x0;
	_ =	strace $0x90000047  }
0x298: {  	s0 =	sadd.s32 @!p0 $0x100000, s0;
	[bflag:$0x2] =	sbarrier.arrive $0xFFFF  }
0x299: {  	[sflag:s0] =	ssyncadd.tile.s32 @!p0 $0x1;
	_ =	shalt  }
.Lfunc_end2:
_tile_overlayer_lowered:
.L_overlay_start_2:
0x29a: {  	(tag) =	ssettag $0x2  }
0x29b: {  	s0 =	rddreg [dreg:$0x0];
	s2 =	stileid.u32  }
0x29c: {  	s1 =	rddreg [dreg:$0x1];
	p0 =	sne.s32 s2, $0x0  }
0x29d: {  	s3 =	rddreg [dreg:$0x2];
	[bflag:$0x3] =	sbarrier.arrive $0xFFFF;
	s2 =	simm.s32 @!p0 $0x1C02  }
0x29e: {  	[timem:s3], [sflag:s2] =	dma.local @!p0 [hbm:s0], s1  }
0x29f: {  	s0 =	simm.s32 @!p0 $0x2  }
0x2a0: {  	_ =	swait.ge @!p0 [sflag:s0], s1  }
0x2a1: {  	s1 =	ssub.s32 @!p0 $0x0, s1;
	[sflag:s0] =	ssyncset.done @!p0 $0x0  }
0x2a2: {  	[sflag:s0] =	ssyncadd.s32 @!p0 s1  }
0x2a3: {  	[bflag:$0x3] =	sbarrier.arrive $0xFFFF  }
0x2a4: {  	_ =	shalt  }

</sc_bundles>
